<compile_context>
chip_gen: v7x
topology: tpu7x:2x2x1
jax: 0.10.2.dev20260603
libtpu: 0.0.44.dev20260713+nightly
codegen_flags: <defaults>
</compile_context>

<pallas_src>
import functools

import jax
import jax.numpy as jnp
from jax import lax
from jax.experimental import pallas as pl
from jax.experimental.pallas import tpu as pltpu
from jax.experimental.pallas import tpu_sc as plsc

N = 10000
E = 320000
D = 128
H = 4
C = D // H
HP = D + 16
BLK = 400
CH = 64
NCORES = 2
NSUB = 16
NW = NCORES * NSUB
NCHUNKS = E // CH
ZR = 632


def _pre_body(x_ref, wg_ref, s_ref, hp_ref, adst_ref):
    h = jnp.dot(x_ref[...], wg_ref[...], preferred_element_type=jnp.float32)
    a = jnp.dot(h, s_ref[...], preferred_element_type=jnp.float32)
    hp_ref[:, 0:D] = h
    hp_ref[:, D:HP] = a
    adst_ref[...] = a


def _acc_slabs(nrows):
    slabs = []
    off = 0
    while off < nrows:
        sz = min(CH, nrows - off)
        slabs.append((off, sz))
        off += sz
    return slabs


def _sc_body(hp_hbm, adst_hbm, ep_hbm, out_hbm,
             acc, ep0, dsc0, dsc1, rows0, rows1, arow0, arow1,
             out_v, wtab, sem0, sem1, sem_s):
    c = lax.axis_index("c")
    s = lax.axis_index("s")
    wid = c * NSUB + s

    def _zero(t, carry):
        out_v[t // 9, pl.ds((t % 9) * 16, 16)] = jnp.zeros((16,), jnp.float32)
        return carry
    lax.fori_loop(0, CH * 9, _zero, 0)
    base = s * ZR
    last = NSUB - 1

    def _zero_acc(nrows):
        def go():
            for off, sz in _acc_slabs(nrows):
                pltpu.sync_copy(out_v.at[pl.ds(0, sz)],
                                acc.at[pl.ds(base + off, sz)])
        return go
    pl.when(s < last)(_zero_acc(ZR))
    pl.when(s == last)(_zero_acc(N - last * ZR))
    plsc.subcore_barrier()

    iota16 = lax.iota(jnp.int32, 16)

    def fire_ids(jp):
        pltpu.sync_copy(ep_hbm.at[jp], ep0)

    def fire_gathers(half, rows_b, arow_b, sem_b):
        src_ix = ep0.at[0, pl.ds(half * CH, CH)]
        dst_ix = ep0.at[1, pl.ds(half * CH, CH)]
        pltpu.async_copy(hp_hbm.at[src_ix], rows_b, sem_b)
        pltpu.async_copy(adst_hbm.at[dst_ix], arow_b, sem_b)

    def stash(dsc_b, half):
        for j in range(CH // 16):
            dsc_b[0, pl.ds(j * 16, 16)] = ep0[1, pl.ds(half * CH + j * 16, 16)]

    def drain_gathers(rows_b, arow_b, sem_b):
        pltpu.make_async_copy(hp_hbm.at[pl.ds(0, CH)], rows_b, sem_b).wait()
        pltpu.make_async_copy(adst_hbm.at[pl.ds(0, CH)], arow_b, sem_b).wait()

    def drain_scatter():
        pltpu.make_async_copy(hp_hbm.at[pl.ds(0, CH)], out_v, sem_s).wait()

    def weights_phase(rows_b, arow_b):
        @plsc.parallel_loop(0, (CH // 16) * H, unroll=4)
        def _weights(t):
            g = t >> 2
            h = t & (H - 1)
            rid = iota16 + g * 16
            a_s = plsc.load_gather(
                rows_b, [rid, jnp.full((16,), D, jnp.int32) + h])
            a_d = plsc.load_gather(
                arow_b, [rid, jnp.full((16,), H, jnp.int32) + h])
            e = a_s + a_d
            e = jnp.where(e > 0, e, 0.2 * e)
            wtab[t, pl.ds(0, 16)] = jnp.exp(e)

    def scale_phase(rows_b, dsc_b):
        @plsc.parallel_loop(0, (CH // 16) * D, unroll=8)
        def _scale(t):
            g = t >> 7
            col = t & (D - 1)
            rid = iota16 + g * 16
            wv = wtab[(g << 2) | (col >> 5), pl.ds(0, 16)]
            ci = jnp.full((16,), 0, jnp.int32) + col
            vals = plsc.load_gather(rows_b, [rid, ci])
            plsc.store_scatter(out_v, [rid, ci], vals * wv)
        @plsc.parallel_loop(0, (CH // 16) * H, unroll=4)
        def _dens(t):
            g = t >> 2
            h = t & (H - 1)
            rid = iota16 + g * 16
            plsc.store_scatter(
                out_v, [rid, jnp.full((16,), D, jnp.int32) + h],
                wtab[t, pl.ds(0, 16)])
        pltpu.async_copy(out_v, acc.at[dsc_b.at[0]], sem_s, add=True)

    percore = NCHUNKS // NW
    extra = NCHUNKS - percore * NW
    lo = percore * wid + 2 * jnp.minimum(wid, extra // 2)
    np_pairs = jnp.where(wid < extra // 2, (percore + 2) // 2, percore // 2)
    jlo = lo // 2

    fire_ids(jlo)
    fire_gathers(0, rows0, arow0, sem0)

    def pair_body(p, carry):
        fire_gathers(1, rows1, arow1, sem1)
        drain_gathers(rows0, arow0, sem0)
        stash(dsc0, 0)
        weights_phase(rows0, arow0)
        pl.when(p > 0)(drain_scatter)
        scale_phase(rows0, dsc0)
        drain_gathers(rows1, arow1, sem1)
        stash(dsc1, 1)

        def _next():
            fire_ids(jlo + p + 1)
            fire_gathers(0, rows0, arow0, sem0)
        pl.when(p < np_pairs - 1)(_next)
        weights_phase(rows1, arow1)
        drain_scatter()
        scale_phase(rows1, dsc1)
        return carry
    lax.fori_loop(0, np_pairs, pair_body, 0)
    drain_scatter()

    plsc.subcore_barrier()

    def _flush(nrows):
        def go():
            for off, sz in _acc_slabs(nrows):
                pltpu.sync_copy(acc.at[pl.ds(base + off, sz)],
                                out_hbm.at[c, pl.ds(base + off, sz)])
        return go
    pl.when(s < last)(_flush(ZR))
    pl.when(s == last)(_flush(N - last * ZR))


def _ln(y, g, b):
    mu = jnp.mean(y, axis=-1, keepdims=True)
    var = jnp.mean((y - mu) ** 2, axis=-1, keepdims=True)
    return (y - mu) / jnp.sqrt(var + 1e-5) * g + b


def _post_body(hp_ref, p0_ref, p1_ref, x_ref, e4_ref, bg_ref, g1_ref, bb1_ref,
               w1_ref, b1_ref, w2_ref, b2_ref, g2_ref, bb2_ref, out_ref):
    hp = hp_ref[...]
    h = hp[:, 0:D]
    eself = hp[:, D:D + H] + hp[:, D + H:D + 2 * H]
    wself = jnp.exp(jnp.where(eself > 0, eself, 0.2 * eself))
    den4 = p0_ref[:, D:D + H] + p1_ref[:, D:D + H] + wself
    e4 = e4_ref[...]
    num = (p0_ref[:, 0:D] + p1_ref[:, 0:D]
           + jnp.dot(wself, e4, preferred_element_type=jnp.float32) * h)
    den = jnp.dot(den4, e4, preferred_element_type=jnp.float32) + 1e-16
    gat = num / den + bg_ref[...]
    h1 = _ln(gat + x_ref[...], g1_ref[...], bb1_ref[...])
    t = jnp.dot(h1, w1_ref[...], preferred_element_type=jnp.float32) + b1_ref[...]
    t = 0.5 * t * (1.0 + lax.erf(t * 0.7071067811865476))
    f = jnp.dot(t, w2_ref[...], preferred_element_type=jnp.float32) + b2_ref[...]
    out_ref[...] = _ln(f + h1, g2_ref[...], bb2_ref[...])


def kernel(x, edge_index, W_gat, att_src, att_dst, bias_gat,
           ln1_g, ln1_b, W1, b1, W2, b2, ln2_g, ln2_b):
    f32 = jnp.float32
    cidx = jnp.arange(D)
    head_of = cidx // C
    sel = jnp.zeros((D, HP - D), f32)
    sel = sel.at[cidx, head_of].set(att_src.reshape(-1))
    sel = sel.at[cidx, H + head_of].set(att_dst.reshape(-1))
    e4 = (head_of[None, :] == jnp.arange(H)[:, None]).astype(f32)

    grid = N // BLK
    row_spec = lambda w: pl.BlockSpec((BLK, w), lambda i: (i, 0))
    full_spec = lambda a, b: pl.BlockSpec((a, b), lambda i: (0, 0))

    hp, adst = pl.pallas_call(
        _pre_body,
        grid=(grid,),
        in_specs=[row_spec(D), full_spec(D, D), full_spec(D, HP - D)],
        out_specs=[row_spec(HP), row_spec(HP - D)],
        out_shape=[jax.ShapeDtypeStruct((N, HP), f32),
                   jax.ShapeDtypeStruct((N, HP - D), f32)],
    )(x, W_gat, sel)

    ep = jnp.stack([edge_index[0].reshape(NCHUNKS // 2, 2 * CH),
                    edge_index[1].reshape(NCHUNKS // 2, 2 * CH)], axis=1)

    mesh = plsc.VectorSubcoreMesh(core_axis_name="c", subcore_axis_name="s")
    part = pl.kernel(
        _sc_body,
        out_type=jax.ShapeDtypeStruct((NCORES, N, HP), f32),
        mesh=mesh,
        scratch_types=[
            pltpu.VMEM_SHARED((N, HP), f32),
            pltpu.VMEM((2, 2 * CH), jnp.int32),
            pltpu.VMEM((1, CH), jnp.int32),
            pltpu.VMEM((1, CH), jnp.int32),
            pltpu.VMEM((CH, HP), f32),
            pltpu.VMEM((CH, HP), f32),
            pltpu.VMEM((CH, HP - D), f32),
            pltpu.VMEM((CH, HP - D), f32),
            pltpu.VMEM((CH, HP), f32),
            pltpu.VMEM(((CH // 16) * H, 16), f32),
            pltpu.SemaphoreType.DMA,
            pltpu.SemaphoreType.DMA,
            pltpu.SemaphoreType.DMA,
        ],
        compiler_params=pltpu.CompilerParams(use_tc_tiling_on_sc=False,
                                             needs_layout_passes=False),
    )(hp, adst, ep)

    r1 = lambda v: v.reshape(1, -1)
    out = pl.pallas_call(
        _post_body,
        grid=(grid,),
        in_specs=[row_spec(HP), row_spec(HP), row_spec(HP), row_spec(D),
                  full_spec(H, D), full_spec(1, D), full_spec(1, D),
                  full_spec(1, D), full_spec(D, 2 * D), full_spec(1, 2 * D),
                  full_spec(2 * D, D), full_spec(1, D), full_spec(1, D),
                  full_spec(1, D)],
        out_specs=row_spec(D),
        out_shape=jax.ShapeDtypeStruct((N, D), f32),
    )(hp, part[0, :N], part[1, :N], x, e4, r1(bias_gat), r1(ln1_g), r1(ln1_b),
      W1, r1(b1), W2, r1(b2), r1(ln2_g), r1(ln2_b))
    return out

# --- scband reference (transcript-rebuilt; emitter-appended) ---
"""Pipeline reference for scband-residual-graph-layer-56143812493336 (READ-ONLY COPY).

The authoritative reference and input builder live on the scoring server;
editing this copy changes nothing except your own understanding.
"""

import jax, jax.numpy as jnp
import numpy as np

N = 10000
E = 320000
D = 128
H = 4
C = D // H


def layer_norm(x, g, b):
    mu = jnp.mean(x, axis=-1, keepdims=True)
    var = jnp.mean((x - mu) ** 2, axis=-1, keepdims=True)
    return (x - mu) / jnp.sqrt(var + 1e-5) * g + b


def setup_inputs(seed: int = 0):
    key = jax.random.key(seed)
    ks = jax.random.split(key, 10)
    inp = {}
    inp["x"] = jax.random.normal(ks[0], (N, D), jnp.float32)
    inp["edge_index"] = jax.random.randint(ks[1], (2, E), 0, N, jnp.int32)
    inp["W_gat"] = jax.random.normal(ks[2], (D, H * C), jnp.float32) * 0.08
    inp["att_src"] = jax.random.normal(ks[3], (H, C), jnp.float32) * 0.1
    inp["att_dst"] = jax.random.normal(ks[4], (H, C), jnp.float32) * 0.1
    inp["bias_gat"] = jnp.zeros((H * C,), jnp.float32)
    inp["ln1_g"] = jnp.ones((D,), jnp.float32)
    inp["ln1_b"] = jnp.zeros((D,), jnp.float32)
    inp["W1"] = jax.random.normal(ks[5], (D, 2 * D), jnp.float32) * 0.05
    inp["b1"] = jnp.zeros((2 * D,), jnp.float32)
    inp["W2"] = jax.random.normal(ks[6], (2 * D, D), jnp.float32) * 0.05
    inp["b2"] = jnp.zeros((D,), jnp.float32)
    inp["ln2_g"] = jnp.ones((D,), jnp.float32)
    inp["ln2_b"] = jnp.zeros((D,), jnp.float32)
    return inp


def gat_conv(x, edge_index, W_gat, att_src, att_dst, bias_gat):
    n = x.shape[0]
    loop = jnp.arange(n, dtype=edge_index.dtype)
    src = jnp.concatenate([edge_index[0], loop])
    dst = jnp.concatenate([edge_index[1], loop])
    h = (x @ W_gat).reshape(n, H, C)
    a_src = jnp.sum(h * att_src[None], axis=-1)
    a_dst = jnp.sum(h * att_dst[None], axis=-1)
    e = jax.nn.leaky_relu(a_src[src] + a_dst[dst], negative_slope=0.2)
    m = jax.lax.stop_gradient(jax.ops.segment_max(e, dst, num_segments=n))
    ex = jnp.exp(e - m[dst])
    s = jax.ops.segment_sum(ex, dst, num_segments=n)
    alpha = ex / (s[dst] + 1e-16)
    msg = h[src] * alpha[..., None]
    out = jax.ops.segment_sum(msg, dst, num_segments=n)
    return out.reshape(n, H * C) + bias_gat


def reference(x, edge_index, W_gat, att_src, att_dst, bias_gat, ln1_g, ln1_b, W1, b1, W2, b2, ln2_g, ln2_b):
    res = x
    h = gat_conv(x, edge_index, W_gat, att_src, att_dst, bias_gat)
    h = layer_norm(h + res, ln1_g, ln1_b)
    res2 = h
    f = jax.nn.gelu(h @ W1 + b1, approximate=False) @ W2 + b2
    return layer_norm(f + res2, ln2_g, ln2_b)

if __name__ == "__main__":
    import jax
    _d = setup_inputs()
    print(jax.jit(kernel)(*tuple(_d.values())))

</pallas_src>

<mosaic_0001>
#map = affine_map<(d0, d1) -> (0, 0)>
#map1 = affine_map<(d0, d1) -> (0, 0, 0)>
module attributes {stable_mosaic.version = 14 : i64} {
  func.func @_sc_body(%arg0: i32, %arg1: i32, %arg2: memref<10000x144xf32, #tpu.memory_space<hbm>>, %arg3: memref<10000x16xf32, #tpu.memory_space<hbm>>, %arg4: memref<2500x2x128xi32, #tpu.memory_space<hbm>>, %arg5: memref<2x10000x144xf32, #tpu.memory_space<hbm>>, %arg6: memref<10000x144xf32, #tpu.memory_space<vmem_shared>>, %arg7: memref<2x128xi32, #tpu.memory_space<vmem>>, %arg8: memref<1x64xi32, #tpu.memory_space<vmem>>, %arg9: memref<1x64xi32, #tpu.memory_space<vmem>>, %arg10: memref<64x144xf32, #tpu.memory_space<vmem>>, %arg11: memref<64x144xf32, #tpu.memory_space<vmem>>, %arg12: memref<64x16xf32, #tpu.memory_space<vmem>>, %arg13: memref<64x16xf32, #tpu.memory_space<vmem>>, %arg14: memref<64x144xf32, #tpu.memory_space<vmem>>, %arg15: memref<16x16xf32, #tpu.memory_space<vmem>>, %arg16: memref<!tpu.dma_semaphore, #tpu.memory_space<semaphore_mem>>, %arg17: memref<!tpu.dma_semaphore, #tpu.memory_space<semaphore_mem>>, %arg18: memref<!tpu.dma_semaphore, #tpu.memory_space<semaphore_mem>>) attributes {dimension_semantics = [#tpu.dimension_semantics<core_parallel>, #tpu.dimension_semantics<subcore_parallel>], iteration_bounds = array<i64: 2, 16>, scalar_prefetch = 0 : i64, scratch_operands = 13 : i64, tpu.core_type = #tpu.core_type<sc_vector_subcore>, window_params = [{transform_indices = #map}, {transform_indices = #map}, {transform_indices = #map1}, {transform_indices = #map1}]} {
    %mul3A = arith.constant 16 : i32
    %mul3A_0 = arith.muli %arg0, %mul3A : i32
    %add3A = arith.addi %mul3A_0, %arg1 : i32
    %scan3A = arith.constant 0 : i32
    %scan3A_1 = arith.constant 0 : i32
    %scan3A_2 = arith.constant 576 : i32
    %scan3A_3 = arith.addi %scan3A_1, %scan3A_2 : i32
    %scan3A_4 = arith.constant 1 : i32
    scf.for %scan3A_79 = %scan3A_1 to %scan3A_3 step %scan3A_4  : i32 {
      %broadcast_in_dim3A = arith.constant 0.000000e+00 : f32
      %broadcast_in_dim3A_80 = vector.broadcast %broadcast_in_dim3A : f32 to vector<16xf32>
      %jit3A_81 = arith.constant 9 : i32
      %div3A_82 = arith.divsi %scan3A_79, %jit3A_81 : i32
      %sign3A_83 = arith.constant 0 : i32
      %sign3A_84 = arith.cmpi sgt, %scan3A_79, %sign3A_83 : i32
      %sign3A_85 = arith.extui %sign3A_84 : i1 to i32
      %sign3A_86 = arith.constant 0 : i32
      %sign3A_87 = arith.cmpi slt, %scan3A_79, %sign3A_86 : i32
      %sign3A_88 = arith.extui %sign3A_87 : i1 to i32
      %sign3A_89 = arith.subi %sign3A_85, %sign3A_88 : i32
      %sign3A_90 = arith.constant 0 : i32
      %sign3A_91 = arith.cmpi sgt, %jit3A_81, %sign3A_90 : i32
      %sign3A_92 = arith.extui %sign3A_91 : i1 to i32
      %sign3A_93 = arith.constant 0 : i32
      %sign3A_94 = arith.cmpi slt, %jit3A_81, %sign3A_93 : i32
      %sign3A_95 = arith.extui %sign3A_94 : i1 to i32
      %sign3A_96 = arith.subi %sign3A_92, %sign3A_95 : i32
      %ne3A_97 = arith.cmpi ne, %sign3A_89, %sign3A_96 : i32
      %rem3A_98 = arith.remsi %scan3A_79, %jit3A_81 : i32
      %ne3A_99 = arith.constant 0 : i32
      %ne3A_100 = arith.cmpi ne, %rem3A_98, %ne3A_99 : i32
      %and3A_101 = arith.andi %ne3A_97, %ne3A_100 : i1
      %sub3A_102 = arith.constant 1 : i32
      %sub3A_103 = arith.subi %div3A_82, %sub3A_102 : i32
      %select_n3A_104 = arith.select %and3A_101, %sub3A_103, %div3A_82 : i32
      %jit3A_105 = arith.constant 9 : i32
      %eq3A_106 = arith.constant 0 : i32
      %eq3A_107 = arith.cmpi eq, %jit3A_105, %eq3A_106 : i32
      %jit3A_108 = arith.constant 1 : i32
      %select_n3A_109 = arith.select %eq3A_107, %jit3A_108, %jit3A_105 : i32
      %rem3A_110 = arith.remsi %scan3A_79, %select_n3A_109 : i32
      %ne3A_111 = arith.constant 0 : i32
      %ne3A_112 = arith.cmpi ne, %rem3A_110, %ne3A_111 : i32
      %lt3A_113 = arith.constant 0 : i32
      %lt3A_114 = arith.cmpi slt, %rem3A_110, %lt3A_113 : i32
      %lt3A_115 = arith.constant 0 : i32
      %lt3A_116 = arith.cmpi slt, %select_n3A_109, %lt3A_115 : i32
      %ne3A_117 = arith.xori %lt3A_114, %lt3A_116 : i1
      %and3A_118 = arith.andi %ne3A_117, %ne3A_112 : i1
      %add3A_119 = arith.addi %rem3A_110, %select_n3A_109 : i32
      %select_n3A_120 = arith.select %and3A_118, %add3A_119, %rem3A_110 : i32
      %mul3A_121 = arith.constant 16 : i32
      %mul3A_122 = arith.muli %select_n3A_120, %mul3A_121 : i32
      %swap3A = arith.index_cast %select_n3A_104 : i32 to index
      %swap3A_123 = arith.index_cast %mul3A_122 : i32 to index
      %swap3A_124 = tpu.vector_load %arg14[%swap3A, %swap3A_123] {strides = array<i32>} : memref<64x144xf32, #tpu.memory_space<vmem>>, vector<16xf32>,
      tpu.vector_store %arg14[%swap3A, %swap3A_123], %broadcast_in_dim3A_80 {strides = array<i32>} : memref<64x144xf32, #tpu.memory_space<vmem>>, vector<16xf32>,
    }
    %scan3A_5 = arith.constant 576 : i32
    %mul3A_6 = arith.constant 632 : i32
    %mul3A_7 = arith.muli %arg1, %mul3A_6 : i32
    %lt3A = arith.constant 15 : i32
    %lt3A_8 = arith.cmpi slt, %arg1, %lt3A : i32
    %convert_element_type3A = arith.extui %lt3A_8 : i1 to i32
    %cond3A = arith.constant 0 : i32
    %cond3A_9 = arith.cmpi ne, %convert_element_type3A, %cond3A : i32
    scf.if %cond3A_9 {
      %add3A_79 = arith.constant 0 : i32
      %add3A_80 = arith.addi %mul3A_7, %add3A_79 : i32
      "tpu.region"() ({
        %run_scoped3A = tpu.sem_alloc : memref<!tpu.dma_semaphore, #tpu.memory_space<semaphore_mem>>
        %dma_start3A_99 = arith.constant 0 : i32
        %dma_start3A_100 = arith.constant 0 : i32
        %dma_start3A_101 = tpu.memref_slice %arg14[%dma_start3A_99, %dma_start3A_100] : memref<64x144xf32, #tpu.memory_space<vmem>> -> memref<64x144xf32, #tpu.memory_space<vmem>>
        %dma_start3A_102 = arith.constant 0 : i32
        %dma_start3A_103 = tpu.memref_slice %arg6[%add3A_80, %dma_start3A_102] : memref<10000x144xf32, #tpu.memory_space<vmem_shared>> -> memref<64x144xf32, #tpu.memory_space<vmem_shared>>
        %dma_start3A_104 = arith.constant 0 : i32
        %dma_start3A_105 = tpu.memref_slice %arg6[%add3A_80, %dma_start3A_104] : memref<10000x144xf32, #tpu.memory_space<vmem_shared>> -> memref<64x144xf32, #tpu.memory_space<vmem_shared>>
        %dma_start3A_106 = arith.constant 0 : i32
        %dma_start3A_107 = arith.constant 0 : i32
        %dma_start3A_108 = tpu.memref_slice %arg14[%dma_start3A_106, %dma_start3A_107] : memref<64x144xf32, #tpu.memory_space<vmem>> -> memref<64x144xf32, #tpu.memory_space<vmem>>
        tpu.enqueue_dma source(%dma_start3A_108 : memref<64x144xf32, #tpu.memory_space<vmem>>) target(%dma_start3A_105 : memref<64x144xf32, #tpu.memory_space<vmem_shared>>) target_semaphore(%run_scoped3A : memref<!tpu.dma_semaphore, #tpu.memory_space<semaphore_mem>>)
        %dma_wait3A_109 = arith.constant 0 : i32
        %dma_wait3A_110 = arith.constant 0 : i32
        %dma_wait3A_111 = tpu.memref_slice %arg14[%dma_wait3A_109, %dma_wait3A_110] : memref<64x144xf32, #tpu.memory_space<vmem>> -> memref<64x144xf32, #tpu.memory_space<vmem>>
        %dma_wait3A_112 = arith.constant 0 : i32
        %dma_wait3A_113 = tpu.memref_slice %arg6[%add3A_80, %dma_wait3A_112] : memref<10000x144xf32, #tpu.memory_space<vmem_shared>> -> memref<64x144xf32, #tpu.memory_space<vmem_shared>>
        %dma_wait3A_114 = arith.constant 0 : i32
        %dma_wait3A_115 = tpu.memref_slice %arg6[%add3A_80, %dma_wait3A_114] : memref<10000x144xf32, #tpu.memory_space<vmem_shared>> -> memref<64x144xf32, #tpu.memory_space<vmem_shared>>
        %dma_wait3A_116 = arith.constant 0 : i32
        %dma_wait3A_117 = arith.constant 0 : i32
        %dma_wait3A_118 = tpu.memref_slice %arg14[%dma_wait3A_116, %dma_wait3A_117] : memref<64x144xf32, #tpu.memory_space<vmem>> -> memref<64x144xf32, #tpu.memory_space<vmem>>
        tpu.wait_dma2 semaphore(%run_scoped3A : memref<!tpu.dma_semaphore, #tpu.memory_space<semaphore_mem>>) src(%dma_wait3A_118 : memref<64x144xf32, #tpu.memory_space<vmem>>) dst(%dma_wait3A_115 : memref<64x144xf32, #tpu.memory_space<vmem_shared>>)
        tpu.yield
      }) : () -> ()
      %add3A_81 = arith.constant 64 : i32
      %add3A_82 = arith.addi %mul3A_7, %add3A_81 : i32
      "tpu.region"() ({
        %run_scoped3A = tpu.sem_alloc : memref<!tpu.dma_semaphore, #tpu.memory_space<semaphore_mem>>
        %dma_start3A_99 = arith.constant 0 : i32
        %dma_start3A_100 = arith.constant 0 : i32
        %dma_start3A_101 = tpu.memref_slice %arg14[%dma_start3A_99, %dma_start3A_100] : memref<64x144xf32, #tpu.memory_space<vmem>> -> memref<64x144xf32, #tpu.memory_space<vmem>>
        %dma_start3A_102 = arith.constant 0 : i32
        %dma_start3A_103 = tpu.memref_slice %arg6[%add3A_82, %dma_start3A_102] : memref<10000x144xf32, #tpu.memory_space<vmem_shared>> -> memref<64x144xf32, #tpu.memory_space<vmem_shared>>
        %dma_start3A_104 = arith.constant 0 : i32
        %dma_start3A_105 = tpu.memref_slice %arg6[%add3A_82, %dma_start3A_104] : memref<10000x144xf32, #tpu.memory_space<vmem_shared>> -> memref<64x144xf32, #tpu.memory_space<vmem_shared>>
        %dma_start3A_106 = arith.constant 0 : i32
        %dma_start3A_107 = arith.constant 0 : i32
        %dma_start3A_108 = tpu.memref_slice %arg14[%dma_start3A_106, %dma_start3A_107] : memref<64x144xf32, #tpu.memory_space<vmem>> -> memref<64x144xf32, #tpu.memory_space<vmem>>
        tpu.enqueue_dma source(%dma_start3A_108 : memref<64x144xf32, #tpu.memory_space<vmem>>) target(%dma_start3A_105 : memref<64x144xf32, #tpu.memory_space<vmem_shared>>) target_semaphore(%run_scoped3A : memref<!tpu.dma_semaphore, #tpu.memory_space<semaphore_mem>>)
        %dma_wait3A_109 = arith.constant 0 : i32
        %dma_wait3A_110 = arith.constant 0 : i32
        %dma_wait3A_111 = tpu.memref_slice %arg14[%dma_wait3A_109, %dma_wait3A_110] : memref<64x144xf32, #tpu.memory_space<vmem>> -> memref<64x144xf32, #tpu.memory_space<vmem>>
        %dma_wait3A_112 = arith.constant 0 : i32
        %dma_wait3A_113 = tpu.memref_slice %arg6[%add3A_82, %dma_wait3A_112] : memref<10000x144xf32, #tpu.memory_space<vmem_shared>> -> memref<64x144xf32, #tpu.memory_space<vmem_shared>>
        %dma_wait3A_114 = arith.constant 0 : i32
        %dma_wait3A_115 = tpu.memref_slice %arg6[%add3A_82, %dma_wait3A_114] : memref<10000x144xf32, #tpu.memory_space<vmem_shared>> -> memref<64x144xf32, #tpu.memory_space<vmem_shared>>
        %dma_wait3A_116 = arith.constant 0 : i32
        %dma_wait3A_117 = arith.constant 0 : i32
        %dma_wait3A_118 = tpu.memref_slice %arg14[%dma_wait3A_116, %dma_wait3A_117] : memref<64x144xf32, #tpu.memory_space<vmem>> -> memref<64x144xf32, #tpu.memory_space<vmem>>
        tpu.wait_dma2 semaphore(%run_scoped3A : memref<!tpu.dma_semaphore, #tpu.memory_space<semaphore_mem>>) src(%dma_wait3A_118 : memref<64x144xf32, #tpu.memory_space<vmem>>) dst(%dma_wait3A_115 : memref<64x144xf32, #tpu.memory_space<vmem_shared>>)
        tpu.yield
      }) : () -> ()
      %add3A_83 = arith.constant 128 : i32
      %add3A_84 = arith.addi %mul3A_7, %add3A_83 : i32
      "tpu.region"() ({
        %run_scoped3A = tpu.sem_alloc : memref<!tpu.dma_semaphore, #tpu.memory_space<semaphore_mem>>
        %dma_start3A_99 = arith.constant 0 : i32
        %dma_start3A_100 = arith.constant 0 : i32
        %dma_start3A_101 = tpu.memref_slice %arg14[%dma_start3A_99, %dma_start3A_100] : memref<64x144xf32, #tpu.memory_space<vmem>> -> memref<64x144xf32, #tpu.memory_space<vmem>>
        %dma_start3A_102 = arith.constant 0 : i32
        %dma_start3A_103 = tpu.memref_slice %arg6[%add3A_84, %dma_start3A_102] : memref<10000x144xf32, #tpu.memory_space<vmem_shared>> -> memref<64x144xf32, #tpu.memory_space<vmem_shared>>
        %dma_start3A_104 = arith.constant 0 : i32
        %dma_start3A_105 = tpu.memref_slice %arg6[%add3A_84, %dma_start3A_104] : memref<10000x144xf32, #tpu.memory_space<vmem_shared>> -> memref<64x144xf32, #tpu.memory_space<vmem_shared>>
        %dma_start3A_106 = arith.constant 0 : i32
        %dma_start3A_107 = arith.constant 0 : i32
        %dma_start3A_108 = tpu.memref_slice %arg14[%dma_start3A_106, %dma_start3A_107] : memref<64x144xf32, #tpu.memory_space<vmem>> -> memref<64x144xf32, #tpu.memory_space<vmem>>
        tpu.enqueue_dma source(%dma_start3A_108 : memref<64x144xf32, #tpu.memory_space<vmem>>) target(%dma_start3A_105 : memref<64x144xf32, #tpu.memory_space<vmem_shared>>) target_semaphore(%run_scoped3A : memref<!tpu.dma_semaphore, #tpu.memory_space<semaphore_mem>>)
        %dma_wait3A_109 = arith.constant 0 : i32
        %dma_wait3A_110 = arith.constant 0 : i32
        %dma_wait3A_111 = tpu.memref_slice %arg14[%dma_wait3A_109, %dma_wait3A_110] : memref<64x144xf32, #tpu.memory_space<vmem>> -> memref<64x144xf32, #tpu.memory_space<vmem>>
        %dma_wait3A_112 = arith.constant 0 : i32
        %dma_wait3A_113 = tpu.memref_slice %arg6[%add3A_84, %dma_wait3A_112] : memref<10000x144xf32, #tpu.memory_space<vmem_shared>> -> memref<64x144xf32, #tpu.memory_space<vmem_shared>>
        %dma_wait3A_114 = arith.constant 0 : i32
        %dma_wait3A_115 = tpu.memref_slice %arg6[%add3A_84, %dma_wait3A_114] : memref<10000x144xf32, #tpu.memory_space<vmem_shared>> -> memref<64x144xf32, #tpu.memory_space<vmem_shared>>
        %dma_wait3A_116 = arith.constant 0 : i32
        %dma_wait3A_117 = arith.constant 0 : i32
        %dma_wait3A_118 = tpu.memref_slice %arg14[%dma_wait3A_116, %dma_wait3A_117] : memref<64x144xf32, #tpu.memory_space<vmem>> -> memref<64x144xf32, #tpu.memory_space<vmem>>
        tpu.wait_dma2 semaphore(%run_scoped3A : memref<!tpu.dma_semaphore, #tpu.memory_space<semaphore_mem>>) src(%dma_wait3A_118 : memref<64x144xf32, #tpu.memory_space<vmem>>) dst(%dma_wait3A_115 : memref<64x144xf32, #tpu.memory_space<vmem_shared>>)
        tpu.yield
      }) : () -> ()
      %add3A_85 = arith.constant 192 : i32
      %add3A_86 = arith.addi %mul3A_7, %add3A_85 : i32
      "tpu.region"() ({
        %run_scoped3A = tpu.sem_alloc : memref<!tpu.dma_semaphore, #tpu.memory_space<semaphore_mem>>
        %dma_start3A_99 = arith.constant 0 : i32
        %dma_start3A_100 = arith.constant 0 : i32
        %dma_start3A_101 = tpu.memref_slice %arg14[%dma_start3A_99, %dma_start3A_100] : memref<64x144xf32, #tpu.memory_space<vmem>> -> memref<64x144xf32, #tpu.memory_space<vmem>>
        %dma_start3A_102 = arith.constant 0 : i32
        %dma_start3A_103 = tpu.memref_slice %arg6[%add3A_86, %dma_start3A_102] : memref<10000x144xf32, #tpu.memory_space<vmem_shared>> -> memref<64x144xf32, #tpu.memory_space<vmem_shared>>
        %dma_start3A_104 = arith.constant 0 : i32
        %dma_start3A_105 = tpu.memref_slice %arg6[%add3A_86, %dma_start3A_104] : memref<10000x144xf32, #tpu.memory_space<vmem_shared>> -> memref<64x144xf32, #tpu.memory_space<vmem_shared>>
        %dma_start3A_106 = arith.constant 0 : i32
        %dma_start3A_107 = arith.constant 0 : i32
        %dma_start3A_108 = tpu.memref_slice %arg14[%dma_start3A_106, %dma_start3A_107] : memref<64x144xf32, #tpu.memory_space<vmem>> -> memref<64x144xf32, #tpu.memory_space<vmem>>
        tpu.enqueue_dma source(%dma_start3A_108 : memref<64x144xf32, #tpu.memory_space<vmem>>) target(%dma_start3A_105 : memref<64x144xf32, #tpu.memory_space<vmem_shared>>) target_semaphore(%run_scoped3A : memref<!tpu.dma_semaphore, #tpu.memory_space<semaphore_mem>>)
        %dma_wait3A_109 = arith.constant 0 : i32
        %dma_wait3A_110 = arith.constant 0 : i32
        %dma_wait3A_111 = tpu.memref_slice %arg14[%dma_wait3A_109, %dma_wait3A_110] : memref<64x144xf32, #tpu.memory_space<vmem>> -> memref<64x144xf32, #tpu.memory_space<vmem>>
        %dma_wait3A_112 = arith.constant 0 : i32
        %dma_wait3A_113 = tpu.memref_slice %arg6[%add3A_86, %dma_wait3A_112] : memref<10000x144xf32, #tpu.memory_space<vmem_shared>> -> memref<64x144xf32, #tpu.memory_space<vmem_shared>>
        %dma_wait3A_114 = arith.constant 0 : i32
        %dma_wait3A_115 = tpu.memref_slice %arg6[%add3A_86, %dma_wait3A_114] : memref<10000x144xf32, #tpu.memory_space<vmem_shared>> -> memref<64x144xf32, #tpu.memory_space<vmem_shared>>
        %dma_wait3A_116 = arith.constant 0 : i32
        %dma_wait3A_117 = arith.constant 0 : i32
        %dma_wait3A_118 = tpu.memref_slice %arg14[%dma_wait3A_116, %dma_wait3A_117] : memref<64x144xf32, #tpu.memory_space<vmem>> -> memref<64x144xf32, #tpu.memory_space<vmem>>
        tpu.wait_dma2 semaphore(%run_scoped3A : memref<!tpu.dma_semaphore, #tpu.memory_space<semaphore_mem>>) src(%dma_wait3A_118 : memref<64x144xf32, #tpu.memory_space<vmem>>) dst(%dma_wait3A_115 : memref<64x144xf32, #tpu.memory_space<vmem_shared>>)
        tpu.yield
      }) : () -> ()
      %add3A_87 = arith.constant 256 : i32
      %add3A_88 = arith.addi %mul3A_7, %add3A_87 : i32
      "tpu.region"() ({
        %run_scoped3A = tpu.sem_alloc : memref<!tpu.dma_semaphore, #tpu.memory_space<semaphore_mem>>
        %dma_start3A_99 = arith.constant 0 : i32
        %dma_start3A_100 = arith.constant 0 : i32
        %dma_start3A_101 = tpu.memref_slice %arg14[%dma_start3A_99, %dma_start3A_100] : memref<64x144xf32, #tpu.memory_space<vmem>> -> memref<64x144xf32, #tpu.memory_space<vmem>>
        %dma_start3A_102 = arith.constant 0 : i32
        %dma_start3A_103 = tpu.memref_slice %arg6[%add3A_88, %dma_start3A_102] : memref<10000x144xf32, #tpu.memory_space<vmem_shared>> -> memref<64x144xf32, #tpu.memory_space<vmem_shared>>
        %dma_start3A_104 = arith.constant 0 : i32
        %dma_start3A_105 = tpu.memref_slice %arg6[%add3A_88, %dma_start3A_104] : memref<10000x144xf32, #tpu.memory_space<vmem_shared>> -> memref<64x144xf32, #tpu.memory_space<vmem_shared>>
        %dma_start3A_106 = arith.constant 0 : i32
        %dma_start3A_107 = arith.constant 0 : i32
        %dma_start3A_108 = tpu.memref_slice %arg14[%dma_start3A_106, %dma_start3A_107] : memref<64x144xf32, #tpu.memory_space<vmem>> -> memref<64x144xf32, #tpu.memory_space<vmem>>
        tpu.enqueue_dma source(%dma_start3A_108 : memref<64x144xf32, #tpu.memory_space<vmem>>) target(%dma_start3A_105 : memref<64x144xf32, #tpu.memory_space<vmem_shared>>) target_semaphore(%run_scoped3A : memref<!tpu.dma_semaphore, #tpu.memory_space<semaphore_mem>>)
        %dma_wait3A_109 = arith.constant 0 : i32
        %dma_wait3A_110 = arith.constant 0 : i32
        %dma_wait3A_111 = tpu.memref_slice %arg14[%dma_wait3A_109, %dma_wait3A_110] : memref<64x144xf32, #tpu.memory_space<vmem>> -> memref<64x144xf32, #tpu.memory_space<vmem>>
        %dma_wait3A_112 = arith.constant 0 : i32
        %dma_wait3A_113 = tpu.memref_slice %arg6[%add3A_88, %dma_wait3A_112] : memref<10000x144xf32, #tpu.memory_space<vmem_shared>> -> memref<64x144xf32, #tpu.memory_space<vmem_shared>>
        %dma_wait3A_114 = arith.constant 0 : i32
        %dma_wait3A_115 = tpu.memref_slice %arg6[%add3A_88, %dma_wait3A_114] : memref<10000x144xf32, #tpu.memory_space<vmem_shared>> -> memref<64x144xf32, #tpu.memory_space<vmem_shared>>
        %dma_wait3A_116 = arith.constant 0 : i32
        %dma_wait3A_117 = arith.constant 0 : i32
        %dma_wait3A_118 = tpu.memref_slice %arg14[%dma_wait3A_116, %dma_wait3A_117] : memref<64x144xf32, #tpu.memory_space<vmem>> -> memref<64x144xf32, #tpu.memory_space<vmem>>
        tpu.wait_dma2 semaphore(%run_scoped3A : memref<!tpu.dma_semaphore, #tpu.memory_space<semaphore_mem>>) src(%dma_wait3A_118 : memref<64x144xf32, #tpu.memory_space<vmem>>) dst(%dma_wait3A_115 : memref<64x144xf32, #tpu.memory_space<vmem_shared>>)
        tpu.yield
      }) : () -> ()
      %add3A_89 = arith.constant 320 : i32
      %add3A_90 = arith.addi %mul3A_7, %add3A_89 : i32
      "tpu.region"() ({
        %run_scoped3A = tpu.sem_alloc : memref<!tpu.dma_semaphore, #tpu.memory_space<semaphore_mem>>
        %dma_start3A_99 = arith.constant 0 : i32
        %dma_start3A_100 = arith.constant 0 : i32
        %dma_start3A_101 = tpu.memref_slice %arg14[%dma_start3A_99, %dma_start3A_100] : memref<64x144xf32, #tpu.memory_space<vmem>> -> memref<64x144xf32, #tpu.memory_space<vmem>>
        %dma_start3A_102 = arith.constant 0 : i32
        %dma_start3A_103 = tpu.memref_slice %arg6[%add3A_90, %dma_start3A_102] : memref<10000x144xf32, #tpu.memory_space<vmem_shared>> -> memref<64x144xf32, #tpu.memory_space<vmem_shared>>
        %dma_start3A_104 = arith.constant 0 : i32
        %dma_start3A_105 = tpu.memref_slice %arg6[%add3A_90, %dma_start3A_104] : memref<10000x144xf32, #tpu.memory_space<vmem_shared>> -> memref<64x144xf32, #tpu.memory_space<vmem_shared>>
        %dma_start3A_106 = arith.constant 0 : i32
        %dma_start3A_107 = arith.constant 0 : i32
        %dma_start3A_108 = tpu.memref_slice %arg14[%dma_start3A_106, %dma_start3A_107] : memref<64x144xf32, #tpu.memory_space<vmem>> -> memref<64x144xf32, #tpu.memory_space<vmem>>
        tpu.enqueue_dma source(%dma_start3A_108 : memref<64x144xf32, #tpu.memory_space<vmem>>) target(%dma_start3A_105 : memref<64x144xf32, #tpu.memory_space<vmem_shared>>) target_semaphore(%run_scoped3A : memref<!tpu.dma_semaphore, #tpu.memory_space<semaphore_mem>>)
        %dma_wait3A_109 = arith.constant 0 : i32
        %dma_wait3A_110 = arith.constant 0 : i32
        %dma_wait3A_111 = tpu.memref_slice %arg14[%dma_wait3A_109, %dma_wait3A_110] : memref<64x144xf32, #tpu.memory_space<vmem>> -> memref<64x144xf32, #tpu.memory_space<vmem>>
        %dma_wait3A_112 = arith.constant 0 : i32
        %dma_wait3A_113 = tpu.memref_slice %arg6[%add3A_90, %dma_wait3A_112] : memref<10000x144xf32, #tpu.memory_space<vmem_shared>> -> memref<64x144xf32, #tpu.memory_space<vmem_shared>>
        %dma_wait3A_114 = arith.constant 0 : i32
        %dma_wait3A_115 = tpu.memref_slice %arg6[%add3A_90, %dma_wait3A_114] : memref<10000x144xf32, #tpu.memory_space<vmem_shared>> -> memref<64x144xf32, #tpu.memory_space<vmem_shared>>
        %dma_wait3A_116 = arith.constant 0 : i32
        %dma_wait3A_117 = arith.constant 0 : i32
        %dma_wait3A_118 = tpu.memref_slice %arg14[%dma_wait3A_116, %dma_wait3A_117] : memref<64x144xf32, #tpu.memory_space<vmem>> -> memref<64x144xf32, #tpu.memory_space<vmem>>
        tpu.wait_dma2 semaphore(%run_scoped3A : memref<!tpu.dma_semaphore, #tpu.memory_space<semaphore_mem>>) src(%dma_wait3A_118 : memref<64x144xf32, #tpu.memory_space<vmem>>) dst(%dma_wait3A_115 : memref<64x144xf32, #tpu.memory_space<vmem_shared>>)
        tpu.yield
      }) : () -> ()
      %add3A_91 = arith.constant 384 : i32
      %add3A_92 = arith.addi %mul3A_7, %add3A_91 : i32
      "tpu.region"() ({
        %run_scoped3A = tpu.sem_alloc : memref<!tpu.dma_semaphore, #tpu.memory_space<semaphore_mem>>
        %dma_start3A_99 = arith.constant 0 : i32
        %dma_start3A_100 = arith.constant 0 : i32
        %dma_start3A_101 = tpu.memref_slice %arg14[%dma_start3A_99, %dma_start3A_100] : memref<64x144xf32, #tpu.memory_space<vmem>> -> memref<64x144xf32, #tpu.memory_space<vmem>>
        %dma_start3A_102 = arith.constant 0 : i32
        %dma_start3A_103 = tpu.memref_slice %arg6[%add3A_92, %dma_start3A_102] : memref<10000x144xf32, #tpu.memory_space<vmem_shared>> -> memref<64x144xf32, #tpu.memory_space<vmem_shared>>
        %dma_start3A_104 = arith.constant 0 : i32
        %dma_start3A_105 = tpu.memref_slice %arg6[%add3A_92, %dma_start3A_104] : memref<10000x144xf32, #tpu.memory_space<vmem_shared>> -> memref<64x144xf32, #tpu.memory_space<vmem_shared>>
        %dma_start3A_106 = arith.constant 0 : i32
        %dma_start3A_107 = arith.constant 0 : i32
        %dma_start3A_108 = tpu.memref_slice %arg14[%dma_start3A_106, %dma_start3A_107] : memref<64x144xf32, #tpu.memory_space<vmem>> -> memref<64x144xf32, #tpu.memory_space<vmem>>
        tpu.enqueue_dma source(%dma_start3A_108 : memref<64x144xf32, #tpu.memory_space<vmem>>) target(%dma_start3A_105 : memref<64x144xf32, #tpu.memory_space<vmem_shared>>) target_semaphore(%run_scoped3A : memref<!tpu.dma_semaphore, #tpu.memory_space<semaphore_mem>>)
        %dma_wait3A_109 = arith.constant 0 : i32
        %dma_wait3A_110 = arith.constant 0 : i32
        %dma_wait3A_111 = tpu.memref_slice %arg14[%dma_wait3A_109, %dma_wait3A_110] : memref<64x144xf32, #tpu.memory_space<vmem>> -> memref<64x144xf32, #tpu.memory_space<vmem>>
        %dma_wait3A_112 = arith.constant 0 : i32
        %dma_wait3A_113 = tpu.memref_slice %arg6[%add3A_92, %dma_wait3A_112] : memref<10000x144xf32, #tpu.memory_space<vmem_shared>> -> memref<64x144xf32, #tpu.memory_space<vmem_shared>>
        %dma_wait3A_114 = arith.constant 0 : i32
        %dma_wait3A_115 = tpu.memref_slice %arg6[%add3A_92, %dma_wait3A_114] : memref<10000x144xf32, #tpu.memory_space<vmem_shared>> -> memref<64x144xf32, #tpu.memory_space<vmem_shared>>
        %dma_wait3A_116 = arith.constant 0 : i32
        %dma_wait3A_117 = arith.constant 0 : i32
        %dma_wait3A_118 = tpu.memref_slice %arg14[%dma_wait3A_116, %dma_wait3A_117] : memref<64x144xf32, #tpu.memory_space<vmem>> -> memref<64x144xf32, #tpu.memory_space<vmem>>
        tpu.wait_dma2 semaphore(%run_scoped3A : memref<!tpu.dma_semaphore, #tpu.memory_space<semaphore_mem>>) src(%dma_wait3A_118 : memref<64x144xf32, #tpu.memory_space<vmem>>) dst(%dma_wait3A_115 : memref<64x144xf32, #tpu.memory_space<vmem_shared>>)
        tpu.yield
      }) : () -> ()
      %add3A_93 = arith.constant 448 : i32
      %add3A_94 = arith.addi %mul3A_7, %add3A_93 : i32
      "tpu.region"() ({
        %run_scoped3A = tpu.sem_alloc : memref<!tpu.dma_semaphore, #tpu.memory_space<semaphore_mem>>
        %dma_start3A_99 = arith.constant 0 : i32
        %dma_start3A_100 = arith.constant 0 : i32
        %dma_start3A_101 = tpu.memref_slice %arg14[%dma_start3A_99, %dma_start3A_100] : memref<64x144xf32, #tpu.memory_space<vmem>> -> memref<64x144xf32, #tpu.memory_space<vmem>>
        %dma_start3A_102 = arith.constant 0 : i32
        %dma_start3A_103 = tpu.memref_slice %arg6[%add3A_94, %dma_start3A_102] : memref<10000x144xf32, #tpu.memory_space<vmem_shared>> -> memref<64x144xf32, #tpu.memory_space<vmem_shared>>
        %dma_start3A_104 = arith.constant 0 : i32
        %dma_start3A_105 = tpu.memref_slice %arg6[%add3A_94, %dma_start3A_104] : memref<10000x144xf32, #tpu.memory_space<vmem_shared>> -> memref<64x144xf32, #tpu.memory_space<vmem_shared>>
        %dma_start3A_106 = arith.constant 0 : i32
        %dma_start3A_107 = arith.constant 0 : i32
        %dma_start3A_108 = tpu.memref_slice %arg14[%dma_start3A_106, %dma_start3A_107] : memref<64x144xf32, #tpu.memory_space<vmem>> -> memref<64x144xf32, #tpu.memory_space<vmem>>
        tpu.enqueue_dma source(%dma_start3A_108 : memref<64x144xf32, #tpu.memory_space<vmem>>) target(%dma_start3A_105 : memref<64x144xf32, #tpu.memory_space<vmem_shared>>) target_semaphore(%run_scoped3A : memref<!tpu.dma_semaphore, #tpu.memory_space<semaphore_mem>>)
        %dma_wait3A_109 = arith.constant 0 : i32
        %dma_wait3A_110 = arith.constant 0 : i32
        %dma_wait3A_111 = tpu.memref_slice %arg14[%dma_wait3A_109, %dma_wait3A_110] : memref<64x144xf32, #tpu.memory_space<vmem>> -> memref<64x144xf32, #tpu.memory_space<vmem>>
        %dma_wait3A_112 = arith.constant 0 : i32
        %dma_wait3A_113 = tpu.memref_slice %arg6[%add3A_94, %dma_wait3A_112] : memref<10000x144xf32, #tpu.memory_space<vmem_shared>> -> memref<64x144xf32, #tpu.memory_space<vmem_shared>>
        %dma_wait3A_114 = arith.constant 0 : i32
        %dma_wait3A_115 = tpu.memref_slice %arg6[%add3A_94, %dma_wait3A_114] : memref<10000x144xf32, #tpu.memory_space<vmem_shared>> -> memref<64x144xf32, #tpu.memory_space<vmem_shared>>
        %dma_wait3A_116 = arith.constant 0 : i32
        %dma_wait3A_117 = arith.constant 0 : i32
        %dma_wait3A_118 = tpu.memref_slice %arg14[%dma_wait3A_116, %dma_wait3A_117] : memref<64x144xf32, #tpu.memory_space<vmem>> -> memref<64x144xf32, #tpu.memory_space<vmem>>
        tpu.wait_dma2 semaphore(%run_scoped3A : memref<!tpu.dma_semaphore, #tpu.memory_space<semaphore_mem>>) src(%dma_wait3A_118 : memref<64x144xf32, #tpu.memory_space<vmem>>) dst(%dma_wait3A_115 : memref<64x144xf32, #tpu.memory_space<vmem_shared>>)
        tpu.yield
      }) : () -> ()
      %add3A_95 = arith.constant 512 : i32
      %add3A_96 = arith.addi %mul3A_7, %add3A_95 : i32
      "tpu.region"() ({
        %run_scoped3A = tpu.sem_alloc : memref<!tpu.dma_semaphore, #tpu.memory_space<semaphore_mem>>
        %dma_start3A_99 = arith.constant 0 : i32
        %dma_start3A_100 = arith.constant 0 : i32
        %dma_start3A_101 = tpu.memref_slice %arg14[%dma_start3A_99, %dma_start3A_100] : memref<64x144xf32, #tpu.memory_space<vmem>> -> memref<64x144xf32, #tpu.memory_space<vmem>>
        %dma_start3A_102 = arith.constant 0 : i32
        %dma_start3A_103 = tpu.memref_slice %arg6[%add3A_96, %dma_start3A_102] : memref<10000x144xf32, #tpu.memory_space<vmem_shared>> -> memref<64x144xf32, #tpu.memory_space<vmem_shared>>
        %dma_start3A_104 = arith.constant 0 : i32
        %dma_start3A_105 = tpu.memref_slice %arg6[%add3A_96, %dma_start3A_104] : memref<10000x144xf32, #tpu.memory_space<vmem_shared>> -> memref<64x144xf32, #tpu.memory_space<vmem_shared>>
        %dma_start3A_106 = arith.constant 0 : i32
        %dma_start3A_107 = arith.constant 0 : i32
        %dma_start3A_108 = tpu.memref_slice %arg14[%dma_start3A_106, %dma_start3A_107] : memref<64x144xf32, #tpu.memory_space<vmem>> -> memref<64x144xf32, #tpu.memory_space<vmem>>
        tpu.enqueue_dma source(%dma_start3A_108 : memref<64x144xf32, #tpu.memory_space<vmem>>) target(%dma_start3A_105 : memref<64x144xf32, #tpu.memory_space<vmem_shared>>) target_semaphore(%run_scoped3A : memref<!tpu.dma_semaphore, #tpu.memory_space<semaphore_mem>>)
        %dma_wait3A_109 = arith.constant 0 : i32
        %dma_wait3A_110 = arith.constant 0 : i32
        %dma_wait3A_111 = tpu.memref_slice %arg14[%dma_wait3A_109, %dma_wait3A_110] : memref<64x144xf32, #tpu.memory_space<vmem>> -> memref<64x144xf32, #tpu.memory_space<vmem>>
        %dma_wait3A_112 = arith.constant 0 : i32
        %dma_wait3A_113 = tpu.memref_slice %arg6[%add3A_96, %dma_wait3A_112] : memref<10000x144xf32, #tpu.memory_space<vmem_shared>> -> memref<64x144xf32, #tpu.memory_space<vmem_shared>>
        %dma_wait3A_114 = arith.constant 0 : i32
        %dma_wait3A_115 = tpu.memref_slice %arg6[%add3A_96, %dma_wait3A_114] : memref<10000x144xf32, #tpu.memory_space<vmem_shared>> -> memref<64x144xf32, #tpu.memory_space<vmem_shared>>
        %dma_wait3A_116 = arith.constant 0 : i32
        %dma_wait3A_117 = arith.constant 0 : i32
        %dma_wait3A_118 = tpu.memref_slice %arg14[%dma_wait3A_116, %dma_wait3A_117] : memref<64x144xf32, #tpu.memory_space<vmem>> -> memref<64x144xf32, #tpu.memory_space<vmem>>
        tpu.wait_dma2 semaphore(%run_scoped3A : memref<!tpu.dma_semaphore, #tpu.memory_space<semaphore_mem>>) src(%dma_wait3A_118 : memref<64x144xf32, #tpu.memory_space<vmem>>) dst(%dma_wait3A_115 : memref<64x144xf32, #tpu.memory_space<vmem_shared>>)
        tpu.yield
      }) : () -> ()
      %add3A_97 = arith.constant 576 : i32
      %add3A_98 = arith.addi %mul3A_7, %add3A_97 : i32
      "tpu.region"() ({
        %run_scoped3A = tpu.sem_alloc : memref<!tpu.dma_semaphore, #tpu.memory_space<semaphore_mem>>
        %dma_start3A_99 = arith.constant 0 : i32
        %dma_start3A_100 = arith.constant 0 : i32
        %dma_start3A_101 = tpu.memref_slice %arg14[%dma_start3A_99, %dma_start3A_100] : memref<64x144xf32, #tpu.memory_space<vmem>> -> memref<56x144xf32, #tpu.memory_space<vmem>>
        %dma_start3A_102 = arith.constant 0 : i32
        %dma_start3A_103 = tpu.memref_slice %arg6[%add3A_98, %dma_start3A_102] : memref<10000x144xf32, #tpu.memory_space<vmem_shared>> -> memref<56x144xf32, #tpu.memory_space<vmem_shared>>
        %dma_start3A_104 = arith.constant 0 : i32
        %dma_start3A_105 = tpu.memref_slice %arg6[%add3A_98, %dma_start3A_104] : memref<10000x144xf32, #tpu.memory_space<vmem_shared>> -> memref<56x144xf32, #tpu.memory_space<vmem_shared>>
        %dma_start3A_106 = arith.constant 0 : i32
        %dma_start3A_107 = arith.constant 0 : i32
        %dma_start3A_108 = tpu.memref_slice %arg14[%dma_start3A_106, %dma_start3A_107] : memref<64x144xf32, #tpu.memory_space<vmem>> -> memref<56x144xf32, #tpu.memory_space<vmem>>
        tpu.enqueue_dma source(%dma_start3A_108 : memref<56x144xf32, #tpu.memory_space<vmem>>) target(%dma_start3A_105 : memref<56x144xf32, #tpu.memory_space<vmem_shared>>) target_semaphore(%run_scoped3A : memref<!tpu.dma_semaphore, #tpu.memory_space<semaphore_mem>>)
        %dma_wait3A_109 = arith.constant 0 : i32
        %dma_wait3A_110 = arith.constant 0 : i32
        %dma_wait3A_111 = tpu.memref_slice %arg14[%dma_wait3A_109, %dma_wait3A_110] : memref<64x144xf32, #tpu.memory_space<vmem>> -> memref<56x144xf32, #tpu.memory_space<vmem>>
        %dma_wait3A_112 = arith.constant 0 : i32
        %dma_wait3A_113 = tpu.memref_slice %arg6[%add3A_98, %dma_wait3A_112] : memref<10000x144xf32, #tpu.memory_space<vmem_shared>> -> memref<56x144xf32, #tpu.memory_space<vmem_shared>>
        %dma_wait3A_114 = arith.constant 0 : i32
        %dma_wait3A_115 = tpu.memref_slice %arg6[%add3A_98, %dma_wait3A_114] : memref<10000x144xf32, #tpu.memory_space<vmem_shared>> -> memref<56x144xf32, #tpu.memory_space<vmem_shared>>
        %dma_wait3A_116 = arith.constant 0 : i32
        %dma_wait3A_117 = arith.constant 0 : i32
        %dma_wait3A_118 = tpu.memref_slice %arg14[%dma_wait3A_116, %dma_wait3A_117] : memref<64x144xf32, #tpu.memory_space<vmem>> -> memref<56x144xf32, #tpu.memory_space<vmem>>
        tpu.wait_dma2 semaphore(%run_scoped3A : memref<!tpu.dma_semaphore, #tpu.memory_space<semaphore_mem>>) src(%dma_wait3A_118 : memref<56x144xf32, #tpu.memory_space<vmem>>) dst(%dma_wait3A_115 : memref<56x144xf32, #tpu.memory_space<vmem_shared>>)
        tpu.yield
      }) : () -> ()
    } else {
    }
    %eq3A = arith.constant 15 : i32
    %eq3A_10 = arith.cmpi eq, %arg1, %eq3A : i32
    %convert_element_type3A_11 = arith.extui %eq3A_10 : i1 to i32
    %cond3A_12 = arith.constant 0 : i32
    %cond3A_13 = arith.cmpi ne, %convert_element_type3A_11, %cond3A_12 : i32
    scf.if %cond3A_13 {
      %add3A_79 = arith.constant 0 : i32
      %add3A_80 = arith.addi %mul3A_7, %add3A_79 : i32
      "tpu.region"() ({
        %run_scoped3A = tpu.sem_alloc : memref<!tpu.dma_semaphore, #tpu.memory_space<semaphore_mem>>
        %dma_start3A_97 = arith.constant 0 : i32
        %dma_start3A_98 = arith.constant 0 : i32
        %dma_start3A_99 = tpu.memref_slice %arg14[%dma_start3A_97, %dma_start3A_98] : memref<64x144xf32, #tpu.memory_space<vmem>> -> memref<64x144xf32, #tpu.memory_space<vmem>>
        %dma_start3A_100 = arith.constant 0 : i32
        %dma_start3A_101 = tpu.memref_slice %arg6[%add3A_80, %dma_start3A_100] : memref<10000x144xf32, #tpu.memory_space<vmem_shared>> -> memref<64x144xf32, #tpu.memory_space<vmem_shared>>
        %dma_start3A_102 = arith.constant 0 : i32
        %dma_start3A_103 = tpu.memref_slice %arg6[%add3A_80, %dma_start3A_102] : memref<10000x144xf32, #tpu.memory_space<vmem_shared>> -> memref<64x144xf32, #tpu.memory_space<vmem_shared>>
        %dma_start3A_104 = arith.constant 0 : i32
        %dma_start3A_105 = arith.constant 0 : i32
        %dma_start3A_106 = tpu.memref_slice %arg14[%dma_start3A_104, %dma_start3A_105] : memref<64x144xf32, #tpu.memory_space<vmem>> -> memref<64x144xf32, #tpu.memory_space<vmem>>
        tpu.enqueue_dma source(%dma_start3A_106 : memref<64x144xf32, #tpu.memory_space<vmem>>) target(%dma_start3A_103 : memref<64x144xf32, #tpu.memory_space<vmem_shared>>) target_semaphore(%run_scoped3A : memref<!tpu.dma_semaphore, #tpu.memory_space<semaphore_mem>>)
        %dma_wait3A_107 = arith.constant 0 : i32
        %dma_wait3A_108 = arith.constant 0 : i32
        %dma_wait3A_109 = tpu.memref_slice %arg14[%dma_wait3A_107, %dma_wait3A_108] : memref<64x144xf32, #tpu.memory_space<vmem>> -> memref<64x144xf32, #tpu.memory_space<vmem>>
        %dma_wait3A_110 = arith.constant 0 : i32
        %dma_wait3A_111 = tpu.memref_slice %arg6[%add3A_80, %dma_wait3A_110] : memref<10000x144xf32, #tpu.memory_space<vmem_shared>> -> memref<64x144xf32, #tpu.memory_space<vmem_shared>>
        %dma_wait3A_112 = arith.constant 0 : i32
        %dma_wait3A_113 = tpu.memref_slice %arg6[%add3A_80, %dma_wait3A_112] : memref<10000x144xf32, #tpu.memory_space<vmem_shared>> -> memref<64x144xf32, #tpu.memory_space<vmem_shared>>
        %dma_wait3A_114 = arith.constant 0 : i32
        %dma_wait3A_115 = arith.constant 0 : i32
        %dma_wait3A_116 = tpu.memref_slice %arg14[%dma_wait3A_114, %dma_wait3A_115] : memref<64x144xf32, #tpu.memory_space<vmem>> -> memref<64x144xf32, #tpu.memory_space<vmem>>
        tpu.wait_dma2 semaphore(%run_scoped3A : memref<!tpu.dma_semaphore, #tpu.memory_space<semaphore_mem>>) src(%dma_wait3A_116 : memref<64x144xf32, #tpu.memory_space<vmem>>) dst(%dma_wait3A_113 : memref<64x144xf32, #tpu.memory_space<vmem_shared>>)
        tpu.yield
      }) : () -> ()
      %add3A_81 = arith.constant 64 : i32
      %add3A_82 = arith.addi %mul3A_7, %add3A_81 : i32
      "tpu.region"() ({
        %run_scoped3A = tpu.sem_alloc : memref<!tpu.dma_semaphore, #tpu.memory_space<semaphore_mem>>
        %dma_start3A_97 = arith.constant 0 : i32
        %dma_start3A_98 = arith.constant 0 : i32
        %dma_start3A_99 = tpu.memref_slice %arg14[%dma_start3A_97, %dma_start3A_98] : memref<64x144xf32, #tpu.memory_space<vmem>> -> memref<64x144xf32, #tpu.memory_space<vmem>>
        %dma_start3A_100 = arith.constant 0 : i32
        %dma_start3A_101 = tpu.memref_slice %arg6[%add3A_82, %dma_start3A_100] : memref<10000x144xf32, #tpu.memory_space<vmem_shared>> -> memref<64x144xf32, #tpu.memory_space<vmem_shared>>
        %dma_start3A_102 = arith.constant 0 : i32
        %dma_start3A_103 = tpu.memref_slice %arg6[%add3A_82, %dma_start3A_102] : memref<10000x144xf32, #tpu.memory_space<vmem_shared>> -> memref<64x144xf32, #tpu.memory_space<vmem_shared>>
        %dma_start3A_104 = arith.constant 0 : i32
        %dma_start3A_105 = arith.constant 0 : i32
        %dma_start3A_106 = tpu.memref_slice %arg14[%dma_start3A_104, %dma_start3A_105] : memref<64x144xf32, #tpu.memory_space<vmem>> -> memref<64x144xf32, #tpu.memory_space<vmem>>
        tpu.enqueue_dma source(%dma_start3A_106 : memref<64x144xf32, #tpu.memory_space<vmem>>) target(%dma_start3A_103 : memref<64x144xf32, #tpu.memory_space<vmem_shared>>) target_semaphore(%run_scoped3A : memref<!tpu.dma_semaphore, #tpu.memory_space<semaphore_mem>>)
        %dma_wait3A_107 = arith.constant 0 : i32
        %dma_wait3A_108 = arith.constant 0 : i32
        %dma_wait3A_109 = tpu.memref_slice %arg14[%dma_wait3A_107, %dma_wait3A_108] : memref<64x144xf32, #tpu.memory_space<vmem>> -> memref<64x144xf32, #tpu.memory_space<vmem>>
        %dma_wait3A_110 = arith.constant 0 : i32
        %dma_wait3A_111 = tpu.memref_slice %arg6[%add3A_82, %dma_wait3A_110] : memref<10000x144xf32, #tpu.memory_space<vmem_shared>> -> memref<64x144xf32, #tpu.memory_space<vmem_shared>>
        %dma_wait3A_112 = arith.constant 0 : i32
        %dma_wait3A_113 = tpu.memref_slice %arg6[%add3A_82, %dma_wait3A_112] : memref<10000x144xf32, #tpu.memory_space<vmem_shared>> -> memref<64x144xf32, #tpu.memory_space<vmem_shared>>
        %dma_wait3A_114 = arith.constant 0 : i32
        %dma_wait3A_115 = arith.constant 0 : i32
        %dma_wait3A_116 = tpu.memref_slice %arg14[%dma_wait3A_114, %dma_wait3A_115] : memref<64x144xf32, #tpu.memory_space<vmem>> -> memref<64x144xf32, #tpu.memory_space<vmem>>
        tpu.wait_dma2 semaphore(%run_scoped3A : memref<!tpu.dma_semaphore, #tpu.memory_space<semaphore_mem>>) src(%dma_wait3A_116 : memref<64x144xf32, #tpu.memory_space<vmem>>) dst(%dma_wait3A_113 : memref<64x144xf32, #tpu.memory_space<vmem_shared>>)
        tpu.yield
      }) : () -> ()
      %add3A_83 = arith.constant 128 : i32
      %add3A_84 = arith.addi %mul3A_7, %add3A_83 : i32
      "tpu.region"() ({
        %run_scoped3A = tpu.sem_alloc : memref<!tpu.dma_semaphore, #tpu.memory_space<semaphore_mem>>
        %dma_start3A_97 = arith.constant 0 : i32
        %dma_start3A_98 = arith.constant 0 : i32
        %dma_start3A_99 = tpu.memref_slice %arg14[%dma_start3A_97, %dma_start3A_98] : memref<64x144xf32, #tpu.memory_space<vmem>> -> memref<64x144xf32, #tpu.memory_space<vmem>>
        %dma_start3A_100 = arith.constant 0 : i32
        %dma_start3A_101 = tpu.memref_slice %arg6[%add3A_84, %dma_start3A_100] : memref<10000x144xf32, #tpu.memory_space<vmem_shared>> -> memref<64x144xf32, #tpu.memory_space<vmem_shared>>
        %dma_start3A_102 = arith.constant 0 : i32
        %dma_start3A_103 = tpu.memref_slice %arg6[%add3A_84, %dma_start3A_102] : memref<10000x144xf32, #tpu.memory_space<vmem_shared>> -> memref<64x144xf32, #tpu.memory_space<vmem_shared>>
        %dma_start3A_104 = arith.constant 0 : i32
        %dma_start3A_105 = arith.constant 0 : i32
        %dma_start3A_106 = tpu.memref_slice %arg14[%dma_start3A_104, %dma_start3A_105] : memref<64x144xf32, #tpu.memory_space<vmem>> -> memref<64x144xf32, #tpu.memory_space<vmem>>
        tpu.enqueue_dma source(%dma_start3A_106 : memref<64x144xf32, #tpu.memory_space<vmem>>) target(%dma_start3A_103 : memref<64x144xf32, #tpu.memory_space<vmem_shared>>) target_semaphore(%run_scoped3A : memref<!tpu.dma_semaphore, #tpu.memory_space<semaphore_mem>>)
        %dma_wait3A_107 = arith.constant 0 : i32
        %dma_wait3A_108 = arith.constant 0 : i32
        %dma_wait3A_109 = tpu.memref_slice %arg14[%dma_wait3A_107, %dma_wait3A_108] : memref<64x144xf32, #tpu.memory_space<vmem>> -> memref<64x144xf32, #tpu.memory_space<vmem>>
        %dma_wait3A_110 = arith.constant 0 : i32
        %dma_wait3A_111 = tpu.memref_slice %arg6[%add3A_84, %dma_wait3A_110] : memref<10000x144xf32, #tpu.memory_space<vmem_shared>> -> memref<64x144xf32, #tpu.memory_space<vmem_shared>>
        %dma_wait3A_112 = arith.constant 0 : i32
        %dma_wait3A_113 = tpu.memref_slice %arg6[%add3A_84, %dma_wait3A_112] : memref<10000x144xf32, #tpu.memory_space<vmem_shared>> -> memref<64x144xf32, #tpu.memory_space<vmem_shared>>
        %dma_wait3A_114 = arith.constant 0 : i32
        %dma_wait3A_115 = arith.constant 0 : i32
        %dma_wait3A_116 = tpu.memref_slice %arg14[%dma_wait3A_114, %dma_wait3A_115] : memref<64x144xf32, #tpu.memory_space<vmem>> -> memref<64x144xf32, #tpu.memory_space<vmem>>
        tpu.wait_dma2 semaphore(%run_scoped3A : memref<!tpu.dma_semaphore, #tpu.memory_space<semaphore_mem>>) src(%dma_wait3A_116 : memref<64x144xf32, #tpu.memory_space<vmem>>) dst(%dma_wait3A_113 : memref<64x144xf32, #tpu.memory_space<vmem_shared>>)
        tpu.yield
      }) : () -> ()
      %add3A_85 = arith.constant 192 : i32
      %add3A_86 = arith.addi %mul3A_7, %add3A_85 : i32
      "tpu.region"() ({
        %run_scoped3A = tpu.sem_alloc : memref<!tpu.dma_semaphore, #tpu.memory_space<semaphore_mem>>
        %dma_start3A_97 = arith.constant 0 : i32
        %dma_start3A_98 = arith.constant 0 : i32
        %dma_start3A_99 = tpu.memref_slice %arg14[%dma_start3A_97, %dma_start3A_98] : memref<64x144xf32, #tpu.memory_space<vmem>> -> memref<64x144xf32, #tpu.memory_space<vmem>>
        %dma_start3A_100 = arith.constant 0 : i32
        %dma_start3A_101 = tpu.memref_slice %arg6[%add3A_86, %dma_start3A_100] : memref<10000x144xf32, #tpu.memory_space<vmem_shared>> -> memref<64x144xf32, #tpu.memory_space<vmem_shared>>
        %dma_start3A_102 = arith.constant 0 : i32
        %dma_start3A_103 = tpu.memref_slice %arg6[%add3A_86, %dma_start3A_102] : memref<10000x144xf32, #tpu.memory_space<vmem_shared>> -> memref<64x144xf32, #tpu.memory_space<vmem_shared>>
        %dma_start3A_104 = arith.constant 0 : i32
        %dma_start3A_105 = arith.constant 0 : i32
        %dma_start3A_106 = tpu.memref_slice %arg14[%dma_start3A_104, %dma_start3A_105] : memref<64x144xf32, #tpu.memory_space<vmem>> -> memref<64x144xf32, #tpu.memory_space<vmem>>
        tpu.enqueue_dma source(%dma_start3A_106 : memref<64x144xf32, #tpu.memory_space<vmem>>) target(%dma_start3A_103 : memref<64x144xf32, #tpu.memory_space<vmem_shared>>) target_semaphore(%run_scoped3A : memref<!tpu.dma_semaphore, #tpu.memory_space<semaphore_mem>>)
        %dma_wait3A_107 = arith.constant 0 : i32
        %dma_wait3A_108 = arith.constant 0 : i32
        %dma_wait3A_109 = tpu.memref_slice %arg14[%dma_wait3A_107, %dma_wait3A_108] : memref<64x144xf32, #tpu.memory_space<vmem>> -> memref<64x144xf32, #tpu.memory_space<vmem>>
        %dma_wait3A_110 = arith.constant 0 : i32
        %dma_wait3A_111 = tpu.memref_slice %arg6[%add3A_86, %dma_wait3A_110] : memref<10000x144xf32, #tpu.memory_space<vmem_shared>> -> memref<64x144xf32, #tpu.memory_space<vmem_shared>>
        %dma_wait3A_112 = arith.constant 0 : i32
        %dma_wait3A_113 = tpu.memref_slice %arg6[%add3A_86, %dma_wait3A_112] : memref<10000x144xf32, #tpu.memory_space<vmem_shared>> -> memref<64x144xf32, #tpu.memory_space<vmem_shared>>
        %dma_wait3A_114 = arith.constant 0 : i32
        %dma_wait3A_115 = arith.constant 0 : i32
        %dma_wait3A_116 = tpu.memref_slice %arg14[%dma_wait3A_114, %dma_wait3A_115] : memref<64x144xf32, #tpu.memory_space<vmem>> -> memref<64x144xf32, #tpu.memory_space<vmem>>
        tpu.wait_dma2 semaphore(%run_scoped3A : memref<!tpu.dma_semaphore, #tpu.memory_space<semaphore_mem>>) src(%dma_wait3A_116 : memref<64x144xf32, #tpu.memory_space<vmem>>) dst(%dma_wait3A_113 : memref<64x144xf32, #tpu.memory_space<vmem_shared>>)
        tpu.yield
      }) : () -> ()
      %add3A_87 = arith.constant 256 : i32
      %add3A_88 = arith.addi %mul3A_7, %add3A_87 : i32
      "tpu.region"() ({
        %run_scoped3A = tpu.sem_alloc : memref<!tpu.dma_semaphore, #tpu.memory_space<semaphore_mem>>
        %dma_start3A_97 = arith.constant 0 : i32
        %dma_start3A_98 = arith.constant 0 : i32
        %dma_start3A_99 = tpu.memref_slice %arg14[%dma_start3A_97, %dma_start3A_98] : memref<64x144xf32, #tpu.memory_space<vmem>> -> memref<64x144xf32, #tpu.memory_space<vmem>>
        %dma_start3A_100 = arith.constant 0 : i32
        %dma_start3A_101 = tpu.memref_slice %arg6[%add3A_88, %dma_start3A_100] : memref<10000x144xf32, #tpu.memory_space<vmem_shared>> -> memref<64x144xf32, #tpu.memory_space<vmem_shared>>
        %dma_start3A_102 = arith.constant 0 : i32
        %dma_start3A_103 = tpu.memref_slice %arg6[%add3A_88, %dma_start3A_102] : memref<10000x144xf32, #tpu.memory_space<vmem_shared>> -> memref<64x144xf32, #tpu.memory_space<vmem_shared>>
        %dma_start3A_104 = arith.constant 0 : i32
        %dma_start3A_105 = arith.constant 0 : i32
        %dma_start3A_106 = tpu.memref_slice %arg14[%dma_start3A_104, %dma_start3A_105] : memref<64x144xf32, #tpu.memory_space<vmem>> -> memref<64x144xf32, #tpu.memory_space<vmem>>
        tpu.enqueue_dma source(%dma_start3A_106 : memref<64x144xf32, #tpu.memory_space<vmem>>) target(%dma_start3A_103 : memref<64x144xf32, #tpu.memory_space<vmem_shared>>) target_semaphore(%run_scoped3A : memref<!tpu.dma_semaphore, #tpu.memory_space<semaphore_mem>>)
        %dma_wait3A_107 = arith.constant 0 : i32
        %dma_wait3A_108 = arith.constant 0 : i32
        %dma_wait3A_109 = tpu.memref_slice %arg14[%dma_wait3A_107, %dma_wait3A_108] : memref<64x144xf32, #tpu.memory_space<vmem>> -> memref<64x144xf32, #tpu.memory_space<vmem>>
        %dma_wait3A_110 = arith.constant 0 : i32
        %dma_wait3A_111 = tpu.memref_slice %arg6[%add3A_88, %dma_wait3A_110] : memref<10000x144xf32, #tpu.memory_space<vmem_shared>> -> memref<64x144xf32, #tpu.memory_space<vmem_shared>>
        %dma_wait3A_112 = arith.constant 0 : i32
        %dma_wait3A_113 = tpu.memref_slice %arg6[%add3A_88, %dma_wait3A_112] : memref<10000x144xf32, #tpu.memory_space<vmem_shared>> -> memref<64x144xf32, #tpu.memory_space<vmem_shared>>
        %dma_wait3A_114 = arith.constant 0 : i32
        %dma_wait3A_115 = arith.constant 0 : i32
        %dma_wait3A_116 = tpu.memref_slice %arg14[%dma_wait3A_114, %dma_wait3A_115] : memref<64x144xf32, #tpu.memory_space<vmem>> -> memref<64x144xf32, #tpu.memory_space<vmem>>
        tpu.wait_dma2 semaphore(%run_scoped3A : memref<!tpu.dma_semaphore, #tpu.memory_space<semaphore_mem>>) src(%dma_wait3A_116 : memref<64x144xf32, #tpu.memory_space<vmem>>) dst(%dma_wait3A_113 : memref<64x144xf32, #tpu.memory_space<vmem_shared>>)
        tpu.yield
      }) : () -> ()
      %add3A_89 = arith.constant 320 : i32
      %add3A_90 = arith.addi %mul3A_7, %add3A_89 : i32
      "tpu.region"() ({
        %run_scoped3A = tpu.sem_alloc : memref<!tpu.dma_semaphore, #tpu.memory_space<semaphore_mem>>
        %dma_start3A_97 = arith.constant 0 : i32
        %dma_start3A_98 = arith.constant 0 : i32
        %dma_start3A_99 = tpu.memref_slice %arg14[%dma_start3A_97, %dma_start3A_98] : memref<64x144xf32, #tpu.memory_space<vmem>> -> memref<64x144xf32, #tpu.memory_space<vmem>>
        %dma_start3A_100 = arith.constant 0 : i32
        %dma_start3A_101 = tpu.memref_slice %arg6[%add3A_90, %dma_start3A_100] : memref<10000x144xf32, #tpu.memory_space<vmem_shared>> -> memref<64x144xf32, #tpu.memory_space<vmem_shared>>
        %dma_start3A_102 = arith.constant 0 : i32
        %dma_start3A_103 = tpu.memref_slice %arg6[%add3A_90, %dma_start3A_102] : memref<10000x144xf32, #tpu.memory_space<vmem_shared>> -> memref<64x144xf32, #tpu.memory_space<vmem_shared>>
        %dma_start3A_104 = arith.constant 0 : i32
        %dma_start3A_105 = arith.constant 0 : i32
        %dma_start3A_106 = tpu.memref_slice %arg14[%dma_start3A_104, %dma_start3A_105] : memref<64x144xf32, #tpu.memory_space<vmem>> -> memref<64x144xf32, #tpu.memory_space<vmem>>
        tpu.enqueue_dma source(%dma_start3A_106 : memref<64x144xf32, #tpu.memory_space<vmem>>) target(%dma_start3A_103 : memref<64x144xf32, #tpu.memory_space<vmem_shared>>) target_semaphore(%run_scoped3A : memref<!tpu.dma_semaphore, #tpu.memory_space<semaphore_mem>>)
        %dma_wait3A_107 = arith.constant 0 : i32
        %dma_wait3A_108 = arith.constant 0 : i32
        %dma_wait3A_109 = tpu.memref_slice %arg14[%dma_wait3A_107, %dma_wait3A_108] : memref<64x144xf32, #tpu.memory_space<vmem>> -> memref<64x144xf32, #tpu.memory_space<vmem>>
        %dma_wait3A_110 = arith.constant 0 : i32
        %dma_wait3A_111 = tpu.memref_slice %arg6[%add3A_90, %dma_wait3A_110] : memref<10000x144xf32, #tpu.memory_space<vmem_shared>> -> memref<64x144xf32, #tpu.memory_space<vmem_shared>>
        %dma_wait3A_112 = arith.constant 0 : i32
        %dma_wait3A_113 = tpu.memref_slice %arg6[%add3A_90, %dma_wait3A_112] : memref<10000x144xf32, #tpu.memory_space<vmem_shared>> -> memref<64x144xf32, #tpu.memory_space<vmem_shared>>
        %dma_wait3A_114 = arith.constant 0 : i32
        %dma_wait3A_115 = arith.constant 0 : i32
        %dma_wait3A_116 = tpu.memref_slice %arg14[%dma_wait3A_114, %dma_wait3A_115] : memref<64x144xf32, #tpu.memory_space<vmem>> -> memref<64x144xf32, #tpu.memory_space<vmem>>
        tpu.wait_dma2 semaphore(%run_scoped3A : memref<!tpu.dma_semaphore, #tpu.memory_space<semaphore_mem>>) src(%dma_wait3A_116 : memref<64x144xf32, #tpu.memory_space<vmem>>) dst(%dma_wait3A_113 : memref<64x144xf32, #tpu.memory_space<vmem_shared>>)
        tpu.yield
      }) : () -> ()
      %add3A_91 = arith.constant 384 : i32
      %add3A_92 = arith.addi %mul3A_7, %add3A_91 : i32
      "tpu.region"() ({
        %run_scoped3A = tpu.sem_alloc : memref<!tpu.dma_semaphore, #tpu.memory_space<semaphore_mem>>
        %dma_start3A_97 = arith.constant 0 : i32
        %dma_start3A_98 = arith.constant 0 : i32
        %dma_start3A_99 = tpu.memref_slice %arg14[%dma_start3A_97, %dma_start3A_98] : memref<64x144xf32, #tpu.memory_space<vmem>> -> memref<64x144xf32, #tpu.memory_space<vmem>>
        %dma_start3A_100 = arith.constant 0 : i32
        %dma_start3A_101 = tpu.memref_slice %arg6[%add3A_92, %dma_start3A_100] : memref<10000x144xf32, #tpu.memory_space<vmem_shared>> -> memref<64x144xf32, #tpu.memory_space<vmem_shared>>
        %dma_start3A_102 = arith.constant 0 : i32
        %dma_start3A_103 = tpu.memref_slice %arg6[%add3A_92, %dma_start3A_102] : memref<10000x144xf32, #tpu.memory_space<vmem_shared>> -> memref<64x144xf32, #tpu.memory_space<vmem_shared>>
        %dma_start3A_104 = arith.constant 0 : i32
        %dma_start3A_105 = arith.constant 0 : i32
        %dma_start3A_106 = tpu.memref_slice %arg14[%dma_start3A_104, %dma_start3A_105] : memref<64x144xf32, #tpu.memory_space<vmem>> -> memref<64x144xf32, #tpu.memory_space<vmem>>
        tpu.enqueue_dma source(%dma_start3A_106 : memref<64x144xf32, #tpu.memory_space<vmem>>) target(%dma_start3A_103 : memref<64x144xf32, #tpu.memory_space<vmem_shared>>) target_semaphore(%run_scoped3A : memref<!tpu.dma_semaphore, #tpu.memory_space<semaphore_mem>>)
        %dma_wait3A_107 = arith.constant 0 : i32
        %dma_wait3A_108 = arith.constant 0 : i32
        %dma_wait3A_109 = tpu.memref_slice %arg14[%dma_wait3A_107, %dma_wait3A_108] : memref<64x144xf32, #tpu.memory_space<vmem>> -> memref<64x144xf32, #tpu.memory_space<vmem>>
        %dma_wait3A_110 = arith.constant 0 : i32
        %dma_wait3A_111 = tpu.memref_slice %arg6[%add3A_92, %dma_wait3A_110] : memref<10000x144xf32, #tpu.memory_space<vmem_shared>> -> memref<64x144xf32, #tpu.memory_space<vmem_shared>>
        %dma_wait3A_112 = arith.constant 0 : i32
        %dma_wait3A_113 = tpu.memref_slice %arg6[%add3A_92, %dma_wait3A_112] : memref<10000x144xf32, #tpu.memory_space<vmem_shared>> -> memref<64x144xf32, #tpu.memory_space<vmem_shared>>
        %dma_wait3A_114 = arith.constant 0 : i32
        %dma_wait3A_115 = arith.constant 0 : i32
        %dma_wait3A_116 = tpu.memref_slice %arg14[%dma_wait3A_114, %dma_wait3A_115] : memref<64x144xf32, #tpu.memory_space<vmem>> -> memref<64x144xf32, #tpu.memory_space<vmem>>
        tpu.wait_dma2 semaphore(%run_scoped3A : memref<!tpu.dma_semaphore, #tpu.memory_space<semaphore_mem>>) src(%dma_wait3A_116 : memref<64x144xf32, #tpu.memory_space<vmem>>) dst(%dma_wait3A_113 : memref<64x144xf32, #tpu.memory_space<vmem_shared>>)
        tpu.yield
      }) : () -> ()
      %add3A_93 = arith.constant 448 : i32
      %add3A_94 = arith.addi %mul3A_7, %add3A_93 : i32
      "tpu.region"() ({
        %run_scoped3A = tpu.sem_alloc : memref<!tpu.dma_semaphore, #tpu.memory_space<semaphore_mem>>
        %dma_start3A_97 = arith.constant 0 : i32
        %dma_start3A_98 = arith.constant 0 : i32
        %dma_start3A_99 = tpu.memref_slice %arg14[%dma_start3A_97, %dma_start3A_98] : memref<64x144xf32, #tpu.memory_space<vmem>> -> memref<64x144xf32, #tpu.memory_space<vmem>>
        %dma_start3A_100 = arith.constant 0 : i32
        %dma_start3A_101 = tpu.memref_slice %arg6[%add3A_94, %dma_start3A_100] : memref<10000x144xf32, #tpu.memory_space<vmem_shared>> -> memref<64x144xf32, #tpu.memory_space<vmem_shared>>
        %dma_start3A_102 = arith.constant 0 : i32
        %dma_start3A_103 = tpu.memref_slice %arg6[%add3A_94, %dma_start3A_102] : memref<10000x144xf32, #tpu.memory_space<vmem_shared>> -> memref<64x144xf32, #tpu.memory_space<vmem_shared>>
        %dma_start3A_104 = arith.constant 0 : i32
        %dma_start3A_105 = arith.constant 0 : i32
        %dma_start3A_106 = tpu.memref_slice %arg14[%dma_start3A_104, %dma_start3A_105] : memref<64x144xf32, #tpu.memory_space<vmem>> -> memref<64x144xf32, #tpu.memory_space<vmem>>
        tpu.enqueue_dma source(%dma_start3A_106 : memref<64x144xf32, #tpu.memory_space<vmem>>) target(%dma_start3A_103 : memref<64x144xf32, #tpu.memory_space<vmem_shared>>) target_semaphore(%run_scoped3A : memref<!tpu.dma_semaphore, #tpu.memory_space<semaphore_mem>>)
        %dma_wait3A_107 = arith.constant 0 : i32
        %dma_wait3A_108 = arith.constant 0 : i32
        %dma_wait3A_109 = tpu.memref_slice %arg14[%dma_wait3A_107, %dma_wait3A_108] : memref<64x144xf32, #tpu.memory_space<vmem>> -> memref<64x144xf32, #tpu.memory_space<vmem>>
        %dma_wait3A_110 = arith.constant 0 : i32
        %dma_wait3A_111 = tpu.memref_slice %arg6[%add3A_94, %dma_wait3A_110] : memref<10000x144xf32, #tpu.memory_space<vmem_shared>> -> memref<64x144xf32, #tpu.memory_space<vmem_shared>>
        %dma_wait3A_112 = arith.constant 0 : i32
        %dma_wait3A_113 = tpu.memref_slice %arg6[%add3A_94, %dma_wait3A_112] : memref<10000x144xf32, #tpu.memory_space<vmem_shared>> -> memref<64x144xf32, #tpu.memory_space<vmem_shared>>
        %dma_wait3A_114 = arith.constant 0 : i32
        %dma_wait3A_115 = arith.constant 0 : i32
        %dma_wait3A_116 = tpu.memref_slice %arg14[%dma_wait3A_114, %dma_wait3A_115] : memref<64x144xf32, #tpu.memory_space<vmem>> -> memref<64x144xf32, #tpu.memory_space<vmem>>
        tpu.wait_dma2 semaphore(%run_scoped3A : memref<!tpu.dma_semaphore, #tpu.memory_space<semaphore_mem>>) src(%dma_wait3A_116 : memref<64x144xf32, #tpu.memory_space<vmem>>) dst(%dma_wait3A_113 : memref<64x144xf32, #tpu.memory_space<vmem_shared>>)
        tpu.yield
      }) : () -> ()
      %add3A_95 = arith.constant 512 : i32
      %add3A_96 = arith.addi %mul3A_7, %add3A_95 : i32
      "tpu.region"() ({
        %run_scoped3A = tpu.sem_alloc : memref<!tpu.dma_semaphore, #tpu.memory_space<semaphore_mem>>
        %dma_start3A_97 = arith.constant 0 : i32
        %dma_start3A_98 = arith.constant 0 : i32
        %dma_start3A_99 = tpu.memref_slice %arg14[%dma_start3A_97, %dma_start3A_98] : memref<64x144xf32, #tpu.memory_space<vmem>> -> memref<8x144xf32, #tpu.memory_space<vmem>>
        %dma_start3A_100 = arith.constant 0 : i32
        %dma_start3A_101 = tpu.memref_slice %arg6[%add3A_96, %dma_start3A_100] : memref<10000x144xf32, #tpu.memory_space<vmem_shared>> -> memref<8x144xf32, #tpu.memory_space<vmem_shared>>
        %dma_start3A_102 = arith.constant 0 : i32
        %dma_start3A_103 = tpu.memref_slice %arg6[%add3A_96, %dma_start3A_102] : memref<10000x144xf32, #tpu.memory_space<vmem_shared>> -> memref<8x144xf32, #tpu.memory_space<vmem_shared>>
        %dma_start3A_104 = arith.constant 0 : i32
        %dma_start3A_105 = arith.constant 0 : i32
        %dma_start3A_106 = tpu.memref_slice %arg14[%dma_start3A_104, %dma_start3A_105] : memref<64x144xf32, #tpu.memory_space<vmem>> -> memref<8x144xf32, #tpu.memory_space<vmem>>
        tpu.enqueue_dma source(%dma_start3A_106 : memref<8x144xf32, #tpu.memory_space<vmem>>) target(%dma_start3A_103 : memref<8x144xf32, #tpu.memory_space<vmem_shared>>) target_semaphore(%run_scoped3A : memref<!tpu.dma_semaphore, #tpu.memory_space<semaphore_mem>>)
        %dma_wait3A_107 = arith.constant 0 : i32
        %dma_wait3A_108 = arith.constant 0 : i32
        %dma_wait3A_109 = tpu.memref_slice %arg14[%dma_wait3A_107, %dma_wait3A_108] : memref<64x144xf32, #tpu.memory_space<vmem>> -> memref<8x144xf32, #tpu.memory_space<vmem>>
        %dma_wait3A_110 = arith.constant 0 : i32
        %dma_wait3A_111 = tpu.memref_slice %arg6[%add3A_96, %dma_wait3A_110] : memref<10000x144xf32, #tpu.memory_space<vmem_shared>> -> memref<8x144xf32, #tpu.memory_space<vmem_shared>>
        %dma_wait3A_112 = arith.constant 0 : i32
        %dma_wait3A_113 = tpu.memref_slice %arg6[%add3A_96, %dma_wait3A_112] : memref<10000x144xf32, #tpu.memory_space<vmem_shared>> -> memref<8x144xf32, #tpu.memory_space<vmem_shared>>
        %dma_wait3A_114 = arith.constant 0 : i32
        %dma_wait3A_115 = arith.constant 0 : i32
        %dma_wait3A_116 = tpu.memref_slice %arg14[%dma_wait3A_114, %dma_wait3A_115] : memref<64x144xf32, #tpu.memory_space<vmem>> -> memref<8x144xf32, #tpu.memory_space<vmem>>
        tpu.wait_dma2 semaphore(%run_scoped3A : memref<!tpu.dma_semaphore, #tpu.memory_space<semaphore_mem>>) src(%dma_wait3A_116 : memref<8x144xf32, #tpu.memory_space<vmem>>) dst(%dma_wait3A_113 : memref<8x144xf32, #tpu.memory_space<vmem_shared>>)
        tpu.yield
      }) : () -> ()
    } else {
    }
    %barrier3A = arith.constant 0 : index
    tpu.barrier barrier_id(%barrier3A)
    %iota3A = tpu.iota {dimensions = array<i32: 0>} : vector<16xi32>
    %mul3A_14 = arith.constant 156 : i32
    %mul3A_15 = arith.muli %mul3A_14, %add3A : i32
    %min3A = arith.constant 4 : i32
    %min3A_16 = arith.minsi %add3A, %min3A : i32
    %mul3A_17 = arith.constant 2 : i32
    %mul3A_18 = arith.muli %mul3A_17, %min3A_16 : i32
    %add3A_19 = arith.addi %mul3A_15, %mul3A_18 : i32
    %lt3A_20 = arith.constant 4 : i32
    %lt3A_21 = arith.cmpi slt, %add3A, %lt3A_20 : i32
    %jit3A = arith.constant 79 : i32
    %jit3A_22 = arith.constant 78 : i32
    %select_n3A = arith.select %lt3A_21, %jit3A, %jit3A_22 : i32
    %jit3A_23 = arith.constant 2 : i32
    %div3A = arith.divsi %add3A_19, %jit3A_23 : i32
    %sign3A = arith.constant 0 : i32
    %sign3A_24 = arith.cmpi sgt, %add3A_19, %sign3A : i32
    %sign3A_25 = arith.extui %sign3A_24 : i1 to i32
    %sign3A_26 = arith.constant 0 : i32
    %sign3A_27 = arith.cmpi slt, %add3A_19, %sign3A_26 : i32
    %sign3A_28 = arith.extui %sign3A_27 : i1 to i32
    %sign3A_29 = arith.subi %sign3A_25, %sign3A_28 : i32
    %sign3A_30 = arith.constant 0 : i32
    %sign3A_31 = arith.cmpi sgt, %jit3A_23, %sign3A_30 : i32
    %sign3A_32 = arith.extui %sign3A_31 : i1 to i32
    %sign3A_33 = arith.constant 0 : i32
    %sign3A_34 = arith.cmpi slt, %jit3A_23, %sign3A_33 : i32
    %sign3A_35 = arith.extui %sign3A_34 : i1 to i32
    %sign3A_36 = arith.subi %sign3A_32, %sign3A_35 : i32
    %ne3A = arith.cmpi ne, %sign3A_29, %sign3A_36 : i32
    %rem3A = arith.remsi %add3A_19, %jit3A_23 : i32
    %ne3A_37 = arith.constant 0 : i32
    %ne3A_38 = arith.cmpi ne, %rem3A, %ne3A_37 : i32
    %and3A = arith.andi %ne3A, %ne3A_38 : i1
    %sub3A = arith.constant 1 : i32
    %sub3A_39 = arith.subi %div3A, %sub3A : i32
    %select_n3A_40 = arith.select %and3A, %sub3A_39, %div3A : i32
    "tpu.region"() ({
      %run_scoped3A = tpu.sem_alloc : memref<!tpu.dma_semaphore, #tpu.memory_space<semaphore_mem>>
      %dma_start3A_79 = arith.constant 0 : i32
      %dma_start3A_80 = arith.constant 0 : i32
      %dma_start3A_81 = tpu.memref_slice %arg4[%select_n3A_40, %dma_start3A_79, %dma_start3A_80] : memref<2500x2x128xi32, #tpu.memory_space<hbm>> -> memref<1x2x128xi32, #tpu.memory_space<hbm>>
      %dma_start3A_82 = tpu.memref_squeeze %dma_start3A_81 : memref<1x2x128xi32, #tpu.memory_space<hbm>> -> memref<2x128xi32, #tpu.memory_space<hbm>>
      %dma_start3A_83 = arith.constant 0 : i32
      %dma_start3A_84 = arith.constant 0 : i32
      %dma_start3A_85 = tpu.memref_slice %arg4[%select_n3A_40, %dma_start3A_83, %dma_start3A_84] : memref<2500x2x128xi32, #tpu.memory_space<hbm>> -> memref<1x2x128xi32, #tpu.memory_space<hbm>>
      %dma_start3A_86 = tpu.memref_squeeze %dma_start3A_85 : memref<1x2x128xi32, #tpu.memory_space<hbm>> -> memref<2x128xi32, #tpu.memory_space<hbm>>
      tpu.enqueue_dma source(%dma_start3A_86 : memref<2x128xi32, #tpu.memory_space<hbm>>) target(%arg7 : memref<2x128xi32, #tpu.memory_space<vmem>>) target_semaphore(%run_scoped3A : memref<!tpu.dma_semaphore, #tpu.memory_space<semaphore_mem>>)
      %dma_wait3A_87 = arith.constant 0 : i32
      %dma_wait3A_88 = arith.constant 0 : i32
      %dma_wait3A_89 = tpu.memref_slice %arg4[%select_n3A_40, %dma_wait3A_87, %dma_wait3A_88] : memref<2500x2x128xi32, #tpu.memory_space<hbm>> -> memref<1x2x128xi32, #tpu.memory_space<hbm>>
      %dma_wait3A_90 = tpu.memref_squeeze %dma_wait3A_89 : memref<1x2x128xi32, #tpu.memory_space<hbm>> -> memref<2x128xi32, #tpu.memory_space<hbm>>
      %dma_wait3A_91 = arith.constant 0 : i32
      %dma_wait3A_92 = arith.constant 0 : i32
      %dma_wait3A_93 = tpu.memref_slice %arg4[%select_n3A_40, %dma_wait3A_91, %dma_wait3A_92] : memref<2500x2x128xi32, #tpu.memory_space<hbm>> -> memref<1x2x128xi32, #tpu.memory_space<hbm>>
      %dma_wait3A_94 = tpu.memref_squeeze %dma_wait3A_93 : memref<1x2x128xi32, #tpu.memory_space<hbm>> -> memref<2x128xi32, #tpu.memory_space<hbm>>
      tpu.wait_dma2 semaphore(%run_scoped3A : memref<!tpu.dma_semaphore, #tpu.memory_space<semaphore_mem>>) src(%dma_wait3A_94 : memref<2x128xi32, #tpu.memory_space<hbm>>) dst(%arg7 : memref<2x128xi32, #tpu.memory_space<vmem>>)
      tpu.yield
    }) : () -> ()
    %dma_start3A = arith.constant 0 : i32
    %dma_start3A_41 = arith.constant 0 : i32
    %dma_start3A_42 = tpu.memref_slice %arg7[%dma_start3A, %dma_start3A_41] : memref<2x128xi32, #tpu.memory_space<vmem>> -> memref<1x64xi32, #tpu.memory_space<vmem>>
    %dma_start3A_43 = tpu.memref_squeeze %dma_start3A_42 : memref<1x64xi32, #tpu.memory_space<vmem>> -> memref<64xi32, #tpu.memory_space<vmem>>
    %dma_start3A_44 = arith.constant 0 : i32
    %dma_start3A_45 = arith.constant 0 : i32
    %dma_start3A_46 = tpu.memref_slice %arg2[%dma_start3A_44, %dma_start3A_45] : memref<10000x144xf32, #tpu.memory_space<hbm>> -> memref<10000x144xf32, #tpu.memory_space<hbm>>
    tpu.enqueue_indirect_dma source(%dma_start3A_46 : memref<10000x144xf32, #tpu.memory_space<hbm>>) target(%arg10 : memref<64x144xf32, #tpu.memory_space<vmem>>) offsets(%dma_start3A_43 : memref<64xi32, #tpu.memory_space<vmem>>) semaphore(%arg16 : memref<!tpu.dma_semaphore, #tpu.memory_space<semaphore_mem>>)
    %dma_start3A_47 = arith.constant 1 : i32
    %dma_start3A_48 = arith.constant 0 : i32
    %dma_start3A_49 = tpu.memref_slice %arg7[%dma_start3A_47, %dma_start3A_48] : memref<2x128xi32, #tpu.memory_space<vmem>> -> memref<1x64xi32, #tpu.memory_space<vmem>>
    %dma_start3A_50 = tpu.memref_squeeze %dma_start3A_49 : memref<1x64xi32, #tpu.memory_space<vmem>> -> memref<64xi32, #tpu.memory_space<vmem>>
    %dma_start3A_51 = arith.constant 0 : i32
    %dma_start3A_52 = arith.constant 0 : i32
    %dma_start3A_53 = tpu.memref_slice %arg3[%dma_start3A_51, %dma_start3A_52] : memref<10000x16xf32, #tpu.memory_space<hbm>> -> memref<10000x16xf32, #tpu.memory_space<hbm>>
    tpu.enqueue_indirect_dma source(%dma_start3A_53 : memref<10000x16xf32, #tpu.memory_space<hbm>>) target(%arg12 : memref<64x16xf32, #tpu.memory_space<vmem>>) offsets(%dma_start3A_50 : memref<64xi32, #tpu.memory_space<vmem>>) semaphore(%arg16 : memref<!tpu.dma_semaphore, #tpu.memory_space<semaphore_mem>>)
    %while3A = arith.constant 0 : i32
    %while3A_54 = arith.constant 0 : i32
    %while3A_55 = arith.subi %select_n3A, %while3A_54 : i32
    %while3A_56 = arith.addi %while3A_54, %while3A_55 : i32
    %while3A_57 = arith.constant 1 : i32
    %while3A_58 = arith.divsi %while3A_55, %while3A_57 : i32
    %while3A_59 = arith.muli %while3A_58, %while3A_57 : i32
    %while3A_60 = arith.addi %while3A_54, %while3A_59 : i32
    %while3A_61 = arith.constant 1 : i32
    scf.for %while3A_79 = %while3A_54 to %while3A_60 step %while3A_61  : i32 {
      %dma_start3A_80 = arith.constant 0 : i32
      %dma_start3A_81 = arith.constant 64 : i32
      %dma_start3A_82 = tpu.memref_slice %arg7[%dma_start3A_80, %dma_start3A_81] : memref<2x128xi32, #tpu.memory_space<vmem>> -> memref<1x64xi32, #tpu.memory_space<vmem>>
      %dma_start3A_83 = tpu.memref_squeeze %dma_start3A_82 : memref<1x64xi32, #tpu.memory_space<vmem>> -> memref<64xi32, #tpu.memory_space<vmem>>
      %dma_start3A_84 = arith.constant 0 : i32
      %dma_start3A_85 = arith.constant 0 : i32
      %dma_start3A_86 = tpu.memref_slice %arg2[%dma_start3A_84, %dma_start3A_85] : memref<10000x144xf32, #tpu.memory_space<hbm>> -> memref<10000x144xf32, #tpu.memory_space<hbm>>
      tpu.enqueue_indirect_dma source(%dma_start3A_86 : memref<10000x144xf32, #tpu.memory_space<hbm>>) target(%arg11 : memref<64x144xf32, #tpu.memory_space<vmem>>) offsets(%dma_start3A_83 : memref<64xi32, #tpu.memory_space<vmem>>) semaphore(%arg17 : memref<!tpu.dma_semaphore, #tpu.memory_space<semaphore_mem>>)
      %dma_start3A_87 = arith.constant 1 : i32
      %dma_start3A_88 = arith.constant 64 : i32
      %dma_start3A_89 = tpu.memref_slice %arg7[%dma_start3A_87, %dma_start3A_88] : memref<2x128xi32, #tpu.memory_space<vmem>> -> memref<1x64xi32, #tpu.memory_space<vmem>>
      %dma_start3A_90 = tpu.memref_squeeze %dma_start3A_89 : memref<1x64xi32, #tpu.memory_space<vmem>> -> memref<64xi32, #tpu.memory_space<vmem>>
      %dma_start3A_91 = arith.constant 0 : i32
      %dma_start3A_92 = arith.constant 0 : i32
      %dma_start3A_93 = tpu.memref_slice %arg3[%dma_start3A_91, %dma_start3A_92] : memref<10000x16xf32, #tpu.memory_space<hbm>> -> memref<10000x16xf32, #tpu.memory_space<hbm>>
      tpu.enqueue_indirect_dma source(%dma_start3A_93 : memref<10000x16xf32, #tpu.memory_space<hbm>>) target(%arg13 : memref<64x16xf32, #tpu.memory_space<vmem>>) offsets(%dma_start3A_90 : memref<64xi32, #tpu.memory_space<vmem>>) semaphore(%arg17 : memref<!tpu.dma_semaphore, #tpu.memory_space<semaphore_mem>>)
      %dma_wait3A_94 = arith.constant 0 : i32
      %dma_wait3A_95 = arith.constant 0 : i32
      %dma_wait3A_96 = tpu.memref_slice %arg2[%dma_wait3A_94, %dma_wait3A_95] : memref<10000x144xf32, #tpu.memory_space<hbm>> -> memref<64x144xf32, #tpu.memory_space<hbm>>
      %dma_wait3A_97 = arith.constant 0 : i32
      %dma_wait3A_98 = arith.constant 0 : i32
      %dma_wait3A_99 = tpu.memref_slice %arg2[%dma_wait3A_97, %dma_wait3A_98] : memref<10000x144xf32, #tpu.memory_space<hbm>> -> memref<64x144xf32, #tpu.memory_space<hbm>>
      tpu.wait_dma2 semaphore(%arg16 : memref<!tpu.dma_semaphore, #tpu.memory_space<semaphore_mem>>) src(%dma_wait3A_99 : memref<64x144xf32, #tpu.memory_space<hbm>>) dst(%arg10 : memref<64x144xf32, #tpu.memory_space<vmem>>)
      %dma_wait3A_100 = arith.constant 0 : i32
      %dma_wait3A_101 = arith.constant 0 : i32
      %dma_wait3A_102 = tpu.memref_slice %arg3[%dma_wait3A_100, %dma_wait3A_101] : memref<10000x16xf32, #tpu.memory_space<hbm>> -> memref<64x16xf32, #tpu.memory_space<hbm>>
      %dma_wait3A_103 = arith.constant 0 : i32
      %dma_wait3A_104 = arith.constant 0 : i32
      %dma_wait3A_105 = tpu.memref_slice %arg3[%dma_wait3A_103, %dma_wait3A_104] : memref<10000x16xf32, #tpu.memory_space<hbm>> -> memref<64x16xf32, #tpu.memory_space<hbm>>
      tpu.wait_dma2 semaphore(%arg16 : memref<!tpu.dma_semaphore, #tpu.memory_space<semaphore_mem>>) src(%dma_wait3A_105 : memref<64x16xf32, #tpu.memory_space<hbm>>) dst(%arg12 : memref<64x16xf32, #tpu.memory_space<vmem>>)
      %get3A = arith.constant 1 : i32
      %get3A_106 = arith.index_cast %get3A : i32 to index
      %get3A_107 = arith.constant 0 : index
      %get3A_108 = tpu.vector_load %arg7[%get3A_106, %get3A_107] {strides = array<i32>} : memref<2x128xi32, #tpu.memory_space<vmem>>, vector<16xi32>,
      %swap3A = arith.constant 0 : i32
      %swap3A_109 = arith.index_cast %swap3A : i32 to index
      %swap3A_110 = arith.constant 0 : index
      %swap3A_111 = tpu.vector_load %arg8[%swap3A_109, %swap3A_110] {strides = array<i32>} : memref<1x64xi32, #tpu.memory_space<vmem>>, vector<16xi32>,
      tpu.vector_store %arg8[%swap3A_109, %swap3A_110], %get3A_108 {strides = array<i32>} : memref<1x64xi32, #tpu.memory_space<vmem>>, vector<16xi32>,
      %get3A_112 = arith.constant 1 : i32
      %get3A_113 = arith.index_cast %get3A_112 : i32 to index
      %get3A_114 = arith.constant 16 : index
      %get3A_115 = tpu.vector_load %arg7[%get3A_113, %get3A_114] {strides = array<i32>} : memref<2x128xi32, #tpu.memory_space<vmem>>, vector<16xi32>,
      %swap3A_116 = arith.constant 0 : i32
      %swap3A_117 = arith.index_cast %swap3A_116 : i32 to index
      %swap3A_118 = arith.constant 16 : index
      %swap3A_119 = tpu.vector_load %arg8[%swap3A_117, %swap3A_118] {strides = array<i32>} : memref<1x64xi32, #tpu.memory_space<vmem>>, vector<16xi32>,
      tpu.vector_store %arg8[%swap3A_117, %swap3A_118], %get3A_115 {strides = array<i32>} : memref<1x64xi32, #tpu.memory_space<vmem>>, vector<16xi32>,
      %get3A_120 = arith.constant 1 : i32
      %get3A_121 = arith.index_cast %get3A_120 : i32 to index
      %get3A_122 = arith.constant 32 : index
      %get3A_123 = tpu.vector_load %arg7[%get3A_121, %get3A_122] {strides = array<i32>} : memref<2x128xi32, #tpu.memory_space<vmem>>, vector<16xi32>,
      %swap3A_124 = arith.constant 0 : i32
      %swap3A_125 = arith.index_cast %swap3A_124 : i32 to index
      %swap3A_126 = arith.constant 32 : index
      %swap3A_127 = tpu.vector_load %arg8[%swap3A_125, %swap3A_126] {strides = array<i32>} : memref<1x64xi32, #tpu.memory_space<vmem>>, vector<16xi32>,
      tpu.vector_store %arg8[%swap3A_125, %swap3A_126], %get3A_123 {strides = array<i32>} : memref<1x64xi32, #tpu.memory_space<vmem>>, vector<16xi32>,
      %get3A_128 = arith.constant 1 : i32
      %get3A_129 = arith.index_cast %get3A_128 : i32 to index
      %get3A_130 = arith.constant 48 : index
      %get3A_131 = tpu.vector_load %arg7[%get3A_129, %get3A_130] {strides = array<i32>} : memref<2x128xi32, #tpu.memory_space<vmem>>, vector<16xi32>,
      %swap3A_132 = arith.constant 0 : i32
      %swap3A_133 = arith.index_cast %swap3A_132 : i32 to index
      %swap3A_134 = arith.constant 48 : index
      %swap3A_135 = tpu.vector_load %arg8[%swap3A_133, %swap3A_134] {strides = array<i32>} : memref<1x64xi32, #tpu.memory_space<vmem>>, vector<16xi32>,
      tpu.vector_store %arg8[%swap3A_133, %swap3A_134], %get3A_131 {strides = array<i32>} : memref<1x64xi32, #tpu.memory_space<vmem>>, vector<16xi32>,
      %parallel_loop3A = arith.constant 0 : i32
      %parallel_loop3A_136 = arith.constant 16 : i32
      %parallel_loop3A_137 = arith.constant 1 : i32
      scf.for %parallel_loop3A_227 = %parallel_loop3A to %parallel_loop3A_136 step %parallel_loop3A_137  : i32 {
        %parallel_loop3A_228 = arith.constant 2 : i32
        %parallel_loop3A_229 = arith.shrsi %parallel_loop3A_227, %parallel_loop3A_228 : i32
        %parallel_loop3A_230 = arith.constant 3 : i32
        %parallel_loop3A_231 = arith.andi %parallel_loop3A_227, %parallel_loop3A_230 : i32
        %parallel_loop3A_232 = arith.constant 16 : i32
        %parallel_loop3A_233 = arith.muli %parallel_loop3A_229, %parallel_loop3A_232 : i32
        %parallel_loop3A_234 = vector.broadcast %parallel_loop3A_233 : i32 to vector<16xi32>
        %parallel_loop3A_235 = arith.addi %iota3A, %parallel_loop3A_234 : vector<16xi32>
        %parallel_loop3A_236 = arith.constant 128 : i32
        %parallel_loop3A_237 = vector.broadcast %parallel_loop3A_236 : i32 to vector<16xi32>
        %parallel_loop3A_238 = vector.broadcast %parallel_loop3A_231 : i32 to vector<16xi32>
        %parallel_loop3A_239 = arith.addi %parallel_loop3A_237, %parallel_loop3A_238 : vector<16xi32>
        %parallel_loop3A_240 = tpu.vector_load_idx %arg10[%parallel_loop3A_235, %parallel_loop3A_239] : memref<64x144xf32, #tpu.memory_space<vmem>>[vector<16xi32>, vector<16xi32>], vector<16xf32>,
        %parallel_loop3A_241 = arith.constant 4 : i32
        %parallel_loop3A_242 = vector.broadcast %parallel_loop3A_241 : i32 to vector<16xi32>
        %parallel_loop3A_243 = vector.broadcast %parallel_loop3A_231 : i32 to vector<16xi32>
        %parallel_loop3A_244 = arith.addi %parallel_loop3A_242, %parallel_loop3A_243 : vector<16xi32>
        %parallel_loop3A_245 = tpu.vector_load_idx %arg12[%parallel_loop3A_235, %parallel_loop3A_244] : memref<64x16xf32, #tpu.memory_space<vmem>>[vector<16xi32>, vector<16xi32>], vector<16xf32>,
        %parallel_loop3A_246 = arith.addf %parallel_loop3A_240, %parallel_loop3A_245 : vector<16xf32>
        %parallel_loop3A_247 = arith.constant 0.000000e+00 : f32
        %parallel_loop3A_248 = vector.broadcast %parallel_loop3A_247 : f32 to vector<16xf32>
        %parallel_loop3A_249 = arith.cmpf ogt, %parallel_loop3A_246, %parallel_loop3A_248 : vector<16xf32>
        %parallel_loop3A_250 = arith.constant 2.000000e-01 : f32
        %parallel_loop3A_251 = vector.broadcast %parallel_loop3A_250 : f32 to vector<16xf32>
        %parallel_loop3A_252 = arith.mulf %parallel_loop3A_251, %parallel_loop3A_246 : vector<16xf32>
        %parallel_loop3A_253 = arith.select %parallel_loop3A_249, %parallel_loop3A_246, %parallel_loop3A_252 : vector<16xi1>, vector<16xf32>
        %parallel_loop3A_254 = math.exp %parallel_loop3A_253 : vector<16xf32>
        %parallel_loop3A_255 = arith.index_cast %parallel_loop3A_227 : i32 to index
        %parallel_loop3A_256 = arith.constant 0 : index
        %parallel_loop3A_257 = tpu.vector_load %arg15[%parallel_loop3A_255, %parallel_loop3A_256] {strides = array<i32>} : memref<16x16xf32, #tpu.memory_space<vmem>>, vector<16xf32>,
        tpu.vector_store %arg15[%parallel_loop3A_255, %parallel_loop3A_256], %parallel_loop3A_254 {strides = array<i32>} : memref<16x16xf32, #tpu.memory_space<vmem>>, vector<16xf32>,
      } {sc.loop_unroll_factor = 4 : i64, sc.parallel_access}
      %gt3A = arith.constant 0 : i32
      %gt3A_138 = arith.cmpi sgt, %while3A_79, %gt3A : i32
      %convert_element_type3A_139 = arith.extui %gt3A_138 : i1 to i32
      %cond3A_140 = arith.constant 0 : i32
      %cond3A_141 = arith.cmpi ne, %convert_element_type3A_139, %cond3A_140 : i32
      scf.if %cond3A_141 {
        %dma_wait3A_227 = arith.constant 0 : i32
        %dma_wait3A_228 = arith.constant 0 : i32
        %dma_wait3A_229 = tpu.memref_slice %arg2[%dma_wait3A_227, %dma_wait3A_228] : memref<10000x144xf32, #tpu.memory_space<hbm>> -> memref<64x144xf32, #tpu.memory_space<hbm>>
        %dma_wait3A_230 = arith.constant 0 : i32
        %dma_wait3A_231 = arith.constant 0 : i32
        %dma_wait3A_232 = tpu.memref_slice %arg2[%dma_wait3A_230, %dma_wait3A_231] : memref<10000x144xf32, #tpu.memory_space<hbm>> -> memref<64x144xf32, #tpu.memory_space<hbm>>
        tpu.wait_dma2 semaphore(%arg18 : memref<!tpu.dma_semaphore, #tpu.memory_space<semaphore_mem>>) src(%dma_wait3A_232 : memref<64x144xf32, #tpu.memory_space<hbm>>) dst(%arg14 : memref<64x144xf32, #tpu.memory_space<vmem>>)
      } else {
      }
      %parallel_loop3A_142 = arith.constant 0 : i32
      %parallel_loop3A_143 = arith.constant 512 : i32
      %parallel_loop3A_144 = arith.constant 1 : i32
      scf.for %parallel_loop3A_227 = %parallel_loop3A_142 to %parallel_loop3A_143 step %parallel_loop3A_144  : i32 {
        %parallel_loop3A_228 = arith.constant 7 : i32
        %parallel_loop3A_229 = arith.shrsi %parallel_loop3A_227, %parallel_loop3A_228 : i32
        %parallel_loop3A_230 = arith.constant 127 : i32
        %parallel_loop3A_231 = arith.andi %parallel_loop3A_227, %parallel_loop3A_230 : i32
        %parallel_loop3A_232 = arith.constant 16 : i32
        %parallel_loop3A_233 = arith.muli %parallel_loop3A_229, %parallel_loop3A_232 : i32
        %parallel_loop3A_234 = vector.broadcast %parallel_loop3A_233 : i32 to vector<16xi32>
        %parallel_loop3A_235 = arith.addi %iota3A, %parallel_loop3A_234 : vector<16xi32>
        %parallel_loop3A_236 = arith.constant 2 : i32
        %parallel_loop3A_237 = arith.shli %parallel_loop3A_229, %parallel_loop3A_236 : i32
        %parallel_loop3A_238 = arith.constant 5 : i32
        %parallel_loop3A_239 = arith.shrsi %parallel_loop3A_231, %parallel_loop3A_238 : i32
        %parallel_loop3A_240 = arith.ori %parallel_loop3A_237, %parallel_loop3A_239 : i32
        %parallel_loop3A_241 = arith.index_cast %parallel_loop3A_240 : i32 to index
        %parallel_loop3A_242 = arith.constant 0 : index
        %parallel_loop3A_243 = tpu.vector_load %arg15[%parallel_loop3A_241, %parallel_loop3A_242] {strides = array<i32>} : memref<16x16xf32, #tpu.memory_space<vmem>>, vector<16xf32>,
        %parallel_loop3A_244 = arith.constant 0 : i32
        %parallel_loop3A_245 = vector.broadcast %parallel_loop3A_244 : i32 to vector<16xi32>
        %parallel_loop3A_246 = vector.broadcast %parallel_loop3A_231 : i32 to vector<16xi32>
        %parallel_loop3A_247 = arith.addi %parallel_loop3A_245, %parallel_loop3A_246 : vector<16xi32>
        %parallel_loop3A_248 = tpu.vector_load_idx %arg10[%parallel_loop3A_235, %parallel_loop3A_247] : memref<64x144xf32, #tpu.memory_space<vmem>>[vector<16xi32>, vector<16xi32>], vector<16xf32>,
        %parallel_loop3A_249 = arith.mulf %parallel_loop3A_248, %parallel_loop3A_243 : vector<16xf32>
        tpu.vector_store_idx %arg14[%parallel_loop3A_235, %parallel_loop3A_247], %parallel_loop3A_249 : memref<64x144xf32, #tpu.memory_space<vmem>>[vector<16xi32>, vector<16xi32>], vector<16xf32>,
      } {sc.loop_unroll_factor = 8 : i64, sc.parallel_access}
      %parallel_loop3A_145 = arith.constant 0 : i32
      %parallel_loop3A_146 = arith.constant 16 : i32
      %parallel_loop3A_147 = arith.constant 1 : i32
      scf.for %parallel_loop3A_227 = %parallel_loop3A_145 to %parallel_loop3A_146 step %parallel_loop3A_147  : i32 {
        %parallel_loop3A_228 = arith.constant 2 : i32
        %parallel_loop3A_229 = arith.shrsi %parallel_loop3A_227, %parallel_loop3A_228 : i32
        %parallel_loop3A_230 = arith.constant 3 : i32
        %parallel_loop3A_231 = arith.andi %parallel_loop3A_227, %parallel_loop3A_230 : i32
        %parallel_loop3A_232 = arith.constant 16 : i32
        %parallel_loop3A_233 = arith.muli %parallel_loop3A_229, %parallel_loop3A_232 : i32
        %parallel_loop3A_234 = vector.broadcast %parallel_loop3A_233 : i32 to vector<16xi32>
        %parallel_loop3A_235 = arith.addi %iota3A, %parallel_loop3A_234 : vector<16xi32>
        %parallel_loop3A_236 = arith.constant 128 : i32
        %parallel_loop3A_237 = vector.broadcast %parallel_loop3A_236 : i32 to vector<16xi32>
        %parallel_loop3A_238 = vector.broadcast %parallel_loop3A_231 : i32 to vector<16xi32>
        %parallel_loop3A_239 = arith.addi %parallel_loop3A_237, %parallel_loop3A_238 : vector<16xi32>
        %parallel_loop3A_240 = arith.index_cast %parallel_loop3A_227 : i32 to index
        %parallel_loop3A_241 = arith.constant 0 : index
        %parallel_loop3A_242 = tpu.vector_load %arg15[%parallel_loop3A_240, %parallel_loop3A_241] {strides = array<i32>} : memref<16x16xf32, #tpu.memory_space<vmem>>, vector<16xf32>,
        tpu.vector_store_idx %arg14[%parallel_loop3A_235, %parallel_loop3A_239], %parallel_loop3A_242 : memref<64x144xf32, #tpu.memory_space<vmem>>[vector<16xi32>, vector<16xi32>], vector<16xf32>,
      } {sc.loop_unroll_factor = 4 : i64, sc.parallel_access}
      %dma_start3A_148 = arith.constant 0 : i32
      %dma_start3A_149 = arith.constant 0 : i32
      %dma_start3A_150 = tpu.memref_slice %arg8[%dma_start3A_148, %dma_start3A_149] : memref<1x64xi32, #tpu.memory_space<vmem>> -> memref<1x64xi32, #tpu.memory_space<vmem>>
      %dma_start3A_151 = tpu.memref_squeeze %dma_start3A_150 : memref<1x64xi32, #tpu.memory_space<vmem>> -> memref<64xi32, #tpu.memory_space<vmem>>
      %dma_start3A_152 = arith.constant 0 : i32
      %dma_start3A_153 = arith.constant 0 : i32
      %dma_start3A_154 = tpu.memref_slice %arg6[%dma_start3A_152, %dma_start3A_153] : memref<10000x144xf32, #tpu.memory_space<vmem_shared>> -> memref<10000x144xf32, #tpu.memory_space<vmem_shared>>
      tpu.enqueue_indirect_dma source(%arg14 : memref<64x144xf32, #tpu.memory_space<vmem>>) target(%dma_start3A_154 : memref<10000x144xf32, #tpu.memory_space<vmem_shared>>) offsets(%dma_start3A_151 : memref<64xi32, #tpu.memory_space<vmem>>) semaphore(%arg18 : memref<!tpu.dma_semaphore, #tpu.memory_space<semaphore_mem>>) {add = true}
      %dma_wait3A_155 = arith.constant 0 : i32
      %dma_wait3A_156 = arith.constant 0 : i32
      %dma_wait3A_157 = tpu.memref_slice %arg2[%dma_wait3A_155, %dma_wait3A_156] : memref<10000x144xf32, #tpu.memory_space<hbm>> -> memref<64x144xf32, #tpu.memory_space<hbm>>
      %dma_wait3A_158 = arith.constant 0 : i32
      %dma_wait3A_159 = arith.constant 0 : i32
      %dma_wait3A_160 = tpu.memref_slice %arg2[%dma_wait3A_158, %dma_wait3A_159] : memref<10000x144xf32, #tpu.memory_space<hbm>> -> memref<64x144xf32, #tpu.memory_space<hbm>>
      tpu.wait_dma2 semaphore(%arg17 : memref<!tpu.dma_semaphore, #tpu.memory_space<semaphore_mem>>) src(%dma_wait3A_160 : memref<64x144xf32, #tpu.memory_space<hbm>>) dst(%arg11 : memref<64x144xf32, #tpu.memory_space<vmem>>)
      %dma_wait3A_161 = arith.constant 0 : i32
      %dma_wait3A_162 = arith.constant 0 : i32
      %dma_wait3A_163 = tpu.memref_slice %arg3[%dma_wait3A_161, %dma_wait3A_162] : memref<10000x16xf32, #tpu.memory_space<hbm>> -> memref<64x16xf32, #tpu.memory_space<hbm>>
      %dma_wait3A_164 = arith.constant 0 : i32
      %dma_wait3A_165 = arith.constant 0 : i32
      %dma_wait3A_166 = tpu.memref_slice %arg3[%dma_wait3A_164, %dma_wait3A_165] : memref<10000x16xf32, #tpu.memory_space<hbm>> -> memref<64x16xf32, #tpu.memory_space<hbm>>
      tpu.wait_dma2 semaphore(%arg17 : memref<!tpu.dma_semaphore, #tpu.memory_space<semaphore_mem>>) src(%dma_wait3A_166 : memref<64x16xf32, #tpu.memory_space<hbm>>) dst(%arg13 : memref<64x16xf32, #tpu.memory_space<vmem>>)
      %get3A_167 = arith.constant 1 : i32
      %get3A_168 = arith.index_cast %get3A_167 : i32 to index
      %get3A_169 = arith.constant 64 : index
      %get3A_170 = tpu.vector_load %arg7[%get3A_168, %get3A_169] {strides = array<i32>} : memref<2x128xi32, #tpu.memory_space<vmem>>, vector<16xi32>,
      %swap3A_171 = arith.constant 0 : i32
      %swap3A_172 = arith.index_cast %swap3A_171 : i32 to index
      %swap3A_173 = arith.constant 0 : index
      %swap3A_174 = tpu.vector_load %arg9[%swap3A_172, %swap3A_173] {strides = array<i32>} : memref<1x64xi32, #tpu.memory_space<vmem>>, vector<16xi32>,
      tpu.vector_store %arg9[%swap3A_172, %swap3A_173], %get3A_170 {strides = array<i32>} : memref<1x64xi32, #tpu.memory_space<vmem>>, vector<16xi32>,
      %get3A_175 = arith.constant 1 : i32
      %get3A_176 = arith.index_cast %get3A_175 : i32 to index
      %get3A_177 = arith.constant 80 : index
      %get3A_178 = tpu.vector_load %arg7[%get3A_176, %get3A_177] {strides = array<i32>} : memref<2x128xi32, #tpu.memory_space<vmem>>, vector<16xi32>,
      %swap3A_179 = arith.constant 0 : i32
      %swap3A_180 = arith.index_cast %swap3A_179 : i32 to index
      %swap3A_181 = arith.constant 16 : index
      %swap3A_182 = tpu.vector_load %arg9[%swap3A_180, %swap3A_181] {strides = array<i32>} : memref<1x64xi32, #tpu.memory_space<vmem>>, vector<16xi32>,
      tpu.vector_store %arg9[%swap3A_180, %swap3A_181], %get3A_178 {strides = array<i32>} : memref<1x64xi32, #tpu.memory_space<vmem>>, vector<16xi32>,
      %get3A_183 = arith.constant 1 : i32
      %get3A_184 = arith.index_cast %get3A_183 : i32 to index
      %get3A_185 = arith.constant 96 : index
      %get3A_186 = tpu.vector_load %arg7[%get3A_184, %get3A_185] {strides = array<i32>} : memref<2x128xi32, #tpu.memory_space<vmem>>, vector<16xi32>,
      %swap3A_187 = arith.constant 0 : i32
      %swap3A_188 = arith.index_cast %swap3A_187 : i32 to index
      %swap3A_189 = arith.constant 32 : index
      %swap3A_190 = tpu.vector_load %arg9[%swap3A_188, %swap3A_189] {strides = array<i32>} : memref<1x64xi32, #tpu.memory_space<vmem>>, vector<16xi32>,
      tpu.vector_store %arg9[%swap3A_188, %swap3A_189], %get3A_186 {strides = array<i32>} : memref<1x64xi32, #tpu.memory_space<vmem>>, vector<16xi32>,
      %get3A_191 = arith.constant 1 : i32
      %get3A_192 = arith.index_cast %get3A_191 : i32 to index
      %get3A_193 = arith.constant 112 : index
      %get3A_194 = tpu.vector_load %arg7[%get3A_192, %get3A_193] {strides = array<i32>} : memref<2x128xi32, #tpu.memory_space<vmem>>, vector<16xi32>,
      %swap3A_195 = arith.constant 0 : i32
      %swap3A_196 = arith.index_cast %swap3A_195 : i32 to index
      %swap3A_197 = arith.constant 48 : index
      %swap3A_198 = tpu.vector_load %arg9[%swap3A_196, %swap3A_197] {strides = array<i32>} : memref<1x64xi32, #tpu.memory_space<vmem>>, vector<16xi32>,
      tpu.vector_store %arg9[%swap3A_196, %swap3A_197], %get3A_194 {strides = array<i32>} : memref<1x64xi32, #tpu.memory_space<vmem>>, vector<16xi32>,
      %sub3A_199 = arith.constant 1 : i32
      %sub3A_200 = arith.subi %select_n3A, %sub3A_199 : i32
      %lt3A_201 = arith.cmpi slt, %while3A_79, %sub3A_200 : i32
      %convert_element_type3A_202 = arith.extui %lt3A_201 : i1 to i32
      %cond3A_203 = arith.constant 0 : i32
      %cond3A_204 = arith.cmpi ne, %convert_element_type3A_202, %cond3A_203 : i32
      scf.if %cond3A_204 {
        %add3A_227 = arith.addi %select_n3A_40, %while3A_79 : i32
        %add3A_228 = arith.constant 1 : i32
        %add3A_229 = arith.addi %add3A_227, %add3A_228 : i32
        "tpu.region"() ({
          %run_scoped3A = tpu.sem_alloc : memref<!tpu.dma_semaphore, #tpu.memory_space<semaphore_mem>>
          %dma_start3A_244 = arith.constant 0 : i32
          %dma_start3A_245 = arith.constant 0 : i32
          %dma_start3A_246 = tpu.memref_slice %arg4[%add3A_229, %dma_start3A_244, %dma_start3A_245] : memref<2500x2x128xi32, #tpu.memory_space<hbm>> -> memref<1x2x128xi32, #tpu.memory_space<hbm>>
          %dma_start3A_247 = tpu.memref_squeeze %dma_start3A_246 : memref<1x2x128xi32, #tpu.memory_space<hbm>> -> memref<2x128xi32, #tpu.memory_space<hbm>>
          %dma_start3A_248 = arith.constant 0 : i32
          %dma_start3A_249 = arith.constant 0 : i32
          %dma_start3A_250 = tpu.memref_slice %arg4[%add3A_229, %dma_start3A_248, %dma_start3A_249] : memref<2500x2x128xi32, #tpu.memory_space<hbm>> -> memref<1x2x128xi32, #tpu.memory_space<hbm>>
          %dma_start3A_251 = tpu.memref_squeeze %dma_start3A_250 : memref<1x2x128xi32, #tpu.memory_space<hbm>> -> memref<2x128xi32, #tpu.memory_space<hbm>>
          tpu.enqueue_dma source(%dma_start3A_251 : memref<2x128xi32, #tpu.memory_space<hbm>>) target(%arg7 : memref<2x128xi32, #tpu.memory_space<vmem>>) target_semaphore(%run_scoped3A : memref<!tpu.dma_semaphore, #tpu.memory_space<semaphore_mem>>)
          %dma_wait3A_252 = arith.constant 0 : i32
          %dma_wait3A_253 = arith.constant 0 : i32
          %dma_wait3A_254 = tpu.memref_slice %arg4[%add3A_229, %dma_wait3A_252, %dma_wait3A_253] : memref<2500x2x128xi32, #tpu.memory_space<hbm>> -> memref<1x2x128xi32, #tpu.memory_space<hbm>>
          %dma_wait3A_255 = tpu.memref_squeeze %dma_wait3A_254 : memref<1x2x128xi32, #tpu.memory_space<hbm>> -> memref<2x128xi32, #tpu.memory_space<hbm>>
          %dma_wait3A_256 = arith.constant 0 : i32
          %dma_wait3A_257 = arith.constant 0 : i32
          %dma_wait3A_258 = tpu.memref_slice %arg4[%add3A_229, %dma_wait3A_256, %dma_wait3A_257] : memref<2500x2x128xi32, #tpu.memory_space<hbm>> -> memref<1x2x128xi32, #tpu.memory_space<hbm>>
          %dma_wait3A_259 = tpu.memref_squeeze %dma_wait3A_258 : memref<1x2x128xi32, #tpu.memory_space<hbm>> -> memref<2x128xi32, #tpu.memory_space<hbm>>
          tpu.wait_dma2 semaphore(%run_scoped3A : memref<!tpu.dma_semaphore, #tpu.memory_space<semaphore_mem>>) src(%dma_wait3A_259 : memref<2x128xi32, #tpu.memory_space<hbm>>) dst(%arg7 : memref<2x128xi32, #tpu.memory_space<vmem>>)
          tpu.yield
        }) : () -> ()
        %dma_start3A_230 = arith.constant 0 : i32
        %dma_start3A_231 = arith.constant 0 : i32
        %dma_start3A_232 = tpu.memref_slice %arg7[%dma_start3A_230, %dma_start3A_231] : memref<2x128xi32, #tpu.memory_space<vmem>> -> memref<1x64xi32, #tpu.memory_space<vmem>>
        %dma_start3A_233 = tpu.memref_squeeze %dma_start3A_232 : memref<1x64xi32, #tpu.memory_space<vmem>> -> memref<64xi32, #tpu.memory_space<vmem>>
        %dma_start3A_234 = arith.constant 0 : i32
        %dma_start3A_235 = arith.constant 0 : i32
        %dma_start3A_236 = tpu.memref_slice %arg2[%dma_start3A_234, %dma_start3A_235] : memref<10000x144xf32, #tpu.memory_space<hbm>> -> memref<10000x144xf32, #tpu.memory_space<hbm>>
        tpu.enqueue_indirect_dma source(%dma_start3A_236 : memref<10000x144xf32, #tpu.memory_space<hbm>>) target(%arg10 : memref<64x144xf32, #tpu.memory_space<vmem>>) offsets(%dma_start3A_233 : memref<64xi32, #tpu.memory_space<vmem>>) semaphore(%arg16 : memref<!tpu.dma_semaphore, #tpu.memory_space<semaphore_mem>>)
        %dma_start3A_237 = arith.constant 1 : i32
        %dma_start3A_238 = arith.constant 0 : i32
        %dma_start3A_239 = tpu.memref_slice %arg7[%dma_start3A_237, %dma_start3A_238] : memref<2x128xi32, #tpu.memory_space<vmem>> -> memref<1x64xi32, #tpu.memory_space<vmem>>
        %dma_start3A_240 = tpu.memref_squeeze %dma_start3A_239 : memref<1x64xi32, #tpu.memory_space<vmem>> -> memref<64xi32, #tpu.memory_space<vmem>>
        %dma_start3A_241 = arith.constant 0 : i32
        %dma_start3A_242 = arith.constant 0 : i32
        %dma_start3A_243 = tpu.memref_slice %arg3[%dma_start3A_241, %dma_start3A_242] : memref<10000x16xf32, #tpu.memory_space<hbm>> -> memref<10000x16xf32, #tpu.memory_space<hbm>>
        tpu.enqueue_indirect_dma source(%dma_start3A_243 : memref<10000x16xf32, #tpu.memory_space<hbm>>) target(%arg12 : memref<64x16xf32, #tpu.memory_space<vmem>>) offsets(%dma_start3A_240 : memref<64xi32, #tpu.memory_space<vmem>>) semaphore(%arg16 : memref<!tpu.dma_semaphore, #tpu.memory_space<semaphore_mem>>)
      } else {
      }
      %parallel_loop3A_205 = arith.constant 0 : i32
      %parallel_loop3A_206 = arith.constant 16 : i32
      %parallel_loop3A_207 = arith.constant 1 : i32
      scf.for %parallel_loop3A_227 = %parallel_loop3A_205 to %parallel_loop3A_206 step %parallel_loop3A_207  : i32 {
        %parallel_loop3A_228 = arith.constant 2 : i32
        %parallel_loop3A_229 = arith.shrsi %parallel_loop3A_227, %parallel_loop3A_228 : i32
        %parallel_loop3A_230 = arith.constant 3 : i32
        %parallel_loop3A_231 = arith.andi %parallel_loop3A_227, %parallel_loop3A_230 : i32
        %parallel_loop3A_232 = arith.constant 16 : i32
        %parallel_loop3A_233 = arith.muli %parallel_loop3A_229, %parallel_loop3A_232 : i32
        %parallel_loop3A_234 = vector.broadcast %parallel_loop3A_233 : i32 to vector<16xi32>
        %parallel_loop3A_235 = arith.addi %iota3A, %parallel_loop3A_234 : vector<16xi32>
        %parallel_loop3A_236 = arith.constant 128 : i32
        %parallel_loop3A_237 = vector.broadcast %parallel_loop3A_236 : i32 to vector<16xi32>
        %parallel_loop3A_238 = vector.broadcast %parallel_loop3A_231 : i32 to vector<16xi32>
        %parallel_loop3A_239 = arith.addi %parallel_loop3A_237, %parallel_loop3A_238 : vector<16xi32>
        %parallel_loop3A_240 = tpu.vector_load_idx %arg11[%parallel_loop3A_235, %parallel_loop3A_239] : memref<64x144xf32, #tpu.memory_space<vmem>>[vector<16xi32>, vector<16xi32>], vector<16xf32>,
        %parallel_loop3A_241 = arith.constant 4 : i32
        %parallel_loop3A_242 = vector.broadcast %parallel_loop3A_241 : i32 to vector<16xi32>
        %parallel_loop3A_243 = vector.broadcast %parallel_loop3A_231 : i32 to vector<16xi32>
        %parallel_loop3A_244 = arith.addi %parallel_loop3A_242, %parallel_loop3A_243 : vector<16xi32>
        %parallel_loop3A_245 = tpu.vector_load_idx %arg13[%parallel_loop3A_235, %parallel_loop3A_244] : memref<64x16xf32, #tpu.memory_space<vmem>>[vector<16xi32>, vector<16xi32>], vector<16xf32>,
        %parallel_loop3A_246 = arith.addf %parallel_loop3A_240, %parallel_loop3A_245 : vector<16xf32>
        %parallel_loop3A_247 = arith.constant 0.000000e+00 : f32
        %parallel_loop3A_248 = vector.broadcast %parallel_loop3A_247 : f32 to vector<16xf32>
        %parallel_loop3A_249 = arith.cmpf ogt, %parallel_loop3A_246, %parallel_loop3A_248 : vector<16xf32>
        %parallel_loop3A_250 = arith.constant 2.000000e-01 : f32
        %parallel_loop3A_251 = vector.broadcast %parallel_loop3A_250 : f32 to vector<16xf32>
        %parallel_loop3A_252 = arith.mulf %parallel_loop3A_251, %parallel_loop3A_246 : vector<16xf32>
        %parallel_loop3A_253 = arith.select %parallel_loop3A_249, %parallel_loop3A_246, %parallel_loop3A_252 : vector<16xi1>, vector<16xf32>
        %parallel_loop3A_254 = math.exp %parallel_loop3A_253 : vector<16xf32>
        %parallel_loop3A_255 = arith.index_cast %parallel_loop3A_227 : i32 to index
        %parallel_loop3A_256 = arith.constant 0 : index
        %parallel_loop3A_257 = tpu.vector_load %arg15[%parallel_loop3A_255, %parallel_loop3A_256] {strides = array<i32>} : memref<16x16xf32, #tpu.memory_space<vmem>>, vector<16xf32>,
        tpu.vector_store %arg15[%parallel_loop3A_255, %parallel_loop3A_256], %parallel_loop3A_254 {strides = array<i32>} : memref<16x16xf32, #tpu.memory_space<vmem>>, vector<16xf32>,
      } {sc.loop_unroll_factor = 4 : i64, sc.parallel_access}
      %dma_wait3A_208 = arith.constant 0 : i32
      %dma_wait3A_209 = arith.constant 0 : i32
      %dma_wait3A_210 = tpu.memref_slice %arg2[%dma_wait3A_208, %dma_wait3A_209] : memref<10000x144xf32, #tpu.memory_space<hbm>> -> memref<64x144xf32, #tpu.memory_space<hbm>>
      %dma_wait3A_211 = arith.constant 0 : i32
      %dma_wait3A_212 = arith.constant 0 : i32
      %dma_wait3A_213 = tpu.memref_slice %arg2[%dma_wait3A_211, %dma_wait3A_212] : memref<10000x144xf32, #tpu.memory_space<hbm>> -> memref<64x144xf32, #tpu.memory_space<hbm>>
      tpu.wait_dma2 semaphore(%arg18 : memref<!tpu.dma_semaphore, #tpu.memory_space<semaphore_mem>>) src(%dma_wait3A_213 : memref<64x144xf32, #tpu.memory_space<hbm>>) dst(%arg14 : memref<64x144xf32, #tpu.memory_space<vmem>>)
      %parallel_loop3A_214 = arith.constant 0 : i32
      %parallel_loop3A_215 = arith.constant 512 : i32
      %parallel_loop3A_216 = arith.constant 1 : i32
      scf.for %parallel_loop3A_227 = %parallel_loop3A_214 to %parallel_loop3A_215 step %parallel_loop3A_216  : i32 {
        %parallel_loop3A_228 = arith.constant 7 : i32
        %parallel_loop3A_229 = arith.shrsi %parallel_loop3A_227, %parallel_loop3A_228 : i32
        %parallel_loop3A_230 = arith.constant 127 : i32
        %parallel_loop3A_231 = arith.andi %parallel_loop3A_227, %parallel_loop3A_230 : i32
        %parallel_loop3A_232 = arith.constant 16 : i32
        %parallel_loop3A_233 = arith.muli %parallel_loop3A_229, %parallel_loop3A_232 : i32
        %parallel_loop3A_234 = vector.broadcast %parallel_loop3A_233 : i32 to vector<16xi32>
        %parallel_loop3A_235 = arith.addi %iota3A, %parallel_loop3A_234 : vector<16xi32>
        %parallel_loop3A_236 = arith.constant 2 : i32
        %parallel_loop3A_237 = arith.shli %parallel_loop3A_229, %parallel_loop3A_236 : i32
        %parallel_loop3A_238 = arith.constant 5 : i32
        %parallel_loop3A_239 = arith.shrsi %parallel_loop3A_231, %parallel_loop3A_238 : i32
        %parallel_loop3A_240 = arith.ori %parallel_loop3A_237, %parallel_loop3A_239 : i32
        %parallel_loop3A_241 = arith.index_cast %parallel_loop3A_240 : i32 to index
        %parallel_loop3A_242 = arith.constant 0 : index
        %parallel_loop3A_243 = tpu.vector_load %arg15[%parallel_loop3A_241, %parallel_loop3A_242] {strides = array<i32>} : memref<16x16xf32, #tpu.memory_space<vmem>>, vector<16xf32>,
        %parallel_loop3A_244 = arith.constant 0 : i32
        %parallel_loop3A_245 = vector.broadcast %parallel_loop3A_244 : i32 to vector<16xi32>
        %parallel_loop3A_246 = vector.broadcast %parallel_loop3A_231 : i32 to vector<16xi32>
        %parallel_loop3A_247 = arith.addi %parallel_loop3A_245, %parallel_loop3A_246 : vector<16xi32>
        %parallel_loop3A_248 = tpu.vector_load_idx %arg11[%parallel_loop3A_235, %parallel_loop3A_247] : memref<64x144xf32, #tpu.memory_space<vmem>>[vector<16xi32>, vector<16xi32>], vector<16xf32>,
        %parallel_loop3A_249 = arith.mulf %parallel_loop3A_248, %parallel_loop3A_243 : vector<16xf32>
        tpu.vector_store_idx %arg14[%parallel_loop3A_235, %parallel_loop3A_247], %parallel_loop3A_249 : memref<64x144xf32, #tpu.memory_space<vmem>>[vector<16xi32>, vector<16xi32>], vector<16xf32>,
      } {sc.loop_unroll_factor = 8 : i64, sc.parallel_access}
      %parallel_loop3A_217 = arith.constant 0 : i32
      %parallel_loop3A_218 = arith.constant 16 : i32
      %parallel_loop3A_219 = arith.constant 1 : i32
      scf.for %parallel_loop3A_227 = %parallel_loop3A_217 to %parallel_loop3A_218 step %parallel_loop3A_219  : i32 {
        %parallel_loop3A_228 = arith.constant 2 : i32
        %parallel_loop3A_229 = arith.shrsi %parallel_loop3A_227, %parallel_loop3A_228 : i32
        %parallel_loop3A_230 = arith.constant 3 : i32
        %parallel_loop3A_231 = arith.andi %parallel_loop3A_227, %parallel_loop3A_230 : i32
        %parallel_loop3A_232 = arith.constant 16 : i32
        %parallel_loop3A_233 = arith.muli %parallel_loop3A_229, %parallel_loop3A_232 : i32
        %parallel_loop3A_234 = vector.broadcast %parallel_loop3A_233 : i32 to vector<16xi32>
        %parallel_loop3A_235 = arith.addi %iota3A, %parallel_loop3A_234 : vector<16xi32>
        %parallel_loop3A_236 = arith.constant 128 : i32
        %parallel_loop3A_237 = vector.broadcast %parallel_loop3A_236 : i32 to vector<16xi32>
        %parallel_loop3A_238 = vector.broadcast %parallel_loop3A_231 : i32 to vector<16xi32>
        %parallel_loop3A_239 = arith.addi %parallel_loop3A_237, %parallel_loop3A_238 : vector<16xi32>
        %parallel_loop3A_240 = arith.index_cast %parallel_loop3A_227 : i32 to index
        %parallel_loop3A_241 = arith.constant 0 : index
        %parallel_loop3A_242 = tpu.vector_load %arg15[%parallel_loop3A_240, %parallel_loop3A_241] {strides = array<i32>} : memref<16x16xf32, #tpu.memory_space<vmem>>, vector<16xf32>,
        tpu.vector_store_idx %arg14[%parallel_loop3A_235, %parallel_loop3A_239], %parallel_loop3A_242 : memref<64x144xf32, #tpu.memory_space<vmem>>[vector<16xi32>, vector<16xi32>], vector<16xf32>,
      } {sc.loop_unroll_factor = 4 : i64, sc.parallel_access}
      %dma_start3A_220 = arith.constant 0 : i32
      %dma_start3A_221 = arith.constant 0 : i32
      %dma_start3A_222 = tpu.memref_slice %arg9[%dma_start3A_220, %dma_start3A_221] : memref<1x64xi32, #tpu.memory_space<vmem>> -> memref<1x64xi32, #tpu.memory_space<vmem>>
      %dma_start3A_223 = tpu.memref_squeeze %dma_start3A_222 : memref<1x64xi32, #tpu.memory_space<vmem>> -> memref<64xi32, #tpu.memory_space<vmem>>
      %dma_start3A_224 = arith.constant 0 : i32
      %dma_start3A_225 = arith.constant 0 : i32
      %dma_start3A_226 = tpu.memref_slice %arg6[%dma_start3A_224, %dma_start3A_225] : memref<10000x144xf32, #tpu.memory_space<vmem_shared>> -> memref<10000x144xf32, #tpu.memory_space<vmem_shared>>
      tpu.enqueue_indirect_dma source(%arg14 : memref<64x144xf32, #tpu.memory_space<vmem>>) target(%dma_start3A_226 : memref<10000x144xf32, #tpu.memory_space<vmem_shared>>) offsets(%dma_start3A_223 : memref<64xi32, #tpu.memory_space<vmem>>) semaphore(%arg18 : memref<!tpu.dma_semaphore, #tpu.memory_space<semaphore_mem>>) {add = true}
    }
    %while3A_62 = arith.constant 1 : i32
    scf.for %while3A_79 = %while3A_60 to %while3A_56 step %while3A_62  : i32 {
      %dma_start3A_80 = arith.constant 0 : i32
      %dma_start3A_81 = arith.constant 64 : i32
      %dma_start3A_82 = tpu.memref_slice %arg7[%dma_start3A_80, %dma_start3A_81] : memref<2x128xi32, #tpu.memory_space<vmem>> -> memref<1x64xi32, #tpu.memory_space<vmem>>
      %dma_start3A_83 = tpu.memref_squeeze %dma_start3A_82 : memref<1x64xi32, #tpu.memory_space<vmem>> -> memref<64xi32, #tpu.memory_space<vmem>>
      %dma_start3A_84 = arith.constant 0 : i32
      %dma_start3A_85 = arith.constant 0 : i32
      %dma_start3A_86 = tpu.memref_slice %arg2[%dma_start3A_84, %dma_start3A_85] : memref<10000x144xf32, #tpu.memory_space<hbm>> -> memref<10000x144xf32, #tpu.memory_space<hbm>>
      tpu.enqueue_indirect_dma source(%dma_start3A_86 : memref<10000x144xf32, #tpu.memory_space<hbm>>) target(%arg11 : memref<64x144xf32, #tpu.memory_space<vmem>>) offsets(%dma_start3A_83 : memref<64xi32, #tpu.memory_space<vmem>>) semaphore(%arg17 : memref<!tpu.dma_semaphore, #tpu.memory_space<semaphore_mem>>)
      %dma_start3A_87 = arith.constant 1 : i32
      %dma_start3A_88 = arith.constant 64 : i32
      %dma_start3A_89 = tpu.memref_slice %arg7[%dma_start3A_87, %dma_start3A_88] : memref<2x128xi32, #tpu.memory_space<vmem>> -> memref<1x64xi32, #tpu.memory_space<vmem>>
      %dma_start3A_90 = tpu.memref_squeeze %dma_start3A_89 : memref<1x64xi32, #tpu.memory_space<vmem>> -> memref<64xi32, #tpu.memory_space<vmem>>
      %dma_start3A_91 = arith.constant 0 : i32
      %dma_start3A_92 = arith.constant 0 : i32
      %dma_start3A_93 = tpu.memref_slice %arg3[%dma_start3A_91, %dma_start3A_92] : memref<10000x16xf32, #tpu.memory_space<hbm>> -> memref<10000x16xf32, #tpu.memory_space<hbm>>
      tpu.enqueue_indirect_dma source(%dma_start3A_93 : memref<10000x16xf32, #tpu.memory_space<hbm>>) target(%arg13 : memref<64x16xf32, #tpu.memory_space<vmem>>) offsets(%dma_start3A_90 : memref<64xi32, #tpu.memory_space<vmem>>) semaphore(%arg17 : memref<!tpu.dma_semaphore, #tpu.memory_space<semaphore_mem>>)
      %dma_wait3A_94 = arith.constant 0 : i32
      %dma_wait3A_95 = arith.constant 0 : i32
      %dma_wait3A_96 = tpu.memref_slice %arg2[%dma_wait3A_94, %dma_wait3A_95] : memref<10000x144xf32, #tpu.memory_space<hbm>> -> memref<64x144xf32, #tpu.memory_space<hbm>>
      %dma_wait3A_97 = arith.constant 0 : i32
      %dma_wait3A_98 = arith.constant 0 : i32
      %dma_wait3A_99 = tpu.memref_slice %arg2[%dma_wait3A_97, %dma_wait3A_98] : memref<10000x144xf32, #tpu.memory_space<hbm>> -> memref<64x144xf32, #tpu.memory_space<hbm>>
      tpu.wait_dma2 semaphore(%arg16 : memref<!tpu.dma_semaphore, #tpu.memory_space<semaphore_mem>>) src(%dma_wait3A_99 : memref<64x144xf32, #tpu.memory_space<hbm>>) dst(%arg10 : memref<64x144xf32, #tpu.memory_space<vmem>>)
      %dma_wait3A_100 = arith.constant 0 : i32
      %dma_wait3A_101 = arith.constant 0 : i32
      %dma_wait3A_102 = tpu.memref_slice %arg3[%dma_wait3A_100, %dma_wait3A_101] : memref<10000x16xf32, #tpu.memory_space<hbm>> -> memref<64x16xf32, #tpu.memory_space<hbm>>
      %dma_wait3A_103 = arith.constant 0 : i32
      %dma_wait3A_104 = arith.constant 0 : i32
      %dma_wait3A_105 = tpu.memref_slice %arg3[%dma_wait3A_103, %dma_wait3A_104] : memref<10000x16xf32, #tpu.memory_space<hbm>> -> memref<64x16xf32, #tpu.memory_space<hbm>>
      tpu.wait_dma2 semaphore(%arg16 : memref<!tpu.dma_semaphore, #tpu.memory_space<semaphore_mem>>) src(%dma_wait3A_105 : memref<64x16xf32, #tpu.memory_space<hbm>>) dst(%arg12 : memref<64x16xf32, #tpu.memory_space<vmem>>)
      %get3A = arith.constant 1 : i32
      %get3A_106 = arith.index_cast %get3A : i32 to index
      %get3A_107 = arith.constant 0 : index
      %get3A_108 = tpu.vector_load %arg7[%get3A_106, %get3A_107] {strides = array<i32>} : memref<2x128xi32, #tpu.memory_space<vmem>>, vector<16xi32>,
      %swap3A = arith.constant 0 : i32
      %swap3A_109 = arith.index_cast %swap3A : i32 to index
      %swap3A_110 = arith.constant 0 : index
      %swap3A_111 = tpu.vector_load %arg8[%swap3A_109, %swap3A_110] {strides = array<i32>} : memref<1x64xi32, #tpu.memory_space<vmem>>, vector<16xi32>,
      tpu.vector_store %arg8[%swap3A_109, %swap3A_110], %get3A_108 {strides = array<i32>} : memref<1x64xi32, #tpu.memory_space<vmem>>, vector<16xi32>,
      %get3A_112 = arith.constant 1 : i32
      %get3A_113 = arith.index_cast %get3A_112 : i32 to index
      %get3A_114 = arith.constant 16 : index
      %get3A_115 = tpu.vector_load %arg7[%get3A_113, %get3A_114] {strides = array<i32>} : memref<2x128xi32, #tpu.memory_space<vmem>>, vector<16xi32>,
      %swap3A_116 = arith.constant 0 : i32
      %swap3A_117 = arith.index_cast %swap3A_116 : i32 to index
      %swap3A_118 = arith.constant 16 : index
      %swap3A_119 = tpu.vector_load %arg8[%swap3A_117, %swap3A_118] {strides = array<i32>} : memref<1x64xi32, #tpu.memory_space<vmem>>, vector<16xi32>,
      tpu.vector_store %arg8[%swap3A_117, %swap3A_118], %get3A_115 {strides = array<i32>} : memref<1x64xi32, #tpu.memory_space<vmem>>, vector<16xi32>,
      %get3A_120 = arith.constant 1 : i32
      %get3A_121 = arith.index_cast %get3A_120 : i32 to index
      %get3A_122 = arith.constant 32 : index
      %get3A_123 = tpu.vector_load %arg7[%get3A_121, %get3A_122] {strides = array<i32>} : memref<2x128xi32, #tpu.memory_space<vmem>>, vector<16xi32>,
      %swap3A_124 = arith.constant 0 : i32
      %swap3A_125 = arith.index_cast %swap3A_124 : i32 to index
      %swap3A_126 = arith.constant 32 : index
      %swap3A_127 = tpu.vector_load %arg8[%swap3A_125, %swap3A_126] {strides = array<i32>} : memref<1x64xi32, #tpu.memory_space<vmem>>, vector<16xi32>,
      tpu.vector_store %arg8[%swap3A_125, %swap3A_126], %get3A_123 {strides = array<i32>} : memref<1x64xi32, #tpu.memory_space<vmem>>, vector<16xi32>,
      %get3A_128 = arith.constant 1 : i32
      %get3A_129 = arith.index_cast %get3A_128 : i32 to index
      %get3A_130 = arith.constant 48 : index
      %get3A_131 = tpu.vector_load %arg7[%get3A_129, %get3A_130] {strides = array<i32>} : memref<2x128xi32, #tpu.memory_space<vmem>>, vector<16xi32>,
      %swap3A_132 = arith.constant 0 : i32
      %swap3A_133 = arith.index_cast %swap3A_132 : i32 to index
      %swap3A_134 = arith.constant 48 : index
      %swap3A_135 = tpu.vector_load %arg8[%swap3A_133, %swap3A_134] {strides = array<i32>} : memref<1x64xi32, #tpu.memory_space<vmem>>, vector<16xi32>,
      tpu.vector_store %arg8[%swap3A_133, %swap3A_134], %get3A_131 {strides = array<i32>} : memref<1x64xi32, #tpu.memory_space<vmem>>, vector<16xi32>,
      %parallel_loop3A = arith.constant 0 : i32
      %parallel_loop3A_136 = arith.constant 16 : i32
      %parallel_loop3A_137 = arith.constant 1 : i32
      scf.for %parallel_loop3A_227 = %parallel_loop3A to %parallel_loop3A_136 step %parallel_loop3A_137  : i32 {
        %parallel_loop3A_228 = arith.constant 2 : i32
        %parallel_loop3A_229 = arith.shrsi %parallel_loop3A_227, %parallel_loop3A_228 : i32
        %parallel_loop3A_230 = arith.constant 3 : i32
        %parallel_loop3A_231 = arith.andi %parallel_loop3A_227, %parallel_loop3A_230 : i32
        %parallel_loop3A_232 = arith.constant 16 : i32
        %parallel_loop3A_233 = arith.muli %parallel_loop3A_229, %parallel_loop3A_232 : i32
        %parallel_loop3A_234 = vector.broadcast %parallel_loop3A_233 : i32 to vector<16xi32>
        %parallel_loop3A_235 = arith.addi %iota3A, %parallel_loop3A_234 : vector<16xi32>
        %parallel_loop3A_236 = arith.constant 128 : i32
        %parallel_loop3A_237 = vector.broadcast %parallel_loop3A_236 : i32 to vector<16xi32>
        %parallel_loop3A_238 = vector.broadcast %parallel_loop3A_231 : i32 to vector<16xi32>
        %parallel_loop3A_239 = arith.addi %parallel_loop3A_237, %parallel_loop3A_238 : vector<16xi32>
        %parallel_loop3A_240 = tpu.vector_load_idx %arg10[%parallel_loop3A_235, %parallel_loop3A_239] : memref<64x144xf32, #tpu.memory_space<vmem>>[vector<16xi32>, vector<16xi32>], vector<16xf32>,
        %parallel_loop3A_241 = arith.constant 4 : i32
        %parallel_loop3A_242 = vector.broadcast %parallel_loop3A_241 : i32 to vector<16xi32>
        %parallel_loop3A_243 = vector.broadcast %parallel_loop3A_231 : i32 to vector<16xi32>
        %parallel_loop3A_244 = arith.addi %parallel_loop3A_242, %parallel_loop3A_243 : vector<16xi32>
        %parallel_loop3A_245 = tpu.vector_load_idx %arg12[%parallel_loop3A_235, %parallel_loop3A_244] : memref<64x16xf32, #tpu.memory_space<vmem>>[vector<16xi32>, vector<16xi32>], vector<16xf32>,
        %parallel_loop3A_246 = arith.addf %parallel_loop3A_240, %parallel_loop3A_245 : vector<16xf32>
        %parallel_loop3A_247 = arith.constant 0.000000e+00 : f32
        %parallel_loop3A_248 = vector.broadcast %parallel_loop3A_247 : f32 to vector<16xf32>
        %parallel_loop3A_249 = arith.cmpf ogt, %parallel_loop3A_246, %parallel_loop3A_248 : vector<16xf32>
        %parallel_loop3A_250 = arith.constant 2.000000e-01 : f32
        %parallel_loop3A_251 = vector.broadcast %parallel_loop3A_250 : f32 to vector<16xf32>
        %parallel_loop3A_252 = arith.mulf %parallel_loop3A_251, %parallel_loop3A_246 : vector<16xf32>
        %parallel_loop3A_253 = arith.select %parallel_loop3A_249, %parallel_loop3A_246, %parallel_loop3A_252 : vector<16xi1>, vector<16xf32>
        %parallel_loop3A_254 = math.exp %parallel_loop3A_253 : vector<16xf32>
        %parallel_loop3A_255 = arith.index_cast %parallel_loop3A_227 : i32 to index
        %parallel_loop3A_256 = arith.constant 0 : index
        %parallel_loop3A_257 = tpu.vector_load %arg15[%parallel_loop3A_255, %parallel_loop3A_256] {strides = array<i32>} : memref<16x16xf32, #tpu.memory_space<vmem>>, vector<16xf32>,
        tpu.vector_store %arg15[%parallel_loop3A_255, %parallel_loop3A_256], %parallel_loop3A_254 {strides = array<i32>} : memref<16x16xf32, #tpu.memory_space<vmem>>, vector<16xf32>,
      } {sc.loop_unroll_factor = 4 : i64, sc.parallel_access}
      %gt3A = arith.constant 0 : i32
      %gt3A_138 = arith.cmpi sgt, %while3A_79, %gt3A : i32
      %convert_element_type3A_139 = arith.extui %gt3A_138 : i1 to i32
      %cond3A_140 = arith.constant 0 : i32
      %cond3A_141 = arith.cmpi ne, %convert_element_type3A_139, %cond3A_140 : i32
      scf.if %cond3A_141 {
        %dma_wait3A_227 = arith.constant 0 : i32
        %dma_wait3A_228 = arith.constant 0 : i32
        %dma_wait3A_229 = tpu.memref_slice %arg2[%dma_wait3A_227, %dma_wait3A_228] : memref<10000x144xf32, #tpu.memory_space<hbm>> -> memref<64x144xf32, #tpu.memory_space<hbm>>
        %dma_wait3A_230 = arith.constant 0 : i32
        %dma_wait3A_231 = arith.constant 0 : i32
        %dma_wait3A_232 = tpu.memref_slice %arg2[%dma_wait3A_230, %dma_wait3A_231] : memref<10000x144xf32, #tpu.memory_space<hbm>> -> memref<64x144xf32, #tpu.memory_space<hbm>>
        tpu.wait_dma2 semaphore(%arg18 : memref<!tpu.dma_semaphore, #tpu.memory_space<semaphore_mem>>) src(%dma_wait3A_232 : memref<64x144xf32, #tpu.memory_space<hbm>>) dst(%arg14 : memref<64x144xf32, #tpu.memory_space<vmem>>)
      } else {
      }
      %parallel_loop3A_142 = arith.constant 0 : i32
      %parallel_loop3A_143 = arith.constant 512 : i32
      %parallel_loop3A_144 = arith.constant 1 : i32
      scf.for %parallel_loop3A_227 = %parallel_loop3A_142 to %parallel_loop3A_143 step %parallel_loop3A_144  : i32 {
        %parallel_loop3A_228 = arith.constant 7 : i32
        %parallel_loop3A_229 = arith.shrsi %parallel_loop3A_227, %parallel_loop3A_228 : i32
        %parallel_loop3A_230 = arith.constant 127 : i32
        %parallel_loop3A_231 = arith.andi %parallel_loop3A_227, %parallel_loop3A_230 : i32
        %parallel_loop3A_232 = arith.constant 16 : i32
        %parallel_loop3A_233 = arith.muli %parallel_loop3A_229, %parallel_loop3A_232 : i32
        %parallel_loop3A_234 = vector.broadcast %parallel_loop3A_233 : i32 to vector<16xi32>
        %parallel_loop3A_235 = arith.addi %iota3A, %parallel_loop3A_234 : vector<16xi32>
        %parallel_loop3A_236 = arith.constant 2 : i32
        %parallel_loop3A_237 = arith.shli %parallel_loop3A_229, %parallel_loop3A_236 : i32
        %parallel_loop3A_238 = arith.constant 5 : i32
        %parallel_loop3A_239 = arith.shrsi %parallel_loop3A_231, %parallel_loop3A_238 : i32
        %parallel_loop3A_240 = arith.ori %parallel_loop3A_237, %parallel_loop3A_239 : i32
        %parallel_loop3A_241 = arith.index_cast %parallel_loop3A_240 : i32 to index
        %parallel_loop3A_242 = arith.constant 0 : index
        %parallel_loop3A_243 = tpu.vector_load %arg15[%parallel_loop3A_241, %parallel_loop3A_242] {strides = array<i32>} : memref<16x16xf32, #tpu.memory_space<vmem>>, vector<16xf32>,
        %parallel_loop3A_244 = arith.constant 0 : i32
        %parallel_loop3A_245 = vector.broadcast %parallel_loop3A_244 : i32 to vector<16xi32>
        %parallel_loop3A_246 = vector.broadcast %parallel_loop3A_231 : i32 to vector<16xi32>
        %parallel_loop3A_247 = arith.addi %parallel_loop3A_245, %parallel_loop3A_246 : vector<16xi32>
        %parallel_loop3A_248 = tpu.vector_load_idx %arg10[%parallel_loop3A_235, %parallel_loop3A_247] : memref<64x144xf32, #tpu.memory_space<vmem>>[vector<16xi32>, vector<16xi32>], vector<16xf32>,
        %parallel_loop3A_249 = arith.mulf %parallel_loop3A_248, %parallel_loop3A_243 : vector<16xf32>
        tpu.vector_store_idx %arg14[%parallel_loop3A_235, %parallel_loop3A_247], %parallel_loop3A_249 : memref<64x144xf32, #tpu.memory_space<vmem>>[vector<16xi32>, vector<16xi32>], vector<16xf32>,
      } {sc.loop_unroll_factor = 8 : i64, sc.parallel_access}
      %parallel_loop3A_145 = arith.constant 0 : i32
      %parallel_loop3A_146 = arith.constant 16 : i32
      %parallel_loop3A_147 = arith.constant 1 : i32
      scf.for %parallel_loop3A_227 = %parallel_loop3A_145 to %parallel_loop3A_146 step %parallel_loop3A_147  : i32 {
        %parallel_loop3A_228 = arith.constant 2 : i32
        %parallel_loop3A_229 = arith.shrsi %parallel_loop3A_227, %parallel_loop3A_228 : i32
        %parallel_loop3A_230 = arith.constant 3 : i32
        %parallel_loop3A_231 = arith.andi %parallel_loop3A_227, %parallel_loop3A_230 : i32
        %parallel_loop3A_232 = arith.constant 16 : i32
        %parallel_loop3A_233 = arith.muli %parallel_loop3A_229, %parallel_loop3A_232 : i32
        %parallel_loop3A_234 = vector.broadcast %parallel_loop3A_233 : i32 to vector<16xi32>
        %parallel_loop3A_235 = arith.addi %iota3A, %parallel_loop3A_234 : vector<16xi32>
        %parallel_loop3A_236 = arith.constant 128 : i32
        %parallel_loop3A_237 = vector.broadcast %parallel_loop3A_236 : i32 to vector<16xi32>
        %parallel_loop3A_238 = vector.broadcast %parallel_loop3A_231 : i32 to vector<16xi32>
        %parallel_loop3A_239 = arith.addi %parallel_loop3A_237, %parallel_loop3A_238 : vector<16xi32>
        %parallel_loop3A_240 = arith.index_cast %parallel_loop3A_227 : i32 to index
        %parallel_loop3A_241 = arith.constant 0 : index
        %parallel_loop3A_242 = tpu.vector_load %arg15[%parallel_loop3A_240, %parallel_loop3A_241] {strides = array<i32>} : memref<16x16xf32, #tpu.memory_space<vmem>>, vector<16xf32>,
        tpu.vector_store_idx %arg14[%parallel_loop3A_235, %parallel_loop3A_239], %parallel_loop3A_242 : memref<64x144xf32, #tpu.memory_space<vmem>>[vector<16xi32>, vector<16xi32>], vector<16xf32>,
      } {sc.loop_unroll_factor = 4 : i64, sc.parallel_access}
      %dma_start3A_148 = arith.constant 0 : i32
      %dma_start3A_149 = arith.constant 0 : i32
      %dma_start3A_150 = tpu.memref_slice %arg8[%dma_start3A_148, %dma_start3A_149] : memref<1x64xi32, #tpu.memory_space<vmem>> -> memref<1x64xi32, #tpu.memory_space<vmem>>
      %dma_start3A_151 = tpu.memref_squeeze %dma_start3A_150 : memref<1x64xi32, #tpu.memory_space<vmem>> -> memref<64xi32, #tpu.memory_space<vmem>>
      %dma_start3A_152 = arith.constant 0 : i32
      %dma_start3A_153 = arith.constant 0 : i32
      %dma_start3A_154 = tpu.memref_slice %arg6[%dma_start3A_152, %dma_start3A_153] : memref<10000x144xf32, #tpu.memory_space<vmem_shared>> -> memref<10000x144xf32, #tpu.memory_space<vmem_shared>>
      tpu.enqueue_indirect_dma source(%arg14 : memref<64x144xf32, #tpu.memory_space<vmem>>) target(%dma_start3A_154 : memref<10000x144xf32, #tpu.memory_space<vmem_shared>>) offsets(%dma_start3A_151 : memref<64xi32, #tpu.memory_space<vmem>>) semaphore(%arg18 : memref<!tpu.dma_semaphore, #tpu.memory_space<semaphore_mem>>) {add = true}
      %dma_wait3A_155 = arith.constant 0 : i32
      %dma_wait3A_156 = arith.constant 0 : i32
      %dma_wait3A_157 = tpu.memref_slice %arg2[%dma_wait3A_155, %dma_wait3A_156] : memref<10000x144xf32, #tpu.memory_space<hbm>> -> memref<64x144xf32, #tpu.memory_space<hbm>>
      %dma_wait3A_158 = arith.constant 0 : i32
      %dma_wait3A_159 = arith.constant 0 : i32
      %dma_wait3A_160 = tpu.memref_slice %arg2[%dma_wait3A_158, %dma_wait3A_159] : memref<10000x144xf32, #tpu.memory_space<hbm>> -> memref<64x144xf32, #tpu.memory_space<hbm>>
      tpu.wait_dma2 semaphore(%arg17 : memref<!tpu.dma_semaphore, #tpu.memory_space<semaphore_mem>>) src(%dma_wait3A_160 : memref<64x144xf32, #tpu.memory_space<hbm>>) dst(%arg11 : memref<64x144xf32, #tpu.memory_space<vmem>>)
      %dma_wait3A_161 = arith.constant 0 : i32
      %dma_wait3A_162 = arith.constant 0 : i32
      %dma_wait3A_163 = tpu.memref_slice %arg3[%dma_wait3A_161, %dma_wait3A_162] : memref<10000x16xf32, #tpu.memory_space<hbm>> -> memref<64x16xf32, #tpu.memory_space<hbm>>
      %dma_wait3A_164 = arith.constant 0 : i32
      %dma_wait3A_165 = arith.constant 0 : i32
      %dma_wait3A_166 = tpu.memref_slice %arg3[%dma_wait3A_164, %dma_wait3A_165] : memref<10000x16xf32, #tpu.memory_space<hbm>> -> memref<64x16xf32, #tpu.memory_space<hbm>>
      tpu.wait_dma2 semaphore(%arg17 : memref<!tpu.dma_semaphore, #tpu.memory_space<semaphore_mem>>) src(%dma_wait3A_166 : memref<64x16xf32, #tpu.memory_space<hbm>>) dst(%arg13 : memref<64x16xf32, #tpu.memory_space<vmem>>)
      %get3A_167 = arith.constant 1 : i32
      %get3A_168 = arith.index_cast %get3A_167 : i32 to index
      %get3A_169 = arith.constant 64 : index
      %get3A_170 = tpu.vector_load %arg7[%get3A_168, %get3A_169] {strides = array<i32>} : memref<2x128xi32, #tpu.memory_space<vmem>>, vector<16xi32>,
      %swap3A_171 = arith.constant 0 : i32
      %swap3A_172 = arith.index_cast %swap3A_171 : i32 to index
      %swap3A_173 = arith.constant 0 : index
      %swap3A_174 = tpu.vector_load %arg9[%swap3A_172, %swap3A_173] {strides = array<i32>} : memref<1x64xi32, #tpu.memory_space<vmem>>, vector<16xi32>,
      tpu.vector_store %arg9[%swap3A_172, %swap3A_173], %get3A_170 {strides = array<i32>} : memref<1x64xi32, #tpu.memory_space<vmem>>, vector<16xi32>,
      %get3A_175 = arith.constant 1 : i32
      %get3A_176 = arith.index_cast %get3A_175 : i32 to index
      %get3A_177 = arith.constant 80 : index
      %get3A_178 = tpu.vector_load %arg7[%get3A_176, %get3A_177] {strides = array<i32>} : memref<2x128xi32, #tpu.memory_space<vmem>>, vector<16xi32>,
      %swap3A_179 = arith.constant 0 : i32
      %swap3A_180 = arith.index_cast %swap3A_179 : i32 to index
      %swap3A_181 = arith.constant 16 : index
      %swap3A_182 = tpu.vector_load %arg9[%swap3A_180, %swap3A_181] {strides = array<i32>} : memref<1x64xi32, #tpu.memory_space<vmem>>, vector<16xi32>,
      tpu.vector_store %arg9[%swap3A_180, %swap3A_181], %get3A_178 {strides = array<i32>} : memref<1x64xi32, #tpu.memory_space<vmem>>, vector<16xi32>,
      %get3A_183 = arith.constant 1 : i32
      %get3A_184 = arith.index_cast %get3A_183 : i32 to index
      %get3A_185 = arith.constant 96 : index
      %get3A_186 = tpu.vector_load %arg7[%get3A_184, %get3A_185] {strides = array<i32>} : memref<2x128xi32, #tpu.memory_space<vmem>>, vector<16xi32>,
      %swap3A_187 = arith.constant 0 : i32
      %swap3A_188 = arith.index_cast %swap3A_187 : i32 to index
      %swap3A_189 = arith.constant 32 : index
      %swap3A_190 = tpu.vector_load %arg9[%swap3A_188, %swap3A_189] {strides = array<i32>} : memref<1x64xi32, #tpu.memory_space<vmem>>, vector<16xi32>,
      tpu.vector_store %arg9[%swap3A_188, %swap3A_189], %get3A_186 {strides = array<i32>} : memref<1x64xi32, #tpu.memory_space<vmem>>, vector<16xi32>,
      %get3A_191 = arith.constant 1 : i32
      %get3A_192 = arith.index_cast %get3A_191 : i32 to index
      %get3A_193 = arith.constant 112 : index
      %get3A_194 = tpu.vector_load %arg7[%get3A_192, %get3A_193] {strides = array<i32>} : memref<2x128xi32, #tpu.memory_space<vmem>>, vector<16xi32>,
      %swap3A_195 = arith.constant 0 : i32
      %swap3A_196 = arith.index_cast %swap3A_195 : i32 to index
      %swap3A_197 = arith.constant 48 : index
      %swap3A_198 = tpu.vector_load %arg9[%swap3A_196, %swap3A_197] {strides = array<i32>} : memref<1x64xi32, #tpu.memory_space<vmem>>, vector<16xi32>,
      tpu.vector_store %arg9[%swap3A_196, %swap3A_197], %get3A_194 {strides = array<i32>} : memref<1x64xi32, #tpu.memory_space<vmem>>, vector<16xi32>,
      %sub3A_199 = arith.constant 1 : i32
      %sub3A_200 = arith.subi %select_n3A, %sub3A_199 : i32
      %lt3A_201 = arith.cmpi slt, %while3A_79, %sub3A_200 : i32
      %convert_element_type3A_202 = arith.extui %lt3A_201 : i1 to i32
      %cond3A_203 = arith.constant 0 : i32
      %cond3A_204 = arith.cmpi ne, %convert_element_type3A_202, %cond3A_203 : i32
      scf.if %cond3A_204 {
        %add3A_227 = arith.addi %select_n3A_40, %while3A_79 : i32
        %add3A_228 = arith.constant 1 : i32
        %add3A_229 = arith.addi %add3A_227, %add3A_228 : i32
        "tpu.region"() ({
          %run_scoped3A = tpu.sem_alloc : memref<!tpu.dma_semaphore, #tpu.memory_space<semaphore_mem>>
          %dma_start3A_244 = arith.constant 0 : i32
          %dma_start3A_245 = arith.constant 0 : i32
          %dma_start3A_246 = tpu.memref_slice %arg4[%add3A_229, %dma_start3A_244, %dma_start3A_245] : memref<2500x2x128xi32, #tpu.memory_space<hbm>> -> memref<1x2x128xi32, #tpu.memory_space<hbm>>
          %dma_start3A_247 = tpu.memref_squeeze %dma_start3A_246 : memref<1x2x128xi32, #tpu.memory_space<hbm>> -> memref<2x128xi32, #tpu.memory_space<hbm>>
          %dma_start3A_248 = arith.constant 0 : i32
          %dma_start3A_249 = arith.constant 0 : i32
          %dma_start3A_250 = tpu.memref_slice %arg4[%add3A_229, %dma_start3A_248, %dma_start3A_249] : memref<2500x2x128xi32, #tpu.memory_space<hbm>> -> memref<1x2x128xi32, #tpu.memory_space<hbm>>
          %dma_start3A_251 = tpu.memref_squeeze %dma_start3A_250 : memref<1x2x128xi32, #tpu.memory_space<hbm>> -> memref<2x128xi32, #tpu.memory_space<hbm>>
          tpu.enqueue_dma source(%dma_start3A_251 : memref<2x128xi32, #tpu.memory_space<hbm>>) target(%arg7 : memref<2x128xi32, #tpu.memory_space<vmem>>) target_semaphore(%run_scoped3A : memref<!tpu.dma_semaphore, #tpu.memory_space<semaphore_mem>>)
          %dma_wait3A_252 = arith.constant 0 : i32
          %dma_wait3A_253 = arith.constant 0 : i32
          %dma_wait3A_254 = tpu.memref_slice %arg4[%add3A_229, %dma_wait3A_252, %dma_wait3A_253] : memref<2500x2x128xi32, #tpu.memory_space<hbm>> -> memref<1x2x128xi32, #tpu.memory_space<hbm>>
          %dma_wait3A_255 = tpu.memref_squeeze %dma_wait3A_254 : memref<1x2x128xi32, #tpu.memory_space<hbm>> -> memref<2x128xi32, #tpu.memory_space<hbm>>
          %dma_wait3A_256 = arith.constant 0 : i32
          %dma_wait3A_257 = arith.constant 0 : i32
          %dma_wait3A_258 = tpu.memref_slice %arg4[%add3A_229, %dma_wait3A_256, %dma_wait3A_257] : memref<2500x2x128xi32, #tpu.memory_space<hbm>> -> memref<1x2x128xi32, #tpu.memory_space<hbm>>
          %dma_wait3A_259 = tpu.memref_squeeze %dma_wait3A_258 : memref<1x2x128xi32, #tpu.memory_space<hbm>> -> memref<2x128xi32, #tpu.memory_space<hbm>>
          tpu.wait_dma2 semaphore(%run_scoped3A : memref<!tpu.dma_semaphore, #tpu.memory_space<semaphore_mem>>) src(%dma_wait3A_259 : memref<2x128xi32, #tpu.memory_space<hbm>>) dst(%arg7 : memref<2x128xi32, #tpu.memory_space<vmem>>)
          tpu.yield
        }) : () -> ()
        %dma_start3A_230 = arith.constant 0 : i32
        %dma_start3A_231 = arith.constant 0 : i32
        %dma_start3A_232 = tpu.memref_slice %arg7[%dma_start3A_230, %dma_start3A_231] : memref<2x128xi32, #tpu.memory_space<vmem>> -> memref<1x64xi32, #tpu.memory_space<vmem>>
        %dma_start3A_233 = tpu.memref_squeeze %dma_start3A_232 : memref<1x64xi32, #tpu.memory_space<vmem>> -> memref<64xi32, #tpu.memory_space<vmem>>
        %dma_start3A_234 = arith.constant 0 : i32
        %dma_start3A_235 = arith.constant 0 : i32
        %dma_start3A_236 = tpu.memref_slice %arg2[%dma_start3A_234, %dma_start3A_235] : memref<10000x144xf32, #tpu.memory_space<hbm>> -> memref<10000x144xf32, #tpu.memory_space<hbm>>
        tpu.enqueue_indirect_dma source(%dma_start3A_236 : memref<10000x144xf32, #tpu.memory_space<hbm>>) target(%arg10 : memref<64x144xf32, #tpu.memory_space<vmem>>) offsets(%dma_start3A_233 : memref<64xi32, #tpu.memory_space<vmem>>) semaphore(%arg16 : memref<!tpu.dma_semaphore, #tpu.memory_space<semaphore_mem>>)
        %dma_start3A_237 = arith.constant 1 : i32
        %dma_start3A_238 = arith.constant 0 : i32
        %dma_start3A_239 = tpu.memref_slice %arg7[%dma_start3A_237, %dma_start3A_238] : memref<2x128xi32, #tpu.memory_space<vmem>> -> memref<1x64xi32, #tpu.memory_space<vmem>>
        %dma_start3A_240 = tpu.memref_squeeze %dma_start3A_239 : memref<1x64xi32, #tpu.memory_space<vmem>> -> memref<64xi32, #tpu.memory_space<vmem>>
        %dma_start3A_241 = arith.constant 0 : i32
        %dma_start3A_242 = arith.constant 0 : i32
        %dma_start3A_243 = tpu.memref_slice %arg3[%dma_start3A_241, %dma_start3A_242] : memref<10000x16xf32, #tpu.memory_space<hbm>> -> memref<10000x16xf32, #tpu.memory_space<hbm>>
        tpu.enqueue_indirect_dma source(%dma_start3A_243 : memref<10000x16xf32, #tpu.memory_space<hbm>>) target(%arg12 : memref<64x16xf32, #tpu.memory_space<vmem>>) offsets(%dma_start3A_240 : memref<64xi32, #tpu.memory_space<vmem>>) semaphore(%arg16 : memref<!tpu.dma_semaphore, #tpu.memory_space<semaphore_mem>>)
      } else {
      }
      %parallel_loop3A_205 = arith.constant 0 : i32
      %parallel_loop3A_206 = arith.constant 16 : i32
      %parallel_loop3A_207 = arith.constant 1 : i32
      scf.for %parallel_loop3A_227 = %parallel_loop3A_205 to %parallel_loop3A_206 step %parallel_loop3A_207  : i32 {
        %parallel_loop3A_228 = arith.constant 2 : i32
        %parallel_loop3A_229 = arith.shrsi %parallel_loop3A_227, %parallel_loop3A_228 : i32
        %parallel_loop3A_230 = arith.constant 3 : i32
        %parallel_loop3A_231 = arith.andi %parallel_loop3A_227, %parallel_loop3A_230 : i32
        %parallel_loop3A_232 = arith.constant 16 : i32
        %parallel_loop3A_233 = arith.muli %parallel_loop3A_229, %parallel_loop3A_232 : i32
        %parallel_loop3A_234 = vector.broadcast %parallel_loop3A_233 : i32 to vector<16xi32>
        %parallel_loop3A_235 = arith.addi %iota3A, %parallel_loop3A_234 : vector<16xi32>
        %parallel_loop3A_236 = arith.constant 128 : i32
        %parallel_loop3A_237 = vector.broadcast %parallel_loop3A_236 : i32 to vector<16xi32>
        %parallel_loop3A_238 = vector.broadcast %parallel_loop3A_231 : i32 to vector<16xi32>
        %parallel_loop3A_239 = arith.addi %parallel_loop3A_237, %parallel_loop3A_238 : vector<16xi32>
        %parallel_loop3A_240 = tpu.vector_load_idx %arg11[%parallel_loop3A_235, %parallel_loop3A_239] : memref<64x144xf32, #tpu.memory_space<vmem>>[vector<16xi32>, vector<16xi32>], vector<16xf32>,
        %parallel_loop3A_241 = arith.constant 4 : i32
        %parallel_loop3A_242 = vector.broadcast %parallel_loop3A_241 : i32 to vector<16xi32>
        %parallel_loop3A_243 = vector.broadcast %parallel_loop3A_231 : i32 to vector<16xi32>
        %parallel_loop3A_244 = arith.addi %parallel_loop3A_242, %parallel_loop3A_243 : vector<16xi32>
        %parallel_loop3A_245 = tpu.vector_load_idx %arg13[%parallel_loop3A_235, %parallel_loop3A_244] : memref<64x16xf32, #tpu.memory_space<vmem>>[vector<16xi32>, vector<16xi32>], vector<16xf32>,
        %parallel_loop3A_246 = arith.addf %parallel_loop3A_240, %parallel_loop3A_245 : vector<16xf32>
        %parallel_loop3A_247 = arith.constant 0.000000e+00 : f32
        %parallel_loop3A_248 = vector.broadcast %parallel_loop3A_247 : f32 to vector<16xf32>
        %parallel_loop3A_249 = arith.cmpf ogt, %parallel_loop3A_246, %parallel_loop3A_248 : vector<16xf32>
        %parallel_loop3A_250 = arith.constant 2.000000e-01 : f32
        %parallel_loop3A_251 = vector.broadcast %parallel_loop3A_250 : f32 to vector<16xf32>
        %parallel_loop3A_252 = arith.mulf %parallel_loop3A_251, %parallel_loop3A_246 : vector<16xf32>
        %parallel_loop3A_253 = arith.select %parallel_loop3A_249, %parallel_loop3A_246, %parallel_loop3A_252 : vector<16xi1>, vector<16xf32>
        %parallel_loop3A_254 = math.exp %parallel_loop3A_253 : vector<16xf32>
        %parallel_loop3A_255 = arith.index_cast %parallel_loop3A_227 : i32 to index
        %parallel_loop3A_256 = arith.constant 0 : index
        %parallel_loop3A_257 = tpu.vector_load %arg15[%parallel_loop3A_255, %parallel_loop3A_256] {strides = array<i32>} : memref<16x16xf32, #tpu.memory_space<vmem>>, vector<16xf32>,
        tpu.vector_store %arg15[%parallel_loop3A_255, %parallel_loop3A_256], %parallel_loop3A_254 {strides = array<i32>} : memref<16x16xf32, #tpu.memory_space<vmem>>, vector<16xf32>,
      } {sc.loop_unroll_factor = 4 : i64, sc.parallel_access}
      %dma_wait3A_208 = arith.constant 0 : i32
      %dma_wait3A_209 = arith.constant 0 : i32
      %dma_wait3A_210 = tpu.memref_slice %arg2[%dma_wait3A_208, %dma_wait3A_209] : memref<10000x144xf32, #tpu.memory_space<hbm>> -> memref<64x144xf32, #tpu.memory_space<hbm>>
      %dma_wait3A_211 = arith.constant 0 : i32
      %dma_wait3A_212 = arith.constant 0 : i32
      %dma_wait3A_213 = tpu.memref_slice %arg2[%dma_wait3A_211, %dma_wait3A_212] : memref<10000x144xf32, #tpu.memory_space<hbm>> -> memref<64x144xf32, #tpu.memory_space<hbm>>
      tpu.wait_dma2 semaphore(%arg18 : memref<!tpu.dma_semaphore, #tpu.memory_space<semaphore_mem>>) src(%dma_wait3A_213 : memref<64x144xf32, #tpu.memory_space<hbm>>) dst(%arg14 : memref<64x144xf32, #tpu.memory_space<vmem>>)
      %parallel_loop3A_214 = arith.constant 0 : i32
      %parallel_loop3A_215 = arith.constant 512 : i32
      %parallel_loop3A_216 = arith.constant 1 : i32
      scf.for %parallel_loop3A_227 = %parallel_loop3A_214 to %parallel_loop3A_215 step %parallel_loop3A_216  : i32 {
        %parallel_loop3A_228 = arith.constant 7 : i32
        %parallel_loop3A_229 = arith.shrsi %parallel_loop3A_227, %parallel_loop3A_228 : i32
        %parallel_loop3A_230 = arith.constant 127 : i32
        %parallel_loop3A_231 = arith.andi %parallel_loop3A_227, %parallel_loop3A_230 : i32
        %parallel_loop3A_232 = arith.constant 16 : i32
        %parallel_loop3A_233 = arith.muli %parallel_loop3A_229, %parallel_loop3A_232 : i32
        %parallel_loop3A_234 = vector.broadcast %parallel_loop3A_233 : i32 to vector<16xi32>
        %parallel_loop3A_235 = arith.addi %iota3A, %parallel_loop3A_234 : vector<16xi32>
        %parallel_loop3A_236 = arith.constant 2 : i32
        %parallel_loop3A_237 = arith.shli %parallel_loop3A_229, %parallel_loop3A_236 : i32
        %parallel_loop3A_238 = arith.constant 5 : i32
        %parallel_loop3A_239 = arith.shrsi %parallel_loop3A_231, %parallel_loop3A_238 : i32
        %parallel_loop3A_240 = arith.ori %parallel_loop3A_237, %parallel_loop3A_239 : i32
        %parallel_loop3A_241 = arith.index_cast %parallel_loop3A_240 : i32 to index
        %parallel_loop3A_242 = arith.constant 0 : index
        %parallel_loop3A_243 = tpu.vector_load %arg15[%parallel_loop3A_241, %parallel_loop3A_242] {strides = array<i32>} : memref<16x16xf32, #tpu.memory_space<vmem>>, vector<16xf32>,
        %parallel_loop3A_244 = arith.constant 0 : i32
        %parallel_loop3A_245 = vector.broadcast %parallel_loop3A_244 : i32 to vector<16xi32>
        %parallel_loop3A_246 = vector.broadcast %parallel_loop3A_231 : i32 to vector<16xi32>
        %parallel_loop3A_247 = arith.addi %parallel_loop3A_245, %parallel_loop3A_246 : vector<16xi32>
        %parallel_loop3A_248 = tpu.vector_load_idx %arg11[%parallel_loop3A_235, %parallel_loop3A_247] : memref<64x144xf32, #tpu.memory_space<vmem>>[vector<16xi32>, vector<16xi32>], vector<16xf32>,
        %parallel_loop3A_249 = arith.mulf %parallel_loop3A_248, %parallel_loop3A_243 : vector<16xf32>
        tpu.vector_store_idx %arg14[%parallel_loop3A_235, %parallel_loop3A_247], %parallel_loop3A_249 : memref<64x144xf32, #tpu.memory_space<vmem>>[vector<16xi32>, vector<16xi32>], vector<16xf32>,
      } {sc.loop_unroll_factor = 8 : i64, sc.parallel_access}
      %parallel_loop3A_217 = arith.constant 0 : i32
      %parallel_loop3A_218 = arith.constant 16 : i32
      %parallel_loop3A_219 = arith.constant 1 : i32
      scf.for %parallel_loop3A_227 = %parallel_loop3A_217 to %parallel_loop3A_218 step %parallel_loop3A_219  : i32 {
        %parallel_loop3A_228 = arith.constant 2 : i32
        %parallel_loop3A_229 = arith.shrsi %parallel_loop3A_227, %parallel_loop3A_228 : i32
        %parallel_loop3A_230 = arith.constant 3 : i32
        %parallel_loop3A_231 = arith.andi %parallel_loop3A_227, %parallel_loop3A_230 : i32
        %parallel_loop3A_232 = arith.constant 16 : i32
        %parallel_loop3A_233 = arith.muli %parallel_loop3A_229, %parallel_loop3A_232 : i32
        %parallel_loop3A_234 = vector.broadcast %parallel_loop3A_233 : i32 to vector<16xi32>
        %parallel_loop3A_235 = arith.addi %iota3A, %parallel_loop3A_234 : vector<16xi32>
        %parallel_loop3A_236 = arith.constant 128 : i32
        %parallel_loop3A_237 = vector.broadcast %parallel_loop3A_236 : i32 to vector<16xi32>
        %parallel_loop3A_238 = vector.broadcast %parallel_loop3A_231 : i32 to vector<16xi32>
        %parallel_loop3A_239 = arith.addi %parallel_loop3A_237, %parallel_loop3A_238 : vector<16xi32>
        %parallel_loop3A_240 = arith.index_cast %parallel_loop3A_227 : i32 to index
        %parallel_loop3A_241 = arith.constant 0 : index
        %parallel_loop3A_242 = tpu.vector_load %arg15[%parallel_loop3A_240, %parallel_loop3A_241] {strides = array<i32>} : memref<16x16xf32, #tpu.memory_space<vmem>>, vector<16xf32>,
        tpu.vector_store_idx %arg14[%parallel_loop3A_235, %parallel_loop3A_239], %parallel_loop3A_242 : memref<64x144xf32, #tpu.memory_space<vmem>>[vector<16xi32>, vector<16xi32>], vector<16xf32>,
      } {sc.loop_unroll_factor = 4 : i64, sc.parallel_access}
      %dma_start3A_220 = arith.constant 0 : i32
      %dma_start3A_221 = arith.constant 0 : i32
      %dma_start3A_222 = tpu.memref_slice %arg9[%dma_start3A_220, %dma_start3A_221] : memref<1x64xi32, #tpu.memory_space<vmem>> -> memref<1x64xi32, #tpu.memory_space<vmem>>
      %dma_start3A_223 = tpu.memref_squeeze %dma_start3A_222 : memref<1x64xi32, #tpu.memory_space<vmem>> -> memref<64xi32, #tpu.memory_space<vmem>>
      %dma_start3A_224 = arith.constant 0 : i32
      %dma_start3A_225 = arith.constant 0 : i32
      %dma_start3A_226 = tpu.memref_slice %arg6[%dma_start3A_224, %dma_start3A_225] : memref<10000x144xf32, #tpu.memory_space<vmem_shared>> -> memref<10000x144xf32, #tpu.memory_space<vmem_shared>>
      tpu.enqueue_indirect_dma source(%arg14 : memref<64x144xf32, #tpu.memory_space<vmem>>) target(%dma_start3A_226 : memref<10000x144xf32, #tpu.memory_space<vmem_shared>>) offsets(%dma_start3A_223 : memref<64xi32, #tpu.memory_space<vmem>>) semaphore(%arg18 : memref<!tpu.dma_semaphore, #tpu.memory_space<semaphore_mem>>) {add = true}
    }
    %dma_wait3A = arith.constant 0 : i32
    %dma_wait3A_63 = arith.constant 0 : i32
    %dma_wait3A_64 = tpu.memref_slice %arg2[%dma_wait3A, %dma_wait3A_63] : memref<10000x144xf32, #tpu.memory_space<hbm>> -> memref<64x144xf32, #tpu.memory_space<hbm>>
    %dma_wait3A_65 = arith.constant 0 : i32
    %dma_wait3A_66 = arith.constant 0 : i32
    %dma_wait3A_67 = tpu.memref_slice %arg2[%dma_wait3A_65, %dma_wait3A_66] : memref<10000x144xf32, #tpu.memory_space<hbm>> -> memref<64x144xf32, #tpu.memory_space<hbm>>
    tpu.wait_dma2 semaphore(%arg18 : memref<!tpu.dma_semaphore, #tpu.memory_space<semaphore_mem>>) src(%dma_wait3A_67 : memref<64x144xf32, #tpu.memory_space<hbm>>) dst(%arg14 : memref<64x144xf32, #tpu.memory_space<vmem>>)
    %barrier3A_68 = arith.constant 0 : index
    tpu.barrier barrier_id(%barrier3A_68)
    %lt3A_69 = arith.constant 15 : i32
    %lt3A_70 = arith.cmpi slt, %arg1, %lt3A_69 : i32
    %convert_element_type3A_71 = arith.extui %lt3A_70 : i1 to i32
    %cond3A_72 = arith.constant 0 : i32
    %cond3A_73 = arith.cmpi ne, %convert_element_type3A_71, %cond3A_72 : i32
    scf.if %cond3A_73 {
      %add3A_79 = arith.constant 0 : i32
      %add3A_80 = arith.addi %mul3A_7, %add3A_79 : i32
      %add3A_81 = arith.constant 0 : i32
      %add3A_82 = arith.addi %mul3A_7, %add3A_81 : i32
      "tpu.region"() ({
        %run_scoped3A = tpu.sem_alloc : memref<!tpu.dma_semaphore, #tpu.memory_space<semaphore_mem>>
        %dma_start3A_119 = arith.constant 0 : i32
        %dma_start3A_120 = tpu.memref_slice %arg5[%arg0, %add3A_82, %dma_start3A_119] : memref<2x10000x144xf32, #tpu.memory_space<hbm>> -> memref<1x64x144xf32, #tpu.memory_space<hbm>>
        %dma_start3A_121 = tpu.memref_squeeze %dma_start3A_120 : memref<1x64x144xf32, #tpu.memory_space<hbm>> -> memref<64x144xf32, #tpu.memory_space<hbm>>
        %dma_start3A_122 = arith.constant 0 : i32
        %dma_start3A_123 = tpu.memref_slice %arg6[%add3A_80, %dma_start3A_122] : memref<10000x144xf32, #tpu.memory_space<vmem_shared>> -> memref<64x144xf32, #tpu.memory_space<vmem_shared>>
        tpu.enqueue_dma source(%dma_start3A_123 : memref<64x144xf32, #tpu.memory_space<vmem_shared>>) target(%dma_start3A_121 : memref<64x144xf32, #tpu.memory_space<hbm>>) target_semaphore(%run_scoped3A : memref<!tpu.dma_semaphore, #tpu.memory_space<semaphore_mem>>)
        %dma_wait3A_124 = arith.constant 0 : i32
        %dma_wait3A_125 = tpu.memref_slice %arg5[%arg0, %add3A_82, %dma_wait3A_124] : memref<2x10000x144xf32, #tpu.memory_space<hbm>> -> memref<1x64x144xf32, #tpu.memory_space<hbm>>
        %dma_wait3A_126 = tpu.memref_squeeze %dma_wait3A_125 : memref<1x64x144xf32, #tpu.memory_space<hbm>> -> memref<64x144xf32, #tpu.memory_space<hbm>>
        %dma_wait3A_127 = arith.constant 0 : i32
        %dma_wait3A_128 = tpu.memref_slice %arg6[%add3A_80, %dma_wait3A_127] : memref<10000x144xf32, #tpu.memory_space<vmem_shared>> -> memref<64x144xf32, #tpu.memory_space<vmem_shared>>
        tpu.wait_dma2 semaphore(%run_scoped3A : memref<!tpu.dma_semaphore, #tpu.memory_space<semaphore_mem>>) src(%dma_wait3A_128 : memref<64x144xf32, #tpu.memory_space<vmem_shared>>) dst(%dma_wait3A_126 : memref<64x144xf32, #tpu.memory_space<hbm>>)
        tpu.yield
      }) : () -> ()
      %add3A_83 = arith.constant 64 : i32
      %add3A_84 = arith.addi %mul3A_7, %add3A_83 : i32
      %add3A_85 = arith.constant 64 : i32
      %add3A_86 = arith.addi %mul3A_7, %add3A_85 : i32
      "tpu.region"() ({
        %run_scoped3A = tpu.sem_alloc : memref<!tpu.dma_semaphore, #tpu.memory_space<semaphore_mem>>
        %dma_start3A_119 = arith.constant 0 : i32
        %dma_start3A_120 = tpu.memref_slice %arg5[%arg0, %add3A_86, %dma_start3A_119] : memref<2x10000x144xf32, #tpu.memory_space<hbm>> -> memref<1x64x144xf32, #tpu.memory_space<hbm>>
        %dma_start3A_121 = tpu.memref_squeeze %dma_start3A_120 : memref<1x64x144xf32, #tpu.memory_space<hbm>> -> memref<64x144xf32, #tpu.memory_space<hbm>>
        %dma_start3A_122 = arith.constant 0 : i32
        %dma_start3A_123 = tpu.memref_slice %arg6[%add3A_84, %dma_start3A_122] : memref<10000x144xf32, #tpu.memory_space<vmem_shared>> -> memref<64x144xf32, #tpu.memory_space<vmem_shared>>
        tpu.enqueue_dma source(%dma_start3A_123 : memref<64x144xf32, #tpu.memory_space<vmem_shared>>) target(%dma_start3A_121 : memref<64x144xf32, #tpu.memory_space<hbm>>) target_semaphore(%run_scoped3A : memref<!tpu.dma_semaphore, #tpu.memory_space<semaphore_mem>>)
        %dma_wait3A_124 = arith.constant 0 : i32
        %dma_wait3A_125 = tpu.memref_slice %arg5[%arg0, %add3A_86, %dma_wait3A_124] : memref<2x10000x144xf32, #tpu.memory_space<hbm>> -> memref<1x64x144xf32, #tpu.memory_space<hbm>>
        %dma_wait3A_126 = tpu.memref_squeeze %dma_wait3A_125 : memref<1x64x144xf32, #tpu.memory_space<hbm>> -> memref<64x144xf32, #tpu.memory_space<hbm>>
        %dma_wait3A_127 = arith.constant 0 : i32
        %dma_wait3A_128 = tpu.memref_slice %arg6[%add3A_84, %dma_wait3A_127] : memref<10000x144xf32, #tpu.memory_space<vmem_shared>> -> memref<64x144xf32, #tpu.memory_space<vmem_shared>>
        tpu.wait_dma2 semaphore(%run_scoped3A : memref<!tpu.dma_semaphore, #tpu.memory_space<semaphore_mem>>) src(%dma_wait3A_128 : memref<64x144xf32, #tpu.memory_space<vmem_shared>>) dst(%dma_wait3A_126 : memref<64x144xf32, #tpu.memory_space<hbm>>)
        tpu.yield
      }) : () -> ()
      %add3A_87 = arith.constant 128 : i32
      %add3A_88 = arith.addi %mul3A_7, %add3A_87 : i32
      %add3A_89 = arith.constant 128 : i32
      %add3A_90 = arith.addi %mul3A_7, %add3A_89 : i32
      "tpu.region"() ({
        %run_scoped3A = tpu.sem_alloc : memref<!tpu.dma_semaphore, #tpu.memory_space<semaphore_mem>>
        %dma_start3A_119 = arith.constant 0 : i32
        %dma_start3A_120 = tpu.memref_slice %arg5[%arg0, %add3A_90, %dma_start3A_119] : memref<2x10000x144xf32, #tpu.memory_space<hbm>> -> memref<1x64x144xf32, #tpu.memory_space<hbm>>
        %dma_start3A_121 = tpu.memref_squeeze %dma_start3A_120 : memref<1x64x144xf32, #tpu.memory_space<hbm>> -> memref<64x144xf32, #tpu.memory_space<hbm>>
        %dma_start3A_122 = arith.constant 0 : i32
        %dma_start3A_123 = tpu.memref_slice %arg6[%add3A_88, %dma_start3A_122] : memref<10000x144xf32, #tpu.memory_space<vmem_shared>> -> memref<64x144xf32, #tpu.memory_space<vmem_shared>>
        tpu.enqueue_dma source(%dma_start3A_123 : memref<64x144xf32, #tpu.memory_space<vmem_shared>>) target(%dma_start3A_121 : memref<64x144xf32, #tpu.memory_space<hbm>>) target_semaphore(%run_scoped3A : memref<!tpu.dma_semaphore, #tpu.memory_space<semaphore_mem>>)
        %dma_wait3A_124 = arith.constant 0 : i32
        %dma_wait3A_125 = tpu.memref_slice %arg5[%arg0, %add3A_90, %dma_wait3A_124] : memref<2x10000x144xf32, #tpu.memory_space<hbm>> -> memref<1x64x144xf32, #tpu.memory_space<hbm>>
        %dma_wait3A_126 = tpu.memref_squeeze %dma_wait3A_125 : memref<1x64x144xf32, #tpu.memory_space<hbm>> -> memref<64x144xf32, #tpu.memory_space<hbm>>
        %dma_wait3A_127 = arith.constant 0 : i32
        %dma_wait3A_128 = tpu.memref_slice %arg6[%add3A_88, %dma_wait3A_127] : memref<10000x144xf32, #tpu.memory_space<vmem_shared>> -> memref<64x144xf32, #tpu.memory_space<vmem_shared>>
        tpu.wait_dma2 semaphore(%run_scoped3A : memref<!tpu.dma_semaphore, #tpu.memory_space<semaphore_mem>>) src(%dma_wait3A_128 : memref<64x144xf32, #tpu.memory_space<vmem_shared>>) dst(%dma_wait3A_126 : memref<64x144xf32, #tpu.memory_space<hbm>>)
        tpu.yield
      }) : () -> ()
      %add3A_91 = arith.constant 192 : i32
      %add3A_92 = arith.addi %mul3A_7, %add3A_91 : i32
      %add3A_93 = arith.constant 192 : i32
      %add3A_94 = arith.addi %mul3A_7, %add3A_93 : i32
      "tpu.region"() ({
        %run_scoped3A = tpu.sem_alloc : memref<!tpu.dma_semaphore, #tpu.memory_space<semaphore_mem>>
        %dma_start3A_119 = arith.constant 0 : i32
        %dma_start3A_120 = tpu.memref_slice %arg5[%arg0, %add3A_94, %dma_start3A_119] : memref<2x10000x144xf32, #tpu.memory_space<hbm>> -> memref<1x64x144xf32, #tpu.memory_space<hbm>>
        %dma_start3A_121 = tpu.memref_squeeze %dma_start3A_120 : memref<1x64x144xf32, #tpu.memory_space<hbm>> -> memref<64x144xf32, #tpu.memory_space<hbm>>
        %dma_start3A_122 = arith.constant 0 : i32
        %dma_start3A_123 = tpu.memref_slice %arg6[%add3A_92, %dma_start3A_122] : memref<10000x144xf32, #tpu.memory_space<vmem_shared>> -> memref<64x144xf32, #tpu.memory_space<vmem_shared>>
        tpu.enqueue_dma source(%dma_start3A_123 : memref<64x144xf32, #tpu.memory_space<vmem_shared>>) target(%dma_start3A_121 : memref<64x144xf32, #tpu.memory_space<hbm>>) target_semaphore(%run_scoped3A : memref<!tpu.dma_semaphore, #tpu.memory_space<semaphore_mem>>)
        %dma_wait3A_124 = arith.constant 0 : i32
        %dma_wait3A_125 = tpu.memref_slice %arg5[%arg0, %add3A_94, %dma_wait3A_124] : memref<2x10000x144xf32, #tpu.memory_space<hbm>> -> memref<1x64x144xf32, #tpu.memory_space<hbm>>
        %dma_wait3A_126 = tpu.memref_squeeze %dma_wait3A_125 : memref<1x64x144xf32, #tpu.memory_space<hbm>> -> memref<64x144xf32, #tpu.memory_space<hbm>>
        %dma_wait3A_127 = arith.constant 0 : i32
        %dma_wait3A_128 = tpu.memref_slice %arg6[%add3A_92, %dma_wait3A_127] : memref<10000x144xf32, #tpu.memory_space<vmem_shared>> -> memref<64x144xf32, #tpu.memory_space<vmem_shared>>
        tpu.wait_dma2 semaphore(%run_scoped3A : memref<!tpu.dma_semaphore, #tpu.memory_space<semaphore_mem>>) src(%dma_wait3A_128 : memref<64x144xf32, #tpu.memory_space<vmem_shared>>) dst(%dma_wait3A_126 : memref<64x144xf32, #tpu.memory_space<hbm>>)
        tpu.yield
      }) : () -> ()
      %add3A_95 = arith.constant 256 : i32
      %add3A_96 = arith.addi %mul3A_7, %add3A_95 : i32
      %add3A_97 = arith.constant 256 : i32
      %add3A_98 = arith.addi %mul3A_7, %add3A_97 : i32
      "tpu.region"() ({
        %run_scoped3A = tpu.sem_alloc : memref<!tpu.dma_semaphore, #tpu.memory_space<semaphore_mem>>
        %dma_start3A_119 = arith.constant 0 : i32
        %dma_start3A_120 = tpu.memref_slice %arg5[%arg0, %add3A_98, %dma_start3A_119] : memref<2x10000x144xf32, #tpu.memory_space<hbm>> -> memref<1x64x144xf32, #tpu.memory_space<hbm>>
        %dma_start3A_121 = tpu.memref_squeeze %dma_start3A_120 : memref<1x64x144xf32, #tpu.memory_space<hbm>> -> memref<64x144xf32, #tpu.memory_space<hbm>>
        %dma_start3A_122 = arith.constant 0 : i32
        %dma_start3A_123 = tpu.memref_slice %arg6[%add3A_96, %dma_start3A_122] : memref<10000x144xf32, #tpu.memory_space<vmem_shared>> -> memref<64x144xf32, #tpu.memory_space<vmem_shared>>
        tpu.enqueue_dma source(%dma_start3A_123 : memref<64x144xf32, #tpu.memory_space<vmem_shared>>) target(%dma_start3A_121 : memref<64x144xf32, #tpu.memory_space<hbm>>) target_semaphore(%run_scoped3A : memref<!tpu.dma_semaphore, #tpu.memory_space<semaphore_mem>>)
        %dma_wait3A_124 = arith.constant 0 : i32
        %dma_wait3A_125 = tpu.memref_slice %arg5[%arg0, %add3A_98, %dma_wait3A_124] : memref<2x10000x144xf32, #tpu.memory_space<hbm>> -> memref<1x64x144xf32, #tpu.memory_space<hbm>>
        %dma_wait3A_126 = tpu.memref_squeeze %dma_wait3A_125 : memref<1x64x144xf32, #tpu.memory_space<hbm>> -> memref<64x144xf32, #tpu.memory_space<hbm>>
        %dma_wait3A_127 = arith.constant 0 : i32
        %dma_wait3A_128 = tpu.memref_slice %arg6[%add3A_96, %dma_wait3A_127] : memref<10000x144xf32, #tpu.memory_space<vmem_shared>> -> memref<64x144xf32, #tpu.memory_space<vmem_shared>>
        tpu.wait_dma2 semaphore(%run_scoped3A : memref<!tpu.dma_semaphore, #tpu.memory_space<semaphore_mem>>) src(%dma_wait3A_128 : memref<64x144xf32, #tpu.memory_space<vmem_shared>>) dst(%dma_wait3A_126 : memref<64x144xf32, #tpu.memory_space<hbm>>)
        tpu.yield
      }) : () -> ()
      %add3A_99 = arith.constant 320 : i32
      %add3A_100 = arith.addi %mul3A_7, %add3A_99 : i32
      %add3A_101 = arith.constant 320 : i32
      %add3A_102 = arith.addi %mul3A_7, %add3A_101 : i32
      "tpu.region"() ({
        %run_scoped3A = tpu.sem_alloc : memref<!tpu.dma_semaphore, #tpu.memory_space<semaphore_mem>>
        %dma_start3A_119 = arith.constant 0 : i32
        %dma_start3A_120 = tpu.memref_slice %arg5[%arg0, %add3A_102, %dma_start3A_119] : memref<2x10000x144xf32, #tpu.memory_space<hbm>> -> memref<1x64x144xf32, #tpu.memory_space<hbm>>
        %dma_start3A_121 = tpu.memref_squeeze %dma_start3A_120 : memref<1x64x144xf32, #tpu.memory_space<hbm>> -> memref<64x144xf32, #tpu.memory_space<hbm>>
        %dma_start3A_122 = arith.constant 0 : i32
        %dma_start3A_123 = tpu.memref_slice %arg6[%add3A_100, %dma_start3A_122] : memref<10000x144xf32, #tpu.memory_space<vmem_shared>> -> memref<64x144xf32, #tpu.memory_space<vmem_shared>>
        tpu.enqueue_dma source(%dma_start3A_123 : memref<64x144xf32, #tpu.memory_space<vmem_shared>>) target(%dma_start3A_121 : memref<64x144xf32, #tpu.memory_space<hbm>>) target_semaphore(%run_scoped3A : memref<!tpu.dma_semaphore, #tpu.memory_space<semaphore_mem>>)
        %dma_wait3A_124 = arith.constant 0 : i32
        %dma_wait3A_125 = tpu.memref_slice %arg5[%arg0, %add3A_102, %dma_wait3A_124] : memref<2x10000x144xf32, #tpu.memory_space<hbm>> -> memref<1x64x144xf32, #tpu.memory_space<hbm>>
        %dma_wait3A_126 = tpu.memref_squeeze %dma_wait3A_125 : memref<1x64x144xf32, #tpu.memory_space<hbm>> -> memref<64x144xf32, #tpu.memory_space<hbm>>
        %dma_wait3A_127 = arith.constant 0 : i32
        %dma_wait3A_128 = tpu.memref_slice %arg6[%add3A_100, %dma_wait3A_127] : memref<10000x144xf32, #tpu.memory_space<vmem_shared>> -> memref<64x144xf32, #tpu.memory_space<vmem_shared>>
        tpu.wait_dma2 semaphore(%run_scoped3A : memref<!tpu.dma_semaphore, #tpu.memory_space<semaphore_mem>>) src(%dma_wait3A_128 : memref<64x144xf32, #tpu.memory_space<vmem_shared>>) dst(%dma_wait3A_126 : memref<64x144xf32, #tpu.memory_space<hbm>>)
        tpu.yield
      }) : () -> ()
      %add3A_103 = arith.constant 384 : i32
      %add3A_104 = arith.addi %mul3A_7, %add3A_103 : i32
      %add3A_105 = arith.constant 384 : i32
      %add3A_106 = arith.addi %mul3A_7, %add3A_105 : i32
      "tpu.region"() ({
        %run_scoped3A = tpu.sem_alloc : memref<!tpu.dma_semaphore, #tpu.memory_space<semaphore_mem>>
        %dma_start3A_119 = arith.constant 0 : i32
        %dma_start3A_120 = tpu.memref_slice %arg5[%arg0, %add3A_106, %dma_start3A_119] : memref<2x10000x144xf32, #tpu.memory_space<hbm>> -> memref<1x64x144xf32, #tpu.memory_space<hbm>>
        %dma_start3A_121 = tpu.memref_squeeze %dma_start3A_120 : memref<1x64x144xf32, #tpu.memory_space<hbm>> -> memref<64x144xf32, #tpu.memory_space<hbm>>
        %dma_start3A_122 = arith.constant 0 : i32
        %dma_start3A_123 = tpu.memref_slice %arg6[%add3A_104, %dma_start3A_122] : memref<10000x144xf32, #tpu.memory_space<vmem_shared>> -> memref<64x144xf32, #tpu.memory_space<vmem_shared>>
        tpu.enqueue_dma source(%dma_start3A_123 : memref<64x144xf32, #tpu.memory_space<vmem_shared>>) target(%dma_start3A_121 : memref<64x144xf32, #tpu.memory_space<hbm>>) target_semaphore(%run_scoped3A : memref<!tpu.dma_semaphore, #tpu.memory_space<semaphore_mem>>)
        %dma_wait3A_124 = arith.constant 0 : i32
        %dma_wait3A_125 = tpu.memref_slice %arg5[%arg0, %add3A_106, %dma_wait3A_124] : memref<2x10000x144xf32, #tpu.memory_space<hbm>> -> memref<1x64x144xf32, #tpu.memory_space<hbm>>
        %dma_wait3A_126 = tpu.memref_squeeze %dma_wait3A_125 : memref<1x64x144xf32, #tpu.memory_space<hbm>> -> memref<64x144xf32, #tpu.memory_space<hbm>>
        %dma_wait3A_127 = arith.constant 0 : i32
        %dma_wait3A_128 = tpu.memref_slice %arg6[%add3A_104, %dma_wait3A_127] : memref<10000x144xf32, #tpu.memory_space<vmem_shared>> -> memref<64x144xf32, #tpu.memory_space<vmem_shared>>
        tpu.wait_dma2 semaphore(%run_scoped3A : memref<!tpu.dma_semaphore, #tpu.memory_space<semaphore_mem>>) src(%dma_wait3A_128 : memref<64x144xf32, #tpu.memory_space<vmem_shared>>) dst(%dma_wait3A_126 : memref<64x144xf32, #tpu.memory_space<hbm>>)
        tpu.yield
      }) : () -> ()
      %add3A_107 = arith.constant 448 : i32
      %add3A_108 = arith.addi %mul3A_7, %add3A_107 : i32
      %add3A_109 = arith.constant 448 : i32
      %add3A_110 = arith.addi %mul3A_7, %add3A_109 : i32
      "tpu.region"() ({
        %run_scoped3A = tpu.sem_alloc : memref<!tpu.dma_semaphore, #tpu.memory_space<semaphore_mem>>
        %dma_start3A_119 = arith.constant 0 : i32
        %dma_start3A_120 = tpu.memref_slice %arg5[%arg0, %add3A_110, %dma_start3A_119] : memref<2x10000x144xf32, #tpu.memory_space<hbm>> -> memref<1x64x144xf32, #tpu.memory_space<hbm>>
        %dma_start3A_121 = tpu.memref_squeeze %dma_start3A_120 : memref<1x64x144xf32, #tpu.memory_space<hbm>> -> memref<64x144xf32, #tpu.memory_space<hbm>>
        %dma_start3A_122 = arith.constant 0 : i32
        %dma_start3A_123 = tpu.memref_slice %arg6[%add3A_108, %dma_start3A_122] : memref<10000x144xf32, #tpu.memory_space<vmem_shared>> -> memref<64x144xf32, #tpu.memory_space<vmem_shared>>
        tpu.enqueue_dma source(%dma_start3A_123 : memref<64x144xf32, #tpu.memory_space<vmem_shared>>) target(%dma_start3A_121 : memref<64x144xf32, #tpu.memory_space<hbm>>) target_semaphore(%run_scoped3A : memref<!tpu.dma_semaphore, #tpu.memory_space<semaphore_mem>>)
        %dma_wait3A_124 = arith.constant 0 : i32
        %dma_wait3A_125 = tpu.memref_slice %arg5[%arg0, %add3A_110, %dma_wait3A_124] : memref<2x10000x144xf32, #tpu.memory_space<hbm>> -> memref<1x64x144xf32, #tpu.memory_space<hbm>>
        %dma_wait3A_126 = tpu.memref_squeeze %dma_wait3A_125 : memref<1x64x144xf32, #tpu.memory_space<hbm>> -> memref<64x144xf32, #tpu.memory_space<hbm>>
        %dma_wait3A_127 = arith.constant 0 : i32
        %dma_wait3A_128 = tpu.memref_slice %arg6[%add3A_108, %dma_wait3A_127] : memref<10000x144xf32, #tpu.memory_space<vmem_shared>> -> memref<64x144xf32, #tpu.memory_space<vmem_shared>>
        tpu.wait_dma2 semaphore(%run_scoped3A : memref<!tpu.dma_semaphore, #tpu.memory_space<semaphore_mem>>) src(%dma_wait3A_128 : memref<64x144xf32, #tpu.memory_space<vmem_shared>>) dst(%dma_wait3A_126 : memref<64x144xf32, #tpu.memory_space<hbm>>)
        tpu.yield
      }) : () -> ()
      %add3A_111 = arith.constant 512 : i32
      %add3A_112 = arith.addi %mul3A_7, %add3A_111 : i32
      %add3A_113 = arith.constant 512 : i32
      %add3A_114 = arith.addi %mul3A_7, %add3A_113 : i32
      "tpu.region"() ({
        %run_scoped3A = tpu.sem_alloc : memref<!tpu.dma_semaphore, #tpu.memory_space<semaphore_mem>>
        %dma_start3A_119 = arith.constant 0 : i32
        %dma_start3A_120 = tpu.memref_slice %arg5[%arg0, %add3A_114, %dma_start3A_119] : memref<2x10000x144xf32, #tpu.memory_space<hbm>> -> memref<1x64x144xf32, #tpu.memory_space<hbm>>
        %dma_start3A_121 = tpu.memref_squeeze %dma_start3A_120 : memref<1x64x144xf32, #tpu.memory_space<hbm>> -> memref<64x144xf32, #tpu.memory_space<hbm>>
        %dma_start3A_122 = arith.constant 0 : i32
        %dma_start3A_123 = tpu.memref_slice %arg6[%add3A_112, %dma_start3A_122] : memref<10000x144xf32, #tpu.memory_space<vmem_shared>> -> memref<64x144xf32, #tpu.memory_space<vmem_shared>>
        tpu.enqueue_dma source(%dma_start3A_123 : memref<64x144xf32, #tpu.memory_space<vmem_shared>>) target(%dma_start3A_121 : memref<64x144xf32, #tpu.memory_space<hbm>>) target_semaphore(%run_scoped3A : memref<!tpu.dma_semaphore, #tpu.memory_space<semaphore_mem>>)
        %dma_wait3A_124 = arith.constant 0 : i32
        %dma_wait3A_125 = tpu.memref_slice %arg5[%arg0, %add3A_114, %dma_wait3A_124] : memref<2x10000x144xf32, #tpu.memory_space<hbm>> -> memref<1x64x144xf32, #tpu.memory_space<hbm>>
        %dma_wait3A_126 = tpu.memref_squeeze %dma_wait3A_125 : memref<1x64x144xf32, #tpu.memory_space<hbm>> -> memref<64x144xf32, #tpu.memory_space<hbm>>
        %dma_wait3A_127 = arith.constant 0 : i32
        %dma_wait3A_128 = tpu.memref_slice %arg6[%add3A_112, %dma_wait3A_127] : memref<10000x144xf32, #tpu.memory_space<vmem_shared>> -> memref<64x144xf32, #tpu.memory_space<vmem_shared>>
        tpu.wait_dma2 semaphore(%run_scoped3A : memref<!tpu.dma_semaphore, #tpu.memory_space<semaphore_mem>>) src(%dma_wait3A_128 : memref<64x144xf32, #tpu.memory_space<vmem_shared>>) dst(%dma_wait3A_126 : memref<64x144xf32, #tpu.memory_space<hbm>>)
        tpu.yield
      }) : () -> ()
      %add3A_115 = arith.constant 576 : i32
      %add3A_116 = arith.addi %mul3A_7, %add3A_115 : i32
      %add3A_117 = arith.constant 576 : i32
      %add3A_118 = arith.addi %mul3A_7, %add3A_117 : i32
      "tpu.region"() ({
        %run_scoped3A = tpu.sem_alloc : memref<!tpu.dma_semaphore, #tpu.memory_space<semaphore_mem>>
        %dma_start3A_119 = arith.constant 0 : i32
        %dma_start3A_120 = tpu.memref_slice %arg5[%arg0, %add3A_118, %dma_start3A_119] : memref<2x10000x144xf32, #tpu.memory_space<hbm>> -> memref<1x56x144xf32, #tpu.memory_space<hbm>>
        %dma_start3A_121 = tpu.memref_squeeze %dma_start3A_120 : memref<1x56x144xf32, #tpu.memory_space<hbm>> -> memref<56x144xf32, #tpu.memory_space<hbm>>
        %dma_start3A_122 = arith.constant 0 : i32
        %dma_start3A_123 = tpu.memref_slice %arg6[%add3A_116, %dma_start3A_122] : memref<10000x144xf32, #tpu.memory_space<vmem_shared>> -> memref<56x144xf32, #tpu.memory_space<vmem_shared>>
        tpu.enqueue_dma source(%dma_start3A_123 : memref<56x144xf32, #tpu.memory_space<vmem_shared>>) target(%dma_start3A_121 : memref<56x144xf32, #tpu.memory_space<hbm>>) target_semaphore(%run_scoped3A : memref<!tpu.dma_semaphore, #tpu.memory_space<semaphore_mem>>)
        %dma_wait3A_124 = arith.constant 0 : i32
        %dma_wait3A_125 = tpu.memref_slice %arg5[%arg0, %add3A_118, %dma_wait3A_124] : memref<2x10000x144xf32, #tpu.memory_space<hbm>> -> memref<1x56x144xf32, #tpu.memory_space<hbm>>
        %dma_wait3A_126 = tpu.memref_squeeze %dma_wait3A_125 : memref<1x56x144xf32, #tpu.memory_space<hbm>> -> memref<56x144xf32, #tpu.memory_space<hbm>>
        %dma_wait3A_127 = arith.constant 0 : i32
        %dma_wait3A_128 = tpu.memref_slice %arg6[%add3A_116, %dma_wait3A_127] : memref<10000x144xf32, #tpu.memory_space<vmem_shared>> -> memref<56x144xf32, #tpu.memory_space<vmem_shared>>
        tpu.wait_dma2 semaphore(%run_scoped3A : memref<!tpu.dma_semaphore, #tpu.memory_space<semaphore_mem>>) src(%dma_wait3A_128 : memref<56x144xf32, #tpu.memory_space<vmem_shared>>) dst(%dma_wait3A_126 : memref<56x144xf32, #tpu.memory_space<hbm>>)
        tpu.yield
      }) : () -> ()
    } else {
    }
    %eq3A_74 = arith.constant 15 : i32
    %eq3A_75 = arith.cmpi eq, %arg1, %eq3A_74 : i32
    %convert_element_type3A_76 = arith.extui %eq3A_75 : i1 to i32
    %cond3A_77 = arith.constant 0 : i32
    %cond3A_78 = arith.cmpi ne, %convert_element_type3A_76, %cond3A_77 : i32
    scf.if %cond3A_78 {
      %add3A_79 = arith.constant 0 : i32
      %add3A_80 = arith.addi %mul3A_7, %add3A_79 : i32
      %add3A_81 = arith.constant 0 : i32
      %add3A_82 = arith.addi %mul3A_7, %add3A_81 : i32
      "tpu.region"() ({
        %run_scoped3A = tpu.sem_alloc : memref<!tpu.dma_semaphore, #tpu.memory_space<semaphore_mem>>
        %dma_start3A_115 = arith.constant 0 : i32
        %dma_start3A_116 = tpu.memref_slice %arg5[%arg0, %add3A_82, %dma_start3A_115] : memref<2x10000x144xf32, #tpu.memory_space<hbm>> -> memref<1x64x144xf32, #tpu.memory_space<hbm>>
        %dma_start3A_117 = tpu.memref_squeeze %dma_start3A_116 : memref<1x64x144xf32, #tpu.memory_space<hbm>> -> memref<64x144xf32, #tpu.memory_space<hbm>>
        %dma_start3A_118 = arith.constant 0 : i32
        %dma_start3A_119 = tpu.memref_slice %arg6[%add3A_80, %dma_start3A_118] : memref<10000x144xf32, #tpu.memory_space<vmem_shared>> -> memref<64x144xf32, #tpu.memory_space<vmem_shared>>
        tpu.enqueue_dma source(%dma_start3A_119 : memref<64x144xf32, #tpu.memory_space<vmem_shared>>) target(%dma_start3A_117 : memref<64x144xf32, #tpu.memory_space<hbm>>) target_semaphore(%run_scoped3A : memref<!tpu.dma_semaphore, #tpu.memory_space<semaphore_mem>>)
        %dma_wait3A_120 = arith.constant 0 : i32
        %dma_wait3A_121 = tpu.memref_slice %arg5[%arg0, %add3A_82, %dma_wait3A_120] : memref<2x10000x144xf32, #tpu.memory_space<hbm>> -> memref<1x64x144xf32, #tpu.memory_space<hbm>>
        %dma_wait3A_122 = tpu.memref_squeeze %dma_wait3A_121 : memref<1x64x144xf32, #tpu.memory_space<hbm>> -> memref<64x144xf32, #tpu.memory_space<hbm>>
        %dma_wait3A_123 = arith.constant 0 : i32
        %dma_wait3A_124 = tpu.memref_slice %arg6[%add3A_80, %dma_wait3A_123] : memref<10000x144xf32, #tpu.memory_space<vmem_shared>> -> memref<64x144xf32, #tpu.memory_space<vmem_shared>>
        tpu.wait_dma2 semaphore(%run_scoped3A : memref<!tpu.dma_semaphore, #tpu.memory_space<semaphore_mem>>) src(%dma_wait3A_124 : memref<64x144xf32, #tpu.memory_space<vmem_shared>>) dst(%dma_wait3A_122 : memref<64x144xf32, #tpu.memory_space<hbm>>)
        tpu.yield
      }) : () -> ()
      %add3A_83 = arith.constant 64 : i32
      %add3A_84 = arith.addi %mul3A_7, %add3A_83 : i32
      %add3A_85 = arith.constant 64 : i32
      %add3A_86 = arith.addi %mul3A_7, %add3A_85 : i32
      "tpu.region"() ({
        %run_scoped3A = tpu.sem_alloc : memref<!tpu.dma_semaphore, #tpu.memory_space<semaphore_mem>>
        %dma_start3A_115 = arith.constant 0 : i32
        %dma_start3A_116 = tpu.memref_slice %arg5[%arg0, %add3A_86, %dma_start3A_115] : memref<2x10000x144xf32, #tpu.memory_space<hbm>> -> memref<1x64x144xf32, #tpu.memory_space<hbm>>
        %dma_start3A_117 = tpu.memref_squeeze %dma_start3A_116 : memref<1x64x144xf32, #tpu.memory_space<hbm>> -> memref<64x144xf32, #tpu.memory_space<hbm>>
        %dma_start3A_118 = arith.constant 0 : i32
        %dma_start3A_119 = tpu.memref_slice %arg6[%add3A_84, %dma_start3A_118] : memref<10000x144xf32, #tpu.memory_space<vmem_shared>> -> memref<64x144xf32, #tpu.memory_space<vmem_shared>>
        tpu.enqueue_dma source(%dma_start3A_119 : memref<64x144xf32, #tpu.memory_space<vmem_shared>>) target(%dma_start3A_117 : memref<64x144xf32, #tpu.memory_space<hbm>>) target_semaphore(%run_scoped3A : memref<!tpu.dma_semaphore, #tpu.memory_space<semaphore_mem>>)
        %dma_wait3A_120 = arith.constant 0 : i32
        %dma_wait3A_121 = tpu.memref_slice %arg5[%arg0, %add3A_86, %dma_wait3A_120] : memref<2x10000x144xf32, #tpu.memory_space<hbm>> -> memref<1x64x144xf32, #tpu.memory_space<hbm>>
        %dma_wait3A_122 = tpu.memref_squeeze %dma_wait3A_121 : memref<1x64x144xf32, #tpu.memory_space<hbm>> -> memref<64x144xf32, #tpu.memory_space<hbm>>
        %dma_wait3A_123 = arith.constant 0 : i32
        %dma_wait3A_124 = tpu.memref_slice %arg6[%add3A_84, %dma_wait3A_123] : memref<10000x144xf32, #tpu.memory_space<vmem_shared>> -> memref<64x144xf32, #tpu.memory_space<vmem_shared>>
        tpu.wait_dma2 semaphore(%run_scoped3A : memref<!tpu.dma_semaphore, #tpu.memory_space<semaphore_mem>>) src(%dma_wait3A_124 : memref<64x144xf32, #tpu.memory_space<vmem_shared>>) dst(%dma_wait3A_122 : memref<64x144xf32, #tpu.memory_space<hbm>>)
        tpu.yield
      }) : () -> ()
      %add3A_87 = arith.constant 128 : i32
      %add3A_88 = arith.addi %mul3A_7, %add3A_87 : i32
      %add3A_89 = arith.constant 128 : i32
      %add3A_90 = arith.addi %mul3A_7, %add3A_89 : i32
      "tpu.region"() ({
        %run_scoped3A = tpu.sem_alloc : memref<!tpu.dma_semaphore, #tpu.memory_space<semaphore_mem>>
        %dma_start3A_115 = arith.constant 0 : i32
        %dma_start3A_116 = tpu.memref_slice %arg5[%arg0, %add3A_90, %dma_start3A_115] : memref<2x10000x144xf32, #tpu.memory_space<hbm>> -> memref<1x64x144xf32, #tpu.memory_space<hbm>>
        %dma_start3A_117 = tpu.memref_squeeze %dma_start3A_116 : memref<1x64x144xf32, #tpu.memory_space<hbm>> -> memref<64x144xf32, #tpu.memory_space<hbm>>
        %dma_start3A_118 = arith.constant 0 : i32
        %dma_start3A_119 = tpu.memref_slice %arg6[%add3A_88, %dma_start3A_118] : memref<10000x144xf32, #tpu.memory_space<vmem_shared>> -> memref<64x144xf32, #tpu.memory_space<vmem_shared>>
        tpu.enqueue_dma source(%dma_start3A_119 : memref<64x144xf32, #tpu.memory_space<vmem_shared>>) target(%dma_start3A_117 : memref<64x144xf32, #tpu.memory_space<hbm>>) target_semaphore(%run_scoped3A : memref<!tpu.dma_semaphore, #tpu.memory_space<semaphore_mem>>)
        %dma_wait3A_120 = arith.constant 0 : i32
        %dma_wait3A_121 = tpu.memref_slice %arg5[%arg0, %add3A_90, %dma_wait3A_120] : memref<2x10000x144xf32, #tpu.memory_space<hbm>> -> memref<1x64x144xf32, #tpu.memory_space<hbm>>
        %dma_wait3A_122 = tpu.memref_squeeze %dma_wait3A_121 : memref<1x64x144xf32, #tpu.memory_space<hbm>> -> memref<64x144xf32, #tpu.memory_space<hbm>>
        %dma_wait3A_123 = arith.constant 0 : i32
        %dma_wait3A_124 = tpu.memref_slice %arg6[%add3A_88, %dma_wait3A_123] : memref<10000x144xf32, #tpu.memory_space<vmem_shared>> -> memref<64x144xf32, #tpu.memory_space<vmem_shared>>
        tpu.wait_dma2 semaphore(%run_scoped3A : memref<!tpu.dma_semaphore, #tpu.memory_space<semaphore_mem>>) src(%dma_wait3A_124 : memref<64x144xf32, #tpu.memory_space<vmem_shared>>) dst(%dma_wait3A_122 : memref<64x144xf32, #tpu.memory_space<hbm>>)
        tpu.yield
      }) : () -> ()
      %add3A_91 = arith.constant 192 : i32
      %add3A_92 = arith.addi %mul3A_7, %add3A_91 : i32
      %add3A_93 = arith.constant 192 : i32
      %add3A_94 = arith.addi %mul3A_7, %add3A_93 : i32
      "tpu.region"() ({
        %run_scoped3A = tpu.sem_alloc : memref<!tpu.dma_semaphore, #tpu.memory_space<semaphore_mem>>
        %dma_start3A_115 = arith.constant 0 : i32
        %dma_start3A_116 = tpu.memref_slice %arg5[%arg0, %add3A_94, %dma_start3A_115] : memref<2x10000x144xf32, #tpu.memory_space<hbm>> -> memref<1x64x144xf32, #tpu.memory_space<hbm>>
        %dma_start3A_117 = tpu.memref_squeeze %dma_start3A_116 : memref<1x64x144xf32, #tpu.memory_space<hbm>> -> memref<64x144xf32, #tpu.memory_space<hbm>>
        %dma_start3A_118 = arith.constant 0 : i32
        %dma_start3A_119 = tpu.memref_slice %arg6[%add3A_92, %dma_start3A_118] : memref<10000x144xf32, #tpu.memory_space<vmem_shared>> -> memref<64x144xf32, #tpu.memory_space<vmem_shared>>
        tpu.enqueue_dma source(%dma_start3A_119 : memref<64x144xf32, #tpu.memory_space<vmem_shared>>) target(%dma_start3A_117 : memref<64x144xf32, #tpu.memory_space<hbm>>) target_semaphore(%run_scoped3A : memref<!tpu.dma_semaphore, #tpu.memory_space<semaphore_mem>>)
        %dma_wait3A_120 = arith.constant 0 : i32
        %dma_wait3A_121 = tpu.memref_slice %arg5[%arg0, %add3A_94, %dma_wait3A_120] : memref<2x10000x144xf32, #tpu.memory_space<hbm>> -> memref<1x64x144xf32, #tpu.memory_space<hbm>>
        %dma_wait3A_122 = tpu.memref_squeeze %dma_wait3A_121 : memref<1x64x144xf32, #tpu.memory_space<hbm>> -> memref<64x144xf32, #tpu.memory_space<hbm>>
        %dma_wait3A_123 = arith.constant 0 : i32
        %dma_wait3A_124 = tpu.memref_slice %arg6[%add3A_92, %dma_wait3A_123] : memref<10000x144xf32, #tpu.memory_space<vmem_shared>> -> memref<64x144xf32, #tpu.memory_space<vmem_shared>>
        tpu.wait_dma2 semaphore(%run_scoped3A : memref<!tpu.dma_semaphore, #tpu.memory_space<semaphore_mem>>) src(%dma_wait3A_124 : memref<64x144xf32, #tpu.memory_space<vmem_shared>>) dst(%dma_wait3A_122 : memref<64x144xf32, #tpu.memory_space<hbm>>)
        tpu.yield
      }) : () -> ()
      %add3A_95 = arith.constant 256 : i32
      %add3A_96 = arith.addi %mul3A_7, %add3A_95 : i32
      %add3A_97 = arith.constant 256 : i32
      %add3A_98 = arith.addi %mul3A_7, %add3A_97 : i32
      "tpu.region"() ({
        %run_scoped3A = tpu.sem_alloc : memref<!tpu.dma_semaphore, #tpu.memory_space<semaphore_mem>>
        %dma_start3A_115 = arith.constant 0 : i32
        %dma_start3A_116 = tpu.memref_slice %arg5[%arg0, %add3A_98, %dma_start3A_115] : memref<2x10000x144xf32, #tpu.memory_space<hbm>> -> memref<1x64x144xf32, #tpu.memory_space<hbm>>
        %dma_start3A_117 = tpu.memref_squeeze %dma_start3A_116 : memref<1x64x144xf32, #tpu.memory_space<hbm>> -> memref<64x144xf32, #tpu.memory_space<hbm>>
        %dma_start3A_118 = arith.constant 0 : i32
        %dma_start3A_119 = tpu.memref_slice %arg6[%add3A_96, %dma_start3A_118] : memref<10000x144xf32, #tpu.memory_space<vmem_shared>> -> memref<64x144xf32, #tpu.memory_space<vmem_shared>>
        tpu.enqueue_dma source(%dma_start3A_119 : memref<64x144xf32, #tpu.memory_space<vmem_shared>>) target(%dma_start3A_117 : memref<64x144xf32, #tpu.memory_space<hbm>>) target_semaphore(%run_scoped3A : memref<!tpu.dma_semaphore, #tpu.memory_space<semaphore_mem>>)
        %dma_wait3A_120 = arith.constant 0 : i32
        %dma_wait3A_121 = tpu.memref_slice %arg5[%arg0, %add3A_98, %dma_wait3A_120] : memref<2x10000x144xf32, #tpu.memory_space<hbm>> -> memref<1x64x144xf32, #tpu.memory_space<hbm>>
        %dma_wait3A_122 = tpu.memref_squeeze %dma_wait3A_121 : memref<1x64x144xf32, #tpu.memory_space<hbm>> -> memref<64x144xf32, #tpu.memory_space<hbm>>
        %dma_wait3A_123 = arith.constant 0 : i32
        %dma_wait3A_124 = tpu.memref_slice %arg6[%add3A_96, %dma_wait3A_123] : memref<10000x144xf32, #tpu.memory_space<vmem_shared>> -> memref<64x144xf32, #tpu.memory_space<vmem_shared>>
        tpu.wait_dma2 semaphore(%run_scoped3A : memref<!tpu.dma_semaphore, #tpu.memory_space<semaphore_mem>>) src(%dma_wait3A_124 : memref<64x144xf32, #tpu.memory_space<vmem_shared>>) dst(%dma_wait3A_122 : memref<64x144xf32, #tpu.memory_space<hbm>>)
        tpu.yield
      }) : () -> ()
      %add3A_99 = arith.constant 320 : i32
      %add3A_100 = arith.addi %mul3A_7, %add3A_99 : i32
      %add3A_101 = arith.constant 320 : i32
      %add3A_102 = arith.addi %mul3A_7, %add3A_101 : i32
      "tpu.region"() ({
        %run_scoped3A = tpu.sem_alloc : memref<!tpu.dma_semaphore, #tpu.memory_space<semaphore_mem>>
        %dma_start3A_115 = arith.constant 0 : i32
        %dma_start3A_116 = tpu.memref_slice %arg5[%arg0, %add3A_102, %dma_start3A_115] : memref<2x10000x144xf32, #tpu.memory_space<hbm>> -> memref<1x64x144xf32, #tpu.memory_space<hbm>>
        %dma_start3A_117 = tpu.memref_squeeze %dma_start3A_116 : memref<1x64x144xf32, #tpu.memory_space<hbm>> -> memref<64x144xf32, #tpu.memory_space<hbm>>
        %dma_start3A_118 = arith.constant 0 : i32
        %dma_start3A_119 = tpu.memref_slice %arg6[%add3A_100, %dma_start3A_118] : memref<10000x144xf32, #tpu.memory_space<vmem_shared>> -> memref<64x144xf32, #tpu.memory_space<vmem_shared>>
        tpu.enqueue_dma source(%dma_start3A_119 : memref<64x144xf32, #tpu.memory_space<vmem_shared>>) target(%dma_start3A_117 : memref<64x144xf32, #tpu.memory_space<hbm>>) target_semaphore(%run_scoped3A : memref<!tpu.dma_semaphore, #tpu.memory_space<semaphore_mem>>)
        %dma_wait3A_120 = arith.constant 0 : i32
        %dma_wait3A_121 = tpu.memref_slice %arg5[%arg0, %add3A_102, %dma_wait3A_120] : memref<2x10000x144xf32, #tpu.memory_space<hbm>> -> memref<1x64x144xf32, #tpu.memory_space<hbm>>
        %dma_wait3A_122 = tpu.memref_squeeze %dma_wait3A_121 : memref<1x64x144xf32, #tpu.memory_space<hbm>> -> memref<64x144xf32, #tpu.memory_space<hbm>>
        %dma_wait3A_123 = arith.constant 0 : i32
        %dma_wait3A_124 = tpu.memref_slice %arg6[%add3A_100, %dma_wait3A_123] : memref<10000x144xf32, #tpu.memory_space<vmem_shared>> -> memref<64x144xf32, #tpu.memory_space<vmem_shared>>
        tpu.wait_dma2 semaphore(%run_scoped3A : memref<!tpu.dma_semaphore, #tpu.memory_space<semaphore_mem>>) src(%dma_wait3A_124 : memref<64x144xf32, #tpu.memory_space<vmem_shared>>) dst(%dma_wait3A_122 : memref<64x144xf32, #tpu.memory_space<hbm>>)
        tpu.yield
      }) : () -> ()
      %add3A_103 = arith.constant 384 : i32
      %add3A_104 = arith.addi %mul3A_7, %add3A_103 : i32
      %add3A_105 = arith.constant 384 : i32
      %add3A_106 = arith.addi %mul3A_7, %add3A_105 : i32
      "tpu.region"() ({
        %run_scoped3A = tpu.sem_alloc : memref<!tpu.dma_semaphore, #tpu.memory_space<semaphore_mem>>
        %dma_start3A_115 = arith.constant 0 : i32
        %dma_start3A_116 = tpu.memref_slice %arg5[%arg0, %add3A_106, %dma_start3A_115] : memref<2x10000x144xf32, #tpu.memory_space<hbm>> -> memref<1x64x144xf32, #tpu.memory_space<hbm>>
        %dma_start3A_117 = tpu.memref_squeeze %dma_start3A_116 : memref<1x64x144xf32, #tpu.memory_space<hbm>> -> memref<64x144xf32, #tpu.memory_space<hbm>>
        %dma_start3A_118 = arith.constant 0 : i32
        %dma_start3A_119 = tpu.memref_slice %arg6[%add3A_104, %dma_start3A_118] : memref<10000x144xf32, #tpu.memory_space<vmem_shared>> -> memref<64x144xf32, #tpu.memory_space<vmem_shared>>
        tpu.enqueue_dma source(%dma_start3A_119 : memref<64x144xf32, #tpu.memory_space<vmem_shared>>) target(%dma_start3A_117 : memref<64x144xf32, #tpu.memory_space<hbm>>) target_semaphore(%run_scoped3A : memref<!tpu.dma_semaphore, #tpu.memory_space<semaphore_mem>>)
        %dma_wait3A_120 = arith.constant 0 : i32
        %dma_wait3A_121 = tpu.memref_slice %arg5[%arg0, %add3A_106, %dma_wait3A_120] : memref<2x10000x144xf32, #tpu.memory_space<hbm>> -> memref<1x64x144xf32, #tpu.memory_space<hbm>>
        %dma_wait3A_122 = tpu.memref_squeeze %dma_wait3A_121 : memref<1x64x144xf32, #tpu.memory_space<hbm>> -> memref<64x144xf32, #tpu.memory_space<hbm>>
        %dma_wait3A_123 = arith.constant 0 : i32
        %dma_wait3A_124 = tpu.memref_slice %arg6[%add3A_104, %dma_wait3A_123] : memref<10000x144xf32, #tpu.memory_space<vmem_shared>> -> memref<64x144xf32, #tpu.memory_space<vmem_shared>>
        tpu.wait_dma2 semaphore(%run_scoped3A : memref<!tpu.dma_semaphore, #tpu.memory_space<semaphore_mem>>) src(%dma_wait3A_124 : memref<64x144xf32, #tpu.memory_space<vmem_shared>>) dst(%dma_wait3A_122 : memref<64x144xf32, #tpu.memory_space<hbm>>)
        tpu.yield
      }) : () -> ()
      %add3A_107 = arith.constant 448 : i32
      %add3A_108 = arith.addi %mul3A_7, %add3A_107 : i32
      %add3A_109 = arith.constant 448 : i32
      %add3A_110 = arith.addi %mul3A_7, %add3A_109 : i32
      "tpu.region"() ({
        %run_scoped3A = tpu.sem_alloc : memref<!tpu.dma_semaphore, #tpu.memory_space<semaphore_mem>>
        %dma_start3A_115 = arith.constant 0 : i32
        %dma_start3A_116 = tpu.memref_slice %arg5[%arg0, %add3A_110, %dma_start3A_115] : memref<2x10000x144xf32, #tpu.memory_space<hbm>> -> memref<1x64x144xf32, #tpu.memory_space<hbm>>
        %dma_start3A_117 = tpu.memref_squeeze %dma_start3A_116 : memref<1x64x144xf32, #tpu.memory_space<hbm>> -> memref<64x144xf32, #tpu.memory_space<hbm>>
        %dma_start3A_118 = arith.constant 0 : i32
        %dma_start3A_119 = tpu.memref_slice %arg6[%add3A_108, %dma_start3A_118] : memref<10000x144xf32, #tpu.memory_space<vmem_shared>> -> memref<64x144xf32, #tpu.memory_space<vmem_shared>>
        tpu.enqueue_dma source(%dma_start3A_119 : memref<64x144xf32, #tpu.memory_space<vmem_shared>>) target(%dma_start3A_117 : memref<64x144xf32, #tpu.memory_space<hbm>>) target_semaphore(%run_scoped3A : memref<!tpu.dma_semaphore, #tpu.memory_space<semaphore_mem>>)
        %dma_wait3A_120 = arith.constant 0 : i32
        %dma_wait3A_121 = tpu.memref_slice %arg5[%arg0, %add3A_110, %dma_wait3A_120] : memref<2x10000x144xf32, #tpu.memory_space<hbm>> -> memref<1x64x144xf32, #tpu.memory_space<hbm>>
        %dma_wait3A_122 = tpu.memref_squeeze %dma_wait3A_121 : memref<1x64x144xf32, #tpu.memory_space<hbm>> -> memref<64x144xf32, #tpu.memory_space<hbm>>
        %dma_wait3A_123 = arith.constant 0 : i32
        %dma_wait3A_124 = tpu.memref_slice %arg6[%add3A_108, %dma_wait3A_123] : memref<10000x144xf32, #tpu.memory_space<vmem_shared>> -> memref<64x144xf32, #tpu.memory_space<vmem_shared>>
        tpu.wait_dma2 semaphore(%run_scoped3A : memref<!tpu.dma_semaphore, #tpu.memory_space<semaphore_mem>>) src(%dma_wait3A_124 : memref<64x144xf32, #tpu.memory_space<vmem_shared>>) dst(%dma_wait3A_122 : memref<64x144xf32, #tpu.memory_space<hbm>>)
        tpu.yield
      }) : () -> ()
      %add3A_111 = arith.constant 512 : i32
      %add3A_112 = arith.addi %mul3A_7, %add3A_111 : i32
      %add3A_113 = arith.constant 512 : i32
      %add3A_114 = arith.addi %mul3A_7, %add3A_113 : i32
      "tpu.region"() ({
        %run_scoped3A = tpu.sem_alloc : memref<!tpu.dma_semaphore, #tpu.memory_space<semaphore_mem>>
        %dma_start3A_115 = arith.constant 0 : i32
        %dma_start3A_116 = tpu.memref_slice %arg5[%arg0, %add3A_114, %dma_start3A_115] : memref<2x10000x144xf32, #tpu.memory_space<hbm>> -> memref<1x8x144xf32, #tpu.memory_space<hbm>>
        %dma_start3A_117 = tpu.memref_squeeze %dma_start3A_116 : memref<1x8x144xf32, #tpu.memory_space<hbm>> -> memref<8x144xf32, #tpu.memory_space<hbm>>
        %dma_start3A_118 = arith.constant 0 : i32
        %dma_start3A_119 = tpu.memref_slice %arg6[%add3A_112, %dma_start3A_118] : memref<10000x144xf32, #tpu.memory_space<vmem_shared>> -> memref<8x144xf32, #tpu.memory_space<vmem_shared>>
        tpu.enqueue_dma source(%dma_start3A_119 : memref<8x144xf32, #tpu.memory_space<vmem_shared>>) target(%dma_start3A_117 : memref<8x144xf32, #tpu.memory_space<hbm>>) target_semaphore(%run_scoped3A : memref<!tpu.dma_semaphore, #tpu.memory_space<semaphore_mem>>)
        %dma_wait3A_120 = arith.constant 0 : i32
        %dma_wait3A_121 = tpu.memref_slice %arg5[%arg0, %add3A_114, %dma_wait3A_120] : memref<2x10000x144xf32, #tpu.memory_space<hbm>> -> memref<1x8x144xf32, #tpu.memory_space<hbm>>
        %dma_wait3A_122 = tpu.memref_squeeze %dma_wait3A_121 : memref<1x8x144xf32, #tpu.memory_space<hbm>> -> memref<8x144xf32, #tpu.memory_space<hbm>>
        %dma_wait3A_123 = arith.constant 0 : i32
        %dma_wait3A_124 = tpu.memref_slice %arg6[%add3A_112, %dma_wait3A_123] : memref<10000x144xf32, #tpu.memory_space<vmem_shared>> -> memref<8x144xf32, #tpu.memory_space<vmem_shared>>
        tpu.wait_dma2 semaphore(%run_scoped3A : memref<!tpu.dma_semaphore, #tpu.memory_space<semaphore_mem>>) src(%dma_wait3A_124 : memref<8x144xf32, #tpu.memory_space<vmem_shared>>) dst(%dma_wait3A_122 : memref<8x144xf32, #tpu.memory_space<hbm>>)
        tpu.yield
      }) : () -> ()
    } else {
    }
    return
  }
}

module attributes {stable_mosaic.version = 14 : i64} {
  func.func @_pre_body(%arg0: i32, %arg1: memref<400x128xf32, #tpu.memory_space<vmem>>, %arg2: memref<128x128xf32, #tpu.memory_space<vmem>>, %arg3: memref<128x16xf32, #tpu.memory_space<vmem>>, %arg4: memref<400x144xf32, #tpu.memory_space<vmem>>, %arg5: memref<400x16xf32, #tpu.memory_space<vmem>>) attributes {dimension_semantics = [#tpu.dimension_semantics<arbitrary>], iteration_bounds = array<i64: 25>, scalar_prefetch = 0 : i64, scratch_operands = 0 : i64, tpu.core_type = #tpu.core_type<tc>, window_params = [{transform_indices = @transform_0, window_bounds = array<i64: 400, 128>}, {pipeline_mode = #tpu.pipeline_mode<synchronous>, transform_indices = @transform_1, window_bounds = array<i64: 128, 128>}, {pipeline_mode = #tpu.pipeline_mode<synchronous>, transform_indices = @transform_2, window_bounds = array<i64: 128, 16>}, {transform_indices = @transform_3, window_bounds = array<i64: 400, 144>}, {transform_indices = @transform_4, window_bounds = array<i64: 400, 16>}]} {
    %get3A = arith.constant 0 : index
    %get3A_0 = arith.constant 0 : index
    %get3A_1 = vector.load %arg1[%get3A, %get3A_0] : memref<400x128xf32, #tpu.memory_space<vmem>>, vector<400x128xf32>
    %get3A_2 = arith.constant 0 : index
    %get3A_3 = arith.constant 0 : index
    %get3A_4 = vector.load %arg2[%get3A_2, %get3A_3] : memref<128x128xf32, #tpu.memory_space<vmem>>, vector<128x128xf32>
    %dot_general3A = arith.constant dense<0.000000e+00> : vector<400x128xf32>
    %dot_general3A_5 = tpu.matmul %get3A_1, %get3A_4, %dot_general3A {dimension_numbers = #tpu.dot_dimension_numbers<[1], [0], [0], [1], [0, 0, 1, 1], [], []>, transpose_lhs_hint = false} : vector<400x128xf32>, vector<128x128xf32>, vector<400x128xf32> -> vector<400x128xf32>
    %get3A_6 = arith.constant 0 : index
    %get3A_7 = arith.constant 0 : index
    %get3A_8 = vector.load %arg3[%get3A_6, %get3A_7] : memref<128x16xf32, #tpu.memory_space<vmem>>, vector<128x16xf32>
    %dot_general3A_9 = arith.constant dense<0.000000e+00> : vector<400x16xf32>
    %dot_general3A_10 = tpu.matmul %dot_general3A_5, %get3A_8, %dot_general3A_9 {dimension_numbers = #tpu.dot_dimension_numbers<[1], [0], [0], [1], [0, 0, 1, 1], [], []>, transpose_lhs_hint = false} : vector<400x128xf32>, vector<128x16xf32>, vector<400x16xf32> -> vector<400x16xf32>
    %swap3A = arith.constant 0 : index
    %swap3A_11 = arith.constant 0 : index
    %swap3A_12 = vector.load %arg4[%swap3A, %swap3A_11] : memref<400x144xf32, #tpu.memory_space<vmem>>, vector<400x128xf32>
    tpu.vector_store %arg4[%swap3A, %swap3A_11], %dot_general3A_5 {strides = array<i32>} : memref<400x144xf32, #tpu.memory_space<vmem>>, vector<400x128xf32>,
    %swap3A_13 = arith.constant 0 : index
    %swap3A_14 = arith.constant 128 : index
    %swap3A_15 = vector.load %arg4[%swap3A_13, %swap3A_14] : memref<400x144xf32, #tpu.memory_space<vmem>>, vector<400x16xf32>
    tpu.vector_store %arg4[%swap3A_13, %swap3A_14], %dot_general3A_10 {strides = array<i32>} : memref<400x144xf32, #tpu.memory_space<vmem>>, vector<400x16xf32>,
    %swap3A_16 = arith.constant 0 : index
    %swap3A_17 = arith.constant 0 : index
    %swap3A_18 = vector.load %arg5[%swap3A_16, %swap3A_17] : memref<400x16xf32, #tpu.memory_space<vmem>>, vector<400x16xf32>
    tpu.vector_store %arg5[%swap3A_16, %swap3A_17], %dot_general3A_10 {strides = array<i32>} : memref<400x16xf32, #tpu.memory_space<vmem>>, vector<400x16xf32>,
    return
  }
  func.func @transform_0(%arg0: i32) -> (i32, i32) {
    %c0_i32 = arith.constant 0 : i32
    %c0_i32_0 = arith.constant 0 : i32
    return %arg0, %c0_i32 : i32, i32
  }
  func.func @transform_1(%arg0: i32) -> (i32, i32) {
    %c0_i32 = arith.constant 0 : i32
    %c0_i32_0 = arith.constant 0 : i32
    %c0_i32_1 = arith.constant 0 : i32
    return %c0_i32, %c0_i32_0 : i32, i32
  }
  func.func @transform_2(%arg0: i32) -> (i32, i32) {
    %c0_i32 = arith.constant 0 : i32
    %c0_i32_0 = arith.constant 0 : i32
    %c0_i32_1 = arith.constant 0 : i32
    return %c0_i32, %c0_i32_0 : i32, i32
  }
  func.func @transform_3(%arg0: i32) -> (i32, i32) {
    %c0_i32 = arith.constant 0 : i32
    %c0_i32_0 = arith.constant 0 : i32
    return %arg0, %c0_i32 : i32, i32
  }
  func.func @transform_4(%arg0: i32) -> (i32, i32) {
    %c0_i32 = arith.constant 0 : i32
    %c0_i32_0 = arith.constant 0 : i32
    return %arg0, %c0_i32 : i32, i32
  }
}

module attributes {stable_mosaic.version = 14 : i64} {
  func.func @_post_body(%arg0: i32, %arg1: memref<400x144xf32, #tpu.memory_space<vmem>>, %arg2: memref<400x144xf32, #tpu.memory_space<vmem>>, %arg3: memref<400x144xf32, #tpu.memory_space<vmem>>, %arg4: memref<400x128xf32, #tpu.memory_space<vmem>>, %arg5: memref<4x128xf32, #tpu.memory_space<vmem>>, %arg6: memref<1x128xf32, #tpu.memory_space<vmem>>, %arg7: memref<1x128xf32, #tpu.memory_space<vmem>>, %arg8: memref<1x128xf32, #tpu.memory_space<vmem>>, %arg9: memref<128x256xf32, #tpu.memory_space<vmem>>, %arg10: memref<1x256xf32, #tpu.memory_space<vmem>>, %arg11: memref<256x128xf32, #tpu.memory_space<vmem>>, %arg12: memref<1x128xf32, #tpu.memory_space<vmem>>, %arg13: memref<1x128xf32, #tpu.memory_space<vmem>>, %arg14: memref<1x128xf32, #tpu.memory_space<vmem>>, %arg15: memref<400x128xf32, #tpu.memory_space<vmem>>) attributes {dimension_semantics = [#tpu.dimension_semantics<arbitrary>], iteration_bounds = array<i64: 25>, scalar_prefetch = 0 : i64, scratch_operands = 0 : i64, tpu.core_type = #tpu.core_type<tc>, window_params = [{transform_indices = @transform_0, window_bounds = array<i64: 400, 144>}, {transform_indices = @transform_1, window_bounds = array<i64: 400, 144>}, {transform_indices = @transform_2, window_bounds = array<i64: 400, 144>}, {transform_indices = @transform_3, window_bounds = array<i64: 400, 128>}, {pipeline_mode = #tpu.pipeline_mode<synchronous>, transform_indices = @transform_4, window_bounds = array<i64: 4, 128>}, {pipeline_mode = #tpu.pipeline_mode<synchronous>, transform_indices = @transform_5, window_bounds = array<i64: 1, 128>}, {pipeline_mode = #tpu.pipeline_mode<synchronous>, transform_indices = @transform_6, window_bounds = array<i64: 1, 128>}, {pipeline_mode = #tpu.pipeline_mode<synchronous>, transform_indices = @transform_7, window_bounds = array<i64: 1, 128>}, {pipeline_mode = #tpu.pipeline_mode<synchronous>, transform_indices = @transform_8, window_bounds = array<i64: 128, 256>}, {pipeline_mode = #tpu.pipeline_mode<synchronous>, transform_indices = @transform_9, window_bounds = array<i64: 1, 256>}, {pipeline_mode = #tpu.pipeline_mode<synchronous>, transform_indices = @transform_10, window_bounds = array<i64: 256, 128>}, {pipeline_mode = #tpu.pipeline_mode<synchronous>, transform_indices = @transform_11, window_bounds = array<i64: 1, 128>}, {pipeline_mode = #tpu.pipeline_mode<synchronous>, transform_indices = @transform_12, window_bounds = array<i64: 1, 128>}, {pipeline_mode = #tpu.pipeline_mode<synchronous>, transform_indices = @transform_13, window_bounds = array<i64: 1, 128>}, {transform_indices = @transform_14, window_bounds = array<i64: 400, 128>}]} {
    %get3A = arith.constant 0 : index
    %get3A_0 = arith.constant 0 : index
    %get3A_1 = vector.load %arg1[%get3A, %get3A_0] : memref<400x144xf32, #tpu.memory_space<vmem>>, vector<400x144xf32>
    %slice3A = vector.extract_strided_slice %get3A_1 {offsets = [0, 0], sizes = [400, 128], strides = [1, 1]} : vector<400x144xf32> to vector<400x128xf32>
    %slice3A_2 = vector.extract_strided_slice %get3A_1 {offsets = [0, 128], sizes = [400, 4], strides = [1, 1]} : vector<400x144xf32> to vector<400x4xf32>
    %slice3A_3 = vector.extract_strided_slice %get3A_1 {offsets = [0, 132], sizes = [400, 4], strides = [1, 1]} : vector<400x144xf32> to vector<400x4xf32>
    %add3A = arith.addf %slice3A_2, %slice3A_3 : vector<400x4xf32>
    %gt3A = arith.constant 0.000000e+00 : f32
    %gt3A_4 = vector.broadcast %gt3A : f32 to vector<400x4xf32>
    %gt3A_5 = arith.cmpf ogt, %add3A, %gt3A_4 : vector<400x4xf32>
    %mul3A = arith.constant 2.000000e-01 : f32
    %mul3A_6 = vector.broadcast %mul3A : f32 to vector<400x4xf32>
    %mul3A_7 = arith.mulf %mul3A_6, %add3A : vector<400x4xf32>
    %select_n3A = arith.select %gt3A_5, %add3A, %mul3A_7 : vector<400x4xi1>, vector<400x4xf32>
    %exp3A = math.exp %select_n3A : vector<400x4xf32>
    %get3A_8 = arith.constant 0 : index
    %get3A_9 = arith.constant 128 : index
    %get3A_10 = vector.load %arg2[%get3A_8, %get3A_9] : memref<400x144xf32, #tpu.memory_space<vmem>>, vector<400x4xf32>
    %get3A_11 = arith.constant 0 : index
    %get3A_12 = arith.constant 128 : index
    %get3A_13 = vector.load %arg3[%get3A_11, %get3A_12] : memref<400x144xf32, #tpu.memory_space<vmem>>, vector<400x4xf32>
    %add3A_14 = arith.addf %get3A_10, %get3A_13 : vector<400x4xf32>
    %add3A_15 = arith.addf %add3A_14, %exp3A : vector<400x4xf32>
    %get3A_16 = arith.constant 0 : index
    %get3A_17 = arith.constant 0 : index
    %get3A_18 = vector.load %arg5[%get3A_16, %get3A_17] : memref<4x128xf32, #tpu.memory_space<vmem>>, vector<4x128xf32>
    %get3A_19 = arith.constant 0 : index
    %get3A_20 = arith.constant 0 : index
    %get3A_21 = vector.load %arg2[%get3A_19, %get3A_20] : memref<400x144xf32, #tpu.memory_space<vmem>>, vector<400x128xf32>
    %get3A_22 = arith.constant 0 : index
    %get3A_23 = arith.constant 0 : index
    %get3A_24 = vector.load %arg3[%get3A_22, %get3A_23] : memref<400x144xf32, #tpu.memory_space<vmem>>, vector<400x128xf32>
    %add3A_25 = arith.addf %get3A_21, %get3A_24 : vector<400x128xf32>
    %dot_general3A = arith.constant dense<0.000000e+00> : vector<400x128xf32>
    %dot_general3A_26 = tpu.matmul %exp3A, %get3A_18, %dot_general3A {dimension_numbers = #tpu.dot_dimension_numbers<[1], [0], [0], [1], [0, 0, 1, 1], [], []>, transpose_lhs_hint = false} : vector<400x4xf32>, vector<4x128xf32>, vector<400x128xf32> -> vector<400x128xf32>
    %mul3A_27 = arith.mulf %dot_general3A_26, %slice3A : vector<400x128xf32>
    %add3A_28 = arith.addf %add3A_25, %mul3A_27 : vector<400x128xf32>
    %dot_general3A_29 = arith.constant dense<0.000000e+00> : vector<400x128xf32>
    %dot_general3A_30 = tpu.matmul %add3A_15, %get3A_18, %dot_general3A_29 {dimension_numbers = #tpu.dot_dimension_numbers<[1], [0], [0], [1], [0, 0, 1, 1], [], []>, transpose_lhs_hint = false} : vector<400x4xf32>, vector<4x128xf32>, vector<400x128xf32> -> vector<400x128xf32>
    %add3A_31 = arith.constant 1.000000e-16 : f32
    %add3A_32 = vector.broadcast %add3A_31 : f32 to vector<400x128xf32>
    %add3A_33 = arith.addf %dot_general3A_30, %add3A_32 : vector<400x128xf32>
    %div3A = arith.divf %add3A_28, %add3A_33 : vector<400x128xf32>
    %get3A_34 = arith.constant 0 : index
    %get3A_35 = arith.constant 0 : index
    %get3A_36 = vector.load %arg6[%get3A_34, %get3A_35] : memref<1x128xf32, #tpu.memory_space<vmem>>, vector<1x128xf32>
    %add3A_37 = vector.broadcast %get3A_36 : vector<1x128xf32> to vector<400x128xf32>
    %add3A_38 = arith.addf %div3A, %add3A_37 : vector<400x128xf32>
    %get3A_39 = arith.constant 0 : index
    %get3A_40 = arith.constant 0 : index
    %get3A_41 = vector.load %arg4[%get3A_39, %get3A_40] : memref<400x128xf32, #tpu.memory_space<vmem>>, vector<400x128xf32>
    %add3A_42 = arith.addf %add3A_38, %get3A_41 : vector<400x128xf32>
    %get3A_43 = arith.constant 0 : index
    %get3A_44 = arith.constant 0 : index
    %get3A_45 = vector.load %arg7[%get3A_43, %get3A_44] : memref<1x128xf32, #tpu.memory_space<vmem>>, vector<1x128xf32>
    %get3A_46 = arith.constant 0 : index
    %get3A_47 = arith.constant 0 : index
    %get3A_48 = vector.load %arg8[%get3A_46, %get3A_47] : memref<1x128xf32, #tpu.memory_space<vmem>>, vector<1x128xf32>
    %reduce_sum3A = arith.constant dense<0.000000e+00> : vector<400xf32>
    %reduce_sum3A_49 = vector.multi_reduction <add>, %add3A_42, %reduce_sum3A [1] : vector<400x128xf32> to vector<400xf32>
    %broadcast_in_dim3A = vector.shape_cast %reduce_sum3A_49 : vector<400xf32> to vector<400x1xf32>
    %div3A_50 = arith.constant 1.280000e+02 : f32
    %div3A_51 = vector.broadcast %div3A_50 : f32 to vector<400x1xf32>
    %div3A_52 = arith.divf %broadcast_in_dim3A, %div3A_51 : vector<400x1xf32>
    %sub3A = vector.broadcast %div3A_52 : vector<400x1xf32> to vector<400x128xf32>
    %sub3A_53 = arith.subf %add3A_42, %sub3A : vector<400x128xf32>
    %integer_pow3A = arith.mulf %sub3A_53, %sub3A_53 : vector<400x128xf32>
    %reduce_sum3A_54 = arith.constant dense<0.000000e+00> : vector<400xf32>
    %reduce_sum3A_55 = vector.multi_reduction <add>, %integer_pow3A, %reduce_sum3A_54 [1] : vector<400x128xf32> to vector<400xf32>
    %broadcast_in_dim3A_56 = vector.shape_cast %reduce_sum3A_55 : vector<400xf32> to vector<400x1xf32>
    %div3A_57 = arith.constant 1.280000e+02 : f32
    %div3A_58 = vector.broadcast %div3A_57 : f32 to vector<400x1xf32>
    %div3A_59 = arith.divf %broadcast_in_dim3A_56, %div3A_58 : vector<400x1xf32>
    %sub3A_60 = vector.broadcast %div3A_52 : vector<400x1xf32> to vector<400x128xf32>
    %sub3A_61 = arith.subf %add3A_42, %sub3A_60 : vector<400x128xf32>
    %add3A_62 = arith.constant 9.99999974E-6 : f32
    %add3A_63 = vector.broadcast %add3A_62 : f32 to vector<400x1xf32>
    %add3A_64 = arith.addf %div3A_59, %add3A_63 : vector<400x1xf32>
    %sqrt3A = math.sqrt %add3A_64 : vector<400x1xf32>
    %div3A_65 = vector.broadcast %sqrt3A : vector<400x1xf32> to vector<400x128xf32>
    %div3A_66 = arith.divf %sub3A_61, %div3A_65 : vector<400x128xf32>
    %mul3A_67 = vector.broadcast %get3A_45 : vector<1x128xf32> to vector<400x128xf32>
    %mul3A_68 = arith.mulf %div3A_66, %mul3A_67 : vector<400x128xf32>
    %add3A_69 = vector.broadcast %get3A_48 : vector<1x128xf32> to vector<400x128xf32>
    %add3A_70 = arith.addf %mul3A_68, %add3A_69 : vector<400x128xf32>
    %get3A_71 = arith.constant 0 : index
    %get3A_72 = arith.constant 0 : index
    %get3A_73 = vector.load %arg9[%get3A_71, %get3A_72] : memref<128x256xf32, #tpu.memory_space<vmem>>, vector<128x256xf32>
    %dot_general3A_74 = arith.constant dense<0.000000e+00> : vector<400x256xf32>
    %dot_general3A_75 = tpu.matmul %add3A_70, %get3A_73, %dot_general3A_74 {dimension_numbers = #tpu.dot_dimension_numbers<[1], [0], [0], [1], [0, 0, 1, 1], [], []>, transpose_lhs_hint = false} : vector<400x128xf32>, vector<128x256xf32>, vector<400x256xf32> -> vector<400x256xf32>
    %get3A_76 = arith.constant 0 : index
    %get3A_77 = arith.constant 0 : index
    %get3A_78 = vector.load %arg10[%get3A_76, %get3A_77] : memref<1x256xf32, #tpu.memory_space<vmem>>, vector<1x256xf32>
    %add3A_79 = vector.broadcast %get3A_78 : vector<1x256xf32> to vector<400x256xf32>
    %add3A_80 = arith.addf %dot_general3A_75, %add3A_79 : vector<400x256xf32>
    %mul3A_81 = arith.constant 5.000000e-01 : f32
    %mul3A_82 = vector.broadcast %mul3A_81 : f32 to vector<400x256xf32>
    %mul3A_83 = arith.mulf %mul3A_82, %add3A_80 : vector<400x256xf32>
    %mul3A_84 = arith.constant 0.707106769 : f32
    %mul3A_85 = vector.broadcast %mul3A_84 : f32 to vector<400x256xf32>
    %mul3A_86 = arith.mulf %add3A_80, %mul3A_85 : vector<400x256xf32>
    %erf3A = math.erf %mul3A_86 : vector<400x256xf32>
    %add3A_87 = arith.constant 1.000000e+00 : f32
    %add3A_88 = vector.broadcast %add3A_87 : f32 to vector<400x256xf32>
    %add3A_89 = arith.addf %add3A_88, %erf3A : vector<400x256xf32>
    %mul3A_90 = arith.mulf %mul3A_83, %add3A_89 : vector<400x256xf32>
    %get3A_91 = arith.constant 0 : index
    %get3A_92 = arith.constant 0 : index
    %get3A_93 = vector.load %arg11[%get3A_91, %get3A_92] : memref<256x128xf32, #tpu.memory_space<vmem>>, vector<256x128xf32>
    %dot_general3A_94 = arith.constant dense<0.000000e+00> : vector<400x128xf32>
    %dot_general3A_95 = tpu.matmul %mul3A_90, %get3A_93, %dot_general3A_94 {dimension_numbers = #tpu.dot_dimension_numbers<[1], [0], [0], [1], [0, 0, 1, 1], [], []>, transpose_lhs_hint = false} : vector<400x256xf32>, vector<256x128xf32>, vector<400x128xf32> -> vector<400x128xf32>
    %get3A_96 = arith.constant 0 : index
    %get3A_97 = arith.constant 0 : index
    %get3A_98 = vector.load %arg12[%get3A_96, %get3A_97] : memref<1x128xf32, #tpu.memory_space<vmem>>, vector<1x128xf32>
    %add3A_99 = vector.broadcast %get3A_98 : vector<1x128xf32> to vector<400x128xf32>
    %add3A_100 = arith.addf %dot_general3A_95, %add3A_99 : vector<400x128xf32>
    %add3A_101 = arith.addf %add3A_100, %add3A_70 : vector<400x128xf32>
    %get3A_102 = arith.constant 0 : index
    %get3A_103 = arith.constant 0 : index
    %get3A_104 = vector.load %arg13[%get3A_102, %get3A_103] : memref<1x128xf32, #tpu.memory_space<vmem>>, vector<1x128xf32>
    %get3A_105 = arith.constant 0 : index
    %get3A_106 = arith.constant 0 : index
    %get3A_107 = vector.load %arg14[%get3A_105, %get3A_106] : memref<1x128xf32, #tpu.memory_space<vmem>>, vector<1x128xf32>
    %reduce_sum3A_108 = arith.constant dense<0.000000e+00> : vector<400xf32>
    %reduce_sum3A_109 = vector.multi_reduction <add>, %add3A_101, %reduce_sum3A_108 [1] : vector<400x128xf32> to vector<400xf32>
    %broadcast_in_dim3A_110 = vector.shape_cast %reduce_sum3A_109 : vector<400xf32> to vector<400x1xf32>
    %div3A_111 = arith.constant 1.280000e+02 : f32
    %div3A_112 = vector.broadcast %div3A_111 : f32 to vector<400x1xf32>
    %div3A_113 = arith.divf %broadcast_in_dim3A_110, %div3A_112 : vector<400x1xf32>
    %sub3A_114 = vector.broadcast %div3A_113 : vector<400x1xf32> to vector<400x128xf32>
    %sub3A_115 = arith.subf %add3A_101, %sub3A_114 : vector<400x128xf32>
    %integer_pow3A_116 = arith.mulf %sub3A_115, %sub3A_115 : vector<400x128xf32>
    %reduce_sum3A_117 = arith.constant dense<0.000000e+00> : vector<400xf32>
    %reduce_sum3A_118 = vector.multi_reduction <add>, %integer_pow3A_116, %reduce_sum3A_117 [1] : vector<400x128xf32> to vector<400xf32>
    %broadcast_in_dim3A_119 = vector.shape_cast %reduce_sum3A_118 : vector<400xf32> to vector<400x1xf32>
    %div3A_120 = arith.constant 1.280000e+02 : f32
    %div3A_121 = vector.broadcast %div3A_120 : f32 to vector<400x1xf32>
    %div3A_122 = arith.divf %broadcast_in_dim3A_119, %div3A_121 : vector<400x1xf32>
    %sub3A_123 = vector.broadcast %div3A_113 : vector<400x1xf32> to vector<400x128xf32>
    %sub3A_124 = arith.subf %add3A_101, %sub3A_123 : vector<400x128xf32>
    %add3A_125 = arith.constant 9.99999974E-6 : f32
    %add3A_126 = vector.broadcast %add3A_125 : f32 to vector<400x1xf32>
    %add3A_127 = arith.addf %div3A_122, %add3A_126 : vector<400x1xf32>
    %sqrt3A_128 = math.sqrt %add3A_127 : vector<400x1xf32>
    %div3A_129 = vector.broadcast %sqrt3A_128 : vector<400x1xf32> to vector<400x128xf32>
    %div3A_130 = arith.divf %sub3A_124, %div3A_129 : vector<400x128xf32>
    %mul3A_131 = vector.broadcast %get3A_104 : vector<1x128xf32> to vector<400x128xf32>
    %mul3A_132 = arith.mulf %div3A_130, %mul3A_131 : vector<400x128xf32>
    %add3A_133 = vector.broadcast %get3A_107 : vector<1x128xf32> to vector<400x128xf32>
    %add3A_134 = arith.addf %mul3A_132, %add3A_133 : vector<400x128xf32>
    %swap3A = arith.constant 0 : index
    %swap3A_135 = arith.constant 0 : index
    %swap3A_136 = vector.load %arg15[%swap3A, %swap3A_135] : memref<400x128xf32, #tpu.memory_space<vmem>>, vector<400x128xf32>
    tpu.vector_store %arg15[%swap3A, %swap3A_135], %add3A_134 {strides = array<i32>} : memref<400x128xf32, #tpu.memory_space<vmem>>, vector<400x128xf32>,
    return
  }
  func.func @transform_0(%arg0: i32) -> (i32, i32) {
    %c0_i32 = arith.constant 0 : i32
    %c0_i32_0 = arith.constant 0 : i32
    return %arg0, %c0_i32 : i32, i32
  }
  func.func @transform_1(%arg0: i32) -> (i32, i32) {
    %c0_i32 = arith.constant 0 : i32
    %c0_i32_0 = arith.constant 0 : i32
    return %arg0, %c0_i32 : i32, i32
  }
  func.func @transform_2(%arg0: i32) -> (i32, i32) {
    %c0_i32 = arith.constant 0 : i32
    %c0_i32_0 = arith.constant 0 : i32
    return %arg0, %c0_i32 : i32, i32
  }
  func.func @transform_3(%arg0: i32) -> (i32, i32) {
    %c0_i32 = arith.constant 0 : i32
    %c0_i32_0 = arith.constant 0 : i32
    return %arg0, %c0_i32 : i32, i32
  }
  func.func @transform_4(%arg0: i32) -> (i32, i32) {
    %c0_i32 = arith.constant 0 : i32
    %c0_i32_0 = arith.constant 0 : i32
    %c0_i32_1 = arith.constant 0 : i32
    return %c0_i32, %c0_i32_0 : i32, i32
  }
  func.func @transform_5(%arg0: i32) -> (i32, i32) {
    %c0_i32 = arith.constant 0 : i32
    %c0_i32_0 = arith.constant 0 : i32
    %c0_i32_1 = arith.constant 0 : i32
    return %c0_i32, %c0_i32_0 : i32, i32
  }
  func.func @transform_6(%arg0: i32) -> (i32, i32) {
    %c0_i32 = arith.constant 0 : i32
    %c0_i32_0 = arith.constant 0 : i32
    %c0_i32_1 = arith.constant 0 : i32
    return %c0_i32, %c0_i32_0 : i32, i32
  }
  func.func @transform_7(%arg0: i32) -> (i32, i32) {
    %c0_i32 = arith.constant 0 : i32
    %c0_i32_0 = arith.constant 0 : i32
    %c0_i32_1 = arith.constant 0 : i32
    return %c0_i32, %c0_i32_0 : i32, i32
  }
  func.func @transform_8(%arg0: i32) -> (i32, i32) {
    %c0_i32 = arith.constant 0 : i32
    %c0_i32_0 = arith.constant 0 : i32
    %c0_i32_1 = arith.constant 0 : i32
    return %c0_i32, %c0_i32_0 : i32, i32
  }
  func.func @transform_9(%arg0: i32) -> (i32, i32) {
    %c0_i32 = arith.constant 0 : i32
    %c0_i32_0 = arith.constant 0 : i32
    %c0_i32_1 = arith.constant 0 : i32
    return %c0_i32, %c0_i32_0 : i32, i32
  }
  func.func @transform_10(%arg0: i32) -> (i32, i32) {
    %c0_i32 = arith.constant 0 : i32
    %c0_i32_0 = arith.constant 0 : i32
    %c0_i32_1 = arith.constant 0 : i32
    return %c0_i32, %c0_i32_0 : i32, i32
  }
  func.func @transform_11(%arg0: i32) -> (i32, i32) {
    %c0_i32 = arith.constant 0 : i32
    %c0_i32_0 = arith.constant 0 : i32
    %c0_i32_1 = arith.constant 0 : i32
    return %c0_i32, %c0_i32_0 : i32, i32
  }
  func.func @transform_12(%arg0: i32) -> (i32, i32) {
    %c0_i32 = arith.constant 0 : i32
    %c0_i32_0 = arith.constant 0 : i32
    %c0_i32_1 = arith.constant 0 : i32
    return %c0_i32, %c0_i32_0 : i32, i32
  }
  func.func @transform_13(%arg0: i32) -> (i32, i32) {
    %c0_i32 = arith.constant 0 : i32
    %c0_i32_0 = arith.constant 0 : i32
    %c0_i32_1 = arith.constant 0 : i32
    return %c0_i32, %c0_i32_0 : i32, i32
  }
  func.func @transform_14(%arg0: i32) -> (i32, i32) {
    %c0_i32 = arith.constant 0 : i32
    %c0_i32_0 = arith.constant 0 : i32
    return %arg0, %c0_i32 : i32, i32
  }
}

</mosaic_0001>

<sc_bundles>
// kernel: kernel.5.cloned.1.call-start
scs
__scs_entry_jumppad:
0x0: {  	(pc) =	sbr.rel $0x88, $3  }
0x1: {  	(tag) =	ssettag $0x0;
	lr =	simm.s32 $0x1  }
0x2: {  	[smem:$0x3F93] =	sst lr;
	_ =	strace $0xD0000000  }
0x3: {  	_ = 	snop  }
0x4: {  	_ = 	snop  }
0x5: {  	_ = 	snop  }
0x6: {  	_ = 	snop  }
0x7: {  	_ = 	snop  }
__scs_overlays_trampoline_lowered:
0x8: {  	[smem:$0x3FA2] =	sst s0  }
0x9: {  	[smem:$0x3FA3] =	sst s1  }
0xa: {  	[smem:$0x3FA4] =	sst s2  }
0xb: {  	[smem:$0x3FA5] =	sst s3  }
0xc: {  	[smem:$0x3FA6] =	sst s4  }
0xd: {  	[smem:$0x3FA7] =	sst s5  }
0xe: {  	[smem:$0x3FA8] =	sst s6  }
0xf: {  	[smem:$0x3FA9] =	sst s7  }
0x10: {  	[smem:$0x3FAA] =	sst s8  }
0x11: {  	[smem:$0x3FAB] =	sst s9;
	s0 =	simm.s32 @!p0 $0x0  }
0x12: {  	s1 =	sld [smem:$0x3F91];
	s0 =	simm.s32 @p0 $0x1  }
0x13: {  	[smem:$0x3FAC] =	sst s0;
	s0 =	simm.s32 @!p1 $0x0  }
0x14: {  	s2 =	sld [smem:$0x3F90];
	s0 =	simm.s32 @p1 $0x1  }
0x15: {  	[smem:$0x3FAD] =	sst s0;
	s0 =	simm.s32 @!p2 $0x0  }
0x16: {  	s3 =	sld [smem:$0x3FDB];
	s0 =	simm.s32 @p2 $0x1  }
0x17: {  	s4 =	simm.s32 $0x1BF5;
	[smem:$0x3FAF] =	sst s0  }
0x18: {  	s0 =	sld [smem:$0x3F92];
	_ =	swait.ge [sflag:s4], $0x0  }
0x19: {  	s7 =	sld [smem:$0x3F93]  }
0x1a: {  	s8 =	sadd.s32 $0xFFFFE003, lr  }
0x1b: {  	s9 =	sadd.s32 $0xFFFFFEF7, lr;
	s5 =	simm.s32 $0xFFFFFFFF;
	p2 =	slt.u32 s8, $0xFFFFF086  }
0x1c: {  	p1 =	slt.u32 s9, $0xF7A;
	s5 =	simm.s32 @!p2 $0x0  }
0x1d: {  	s5 =	simm.s32 @p1 $0x1;
	p0 =	seq.s32 s7, s2  }
0x1e: {  	s7 =	smul.u32 @!p0 $0xF7A, s2;
	p2 =	seq.s32 @!p0 s5, $0x0  }
0x1f: {  	s9 =	smul.u32 $0xF7A, s1;
	s8 =	simm.s32 @!p0 $0x1BF5;
	p2 =	por !p2, p0  }
0x20: {  	[sflag:s8] =	ssyncset.s32 @!p0 $0xFFFFF086;
	s6 =	sadd.s32 @!p0 s3, s7;
	s7 =	simm.s32 @!p0 $0x108  }
0x21: {  	s3 =	sadd.s32 s3, s9;
	s6 =	sadd.s32 @!p0 $0x88, s6;
	s7 =	simm.s32 @p2 $0x1082  }
0x22: {  	[simem:s7], [sflag:s8] =	dma.local @!p0 [hbm:s6], $0xF7A  }
0x23: {  	s9 =	sor.u32 $0xD0000000, s2;
	s6 =	simm.s32 $0x108;
	_ =	swait.ge @!p0 [sflag:s8], $0x0  }
0x24: {  	s3 =	sadd.s32 $0x88, s3;
	s6 =	simm.s32 @!p1 $0x1082;
	[sflag:s4] =	ssyncset.s32 $0xFFFFF086  }
0x25: {  	[simem:s6], [sflag:s4] =	dma.local [hbm:s3], $0xF7A  }
0x26: {  	[smem:$0x3F93] =	sst s1;
	(tag) =	ssettag s2;
	_ =	strace s9  }
0x27: {  	s1 =	sld [smem:$0x3FA3]  }
0x28: {  	s2 =	sld [smem:$0x3FA4]  }
0x29: {  	s4 =	sld [smem:$0x3FA6]  }
0x2a: {  	p0 =	seq.s32 s5, $0x0;
	s5 =	sld [smem:$0x3FA7]  }
0x2b: {  	s6 =	sld [smem:$0x3FA8]  }
0x2c: {  	s7 =	sld [smem:$0x3FA9]  }
0x2d: {  	s3 =	simm.s32 $0x108;
	s8 =	sld [smem:$0x3FAA]  }
0x2e: {  	s3 =	simm.s32 @!p0 $0x1082;
	s9 =	sld [smem:$0x3FAB]  }
0x2f: {  	lr =	sadd.s32 s0, s3;
	s0 =	sld [smem:$0x3FA2]  }
0x30: {  	s3 =	sld [smem:$0x3FA5]  }
0x31: {  	[smem:$0x3FAE] =	sst s10  }
0x32: {  	s10 =	sld [smem:$0x3FAC];
	_ =	sdelay $0x3  }
0x33: {  	p0 =	seq.s32 s10, $0x1;
	s10 =	sld [smem:$0x3FAE];
	_ =	sdelay $0x3  }
0x34: {  	[smem:$0x3FAE] =	sst s10  }
0x35: {  	s10 =	sld [smem:$0x3FAD];
	_ =	sdelay $0x3  }
0x36: {  	p1 =	seq.s32 s10, $0x1;
	s10 =	sld [smem:$0x3FAE];
	_ =	sdelay $0x3  }
0x37: {  	[smem:$0x3FAE] =	sst s10  }
0x38: {  	s10 =	sld [smem:$0x3FAF]  }
0x39: {  	_ = 	snop;
	(pc) =	sbr.ind lr, $3  }
0x3a: {  	_ = 	snop  }
0x3b: {  	_ = 	snop  }
0x3c: {  	p2 =	seq.s32 s10, $0x1;
	s10 =	sld [smem:$0x3FAE]  }
0x3d: {  	_ =	shalt  }
0x3e: {  	_ =	shalt  }
0x3f: {  	_ =	shalt  }
0x40: {  	_ =	shalt  }
0x41: {  	_ =	shalt  }
0x42: {  	_ =	shalt  }
0x43: {  	_ =	shalt  }
0x44: {  	_ =	shalt  }
0x45: {  	_ =	shalt  }
0x46: {  	_ =	shalt  }
0x47: {  	_ =	shalt  }
0x48: {  	_ =	shalt  }
0x49: {  	_ =	shalt  }
0x4a: {  	_ =	shalt  }
0x4b: {  	_ =	shalt  }
0x4c: {  	_ =	shalt  }
0x4d: {  	_ =	shalt  }
0x4e: {  	_ =	shalt  }
0x4f: {  	_ =	shalt  }
0x50: {  	_ =	shalt  }
0x51: {  	_ =	shalt  }
0x52: {  	_ =	shalt  }
0x53: {  	_ =	shalt  }
0x54: {  	_ =	shalt  }
0x55: {  	_ =	shalt  }
0x56: {  	_ =	shalt  }
0x57: {  	_ =	shalt  }
0x58: {  	_ =	shalt  }
0x59: {  	_ =	shalt  }
0x5a: {  	_ =	shalt  }
0x5b: {  	_ =	shalt  }
0x5c: {  	_ =	shalt  }
0x5d: {  	_ =	shalt  }
0x5e: {  	_ =	shalt  }
0x5f: {  	_ =	shalt  }
0x60: {  	_ =	shalt  }
0x61: {  	_ =	shalt  }
0x62: {  	_ =	shalt  }
0x63: {  	_ =	shalt  }
0x64: {  	_ =	shalt  }
0x65: {  	_ =	shalt  }
0x66: {  	_ =	shalt  }
0x67: {  	_ =	shalt  }
0x68: {  	_ =	shalt  }
0x69: {  	_ =	shalt  }
0x6a: {  	_ =	shalt  }
0x6b: {  	_ =	shalt  }
0x6c: {  	_ =	shalt  }
0x6d: {  	_ =	shalt  }
0x6e: {  	_ =	shalt  }
0x6f: {  	_ =	shalt  }
0x70: {  	_ =	shalt  }
0x71: {  	_ =	shalt  }
0x72: {  	_ =	shalt  }
0x73: {  	_ =	shalt  }
0x74: {  	_ =	shalt  }
0x75: {  	_ =	shalt  }
0x76: {  	_ =	shalt  }
0x77: {  	_ =	shalt  }
0x78: {  	_ =	shalt  }
0x79: {  	_ =	shalt  }
0x7a: {  	_ =	shalt  }
0x7b: {  	_ =	shalt  }
0x7c: {  	_ =	shalt  }
0x7d: {  	_ =	shalt  }
0x7e: {  	_ =	shalt  }
0x7f: {  	_ =	shalt  }
0x80: {  	_ =	shalt  }
0x81: {  	_ =	shalt  }
0x82: {  	_ =	shalt  }
0x83: {  	_ =	shalt  }
0x84: {  	_ =	shalt  }
0x85: {  	_ =	shalt  }
0x86: {  	_ =	shalt  }
0x87: {  	_ =	shalt  }
.Lfunc_end0:
.L_simem_size_0:
called_computation_lowered:
.L_overlay_start_0:
0x88: {  	s2 =	sld [smem:$0x3FD9]  }
0x89: {  	s3 =	sld [smem:$0x3FFE];
	_ =	sdelay $0x1  }
0x8a: {  	s1 =	srdreg.scid  }
0x8b: {  	s0 =	sand.u32 $0x1, s1  }
0x8c: {  	s17 =	sshll.u32 s0, $0xA;
	s2 =	sadd.s32 s3, s2  }
0x8d: {  	s2 =	sadd.s32 s2, s17  }
0x8e: {  	[smem:$0x3FBA] =	sst s2  }
0x8f: {  	_ = 	snop  }
0x90: {  	s2 =	sld [smem:$0x3FD0];
	(tm) =	ssettm $0x1  }
0x91: {  	s18 =	sld [smem:$0x3FFB];
	_ =	sdelay $0x3  }
0x92: {  	_ =	strace s18  }
0x93: {  	s3 =	sld [smem:$0x3FFC];
	_ =	sdelay $0x3  }
0x94: {  	_ =	strace s3  }
0x95: {  	s3 =	sld [smem:$0x3FFD];
	_ =	sdelay $0x3  }
0x96: {  	_ =	strace s3  }
0x97: {  	_ =	strace $0x8FFFFFFF  }
0x98: {  	s19 =	sld [smem:$0x3FDB];
	_ =	sdelay $0x1  }
0x99: {  	s4 =	simm.s32 $_scs_section_size  }
0x9a: {  	s5 =	simm.s32 $_size__tile_overlayer_lowered;
	s6 =	simm.s32 $_tile_overlayer_lowered  }
0x9b: {  	s22 =	simm.s32 $0x1BFF;
	s21 =	sshll.u32 s6, $0x1;
	s3 =	sadd.s32 s4, s19  }
0x9c: {  	s7 =	simm.s32 $0x0;
	s20 =	sshll.u32 s5, $0x1;
	s5 =	sadd.s32 s21, s3  }
0x9d: {  	[timem:s7], [sflag:s22] =	dma.local [hbm:s5], s20  }
0x9e: {  	_ =	swait.ge [sflag:s22], s20  }
0x9f: {  	s4 =	ssub.s32 $0x0, s20;
	[sflag:s22] =	ssyncset.done $0x0  }
0xa0: {  	[sflag:s22] =	ssyncadd.s32 s4;
	_ =	sdelay $0x1  }
0xa1: {  	s23 =	simm.s32 $0x1B8B  }
0xa2: {  	_ =	swait.ge [sflag:s23], $0x1  }
0xa3: {  	[sflag:s23] =	ssyncset.done $0x0  }
0xa4: {  	s25 =	simm.s32 $0x1B8E;
	s24 =	sld [smem:$0x3FFE];
	[sflag:s23] =	ssyncadd.s32 $0xFFFFFFFF  }
0xa5: {  	s26 =	simm.s32 $execute0_lowered;
	[smem:$0x3FD2] =	sst s25  }
0xa6: {  	s5 =	sshll.u32 s26, $0x1;
	_ =	strace $0x80000046;
	[dreg:$0x1] =	wrdreg $0xFFFFFFFF  }
0xa7: {  	s28 =	simm.s32 $_size_execute0_lowered;
	s3 =	sadd.s32 s3, s5;
	[dreg:$0x0] =	wrdreg $0x0  }
0xa8: {  	s5 =	sshll.u32 s28, $0x1;
	[dreg:$0x2] =	wrdreg s3  }
0xa9: {  	[dreg:$0x3] =	wrdreg s5  }
0xaa: {  	[dreg:$0x4] =	wrdreg $0xC0  }
0xab: {  	_ =	task [dreg:s7], $0x5FFFF  }
0xac: {  	[dreg:$0x1] =	wrdreg $0xFFFFFFFF  }
0xad: {  	[dreg:$0x0] =	wrdreg $0x60  }
0xae: {  	[dreg:$0x2] =	wrdreg s24  }
0xaf: {  	[dreg:$0x3] =	wrdreg s2  }
0xb0: {  	[dreg:$0x4] =	wrdreg $0x0  }
0xb1: {  	[dreg:$0x5] =	wrdreg $0x9  }
0xb2: {  	_ =	task.clear_ibuf [dreg:s7], $0x6FFFF;
	_ =	strace $0x90000046  }
0xb3: {  	s29 =	simm.s32 $0x9;
	_ =	strace $0x80000048  }
0xb4: {  	_ =	swait.ge [sflag:s29], $0x1  }
0xb5: {  	[sflag:s29] =	ssyncadd.s32 $0xFFFFFFFF  }
0xb6: {  	_ =	strace $0x90000048  }
0xb7: {  	_ =	sfence  }
0xb8: {  	s30 =	sld [smem:$0x0];
	_ =	sdelay $0x2  }
0xb9: {  	s31 =	sshll.u32 s1, $0xD;
	s1 =	sshrl.u32 s1, $0x2  }
0xba: {  	s3 =	sand.u32 $0x4000, s31;
	s1 =	sadd.s32 s1, s30  }
0xbb: {  	s0 =	sor.u32 s3, s0;
	s1 =	sshll.u32 s1, $0x11  }
0xbc: {  	s0 =	sor.u32 s1, s0  }
0xbd: {  	s0 =	sadd.s32 $0x8F2B, s0  }
0xbe: {  	[sflag:s0] =	ssyncadd.remote.s32 $0x1  }
0xbf: {  	_ =	sfence.sel $0xFFFF  }
0xc0: {  	[dreg:$0x0] =	wrdreg $0xFFFFFFFF;
	(pc) =	sbr.abs _section_cstart, $3  }
0xc1: {  	[dreg:$0x1] =	wrdreg $0xFFFFFFFF  }
0xc2: {  	_ =	task.clear_ibuf [dreg:s7], $0x2FFFF;
	_ =	strace $0x9FFFFFFF  }
0xc3: {  	(tm) =	ssettm $0x7FFFFFFF  }
tec
execute0_lowered:
.L_overlay_start_1:
0x0: {  	(tag) =	ssettag $0x1  }
0x1: {  	s1 =	rddreg [dreg:$0x0]  }
0x2: {  	s2 =	simm.s32 $0x0;
	s0 =	srdreg.scid;
	s22 =	stileid.u32  }
0x3: {  	[smem:$0x7FF] =	sst s2;
	s2 =	smul.u32 $0x16380, s22  }
0x4: {  	s3 =	sadd.s32 $0x32C00, s1;
	s0 =	sand.u32 $0x1, s0;
	s31 =	smul.u32 $0x58E00, s22  }
0x5: {  	s13 =	sshll.u32 s0, $0x4;
	s4 =	smul.u32 $0x15F900, s0;
	s0 =	ssub.s32 $0x2, s0  }
0x6: {  	s5 =	sor.u32 s22, s13;
	s6 =	sshrl.u32 s0, $0x1;
	s9 =	sadd.s32 $0x6C00, s2  }
0x7: {  	s12 =	sadd.s32 $0x9000, s2;
	s13 =	sadd.s32 $0xD800, s2;
	s7 =	smul.u32 $0x9C, s5  }
0x8: {  	s8 =	smin.u32 s5, $0x4;
	s0 =	ssub.s32 s0, s6;
	s15 =	sadd.s32 s2, s4  }
0x9: {  	p0 =	slt.u32 s5, $0x4;
	s10 =	sadd.s32 s4, s9;
	s21 =	sadd.s32 s4, s12  }
0xa: {  	s11 =	sadd.s32 s4, s13;
	s14 =	sshll.u32 s8, $0x1;
	s16 =	sshrl.u32 s15, $0x3  }
0xb: {  	s8 =	sadd.s32 $0x2400, s2;
	s10 =	sshrl.u32 s10, $0x3;
	s11 =	sshrl.u32 s11, $0x3  }
0xc: {  	s6 =	sadd.s32 s7, s14;
	s17 =	sadd.s32 s3, s16;
	s18 =	sadd.s32 s4, s8  }
0xd: {  	s7 =	sadd.s32 $0x4800, s2;
	s24 =	sadd.s32 s3, s11;
	s11 =	rddreg [dreg:$0x1]  }
0xe: {  	s20 =	sadd.s32 s3, s10;
	s10 =	sadd.s32 $0xB400, s2;
	[dreg:$0x4] =	wrdreg s17  }
0xf: {  	s5 =	sshrl.u32 s18, $0x3;
	s19 =	sadd.s32 s4, s7;
	[dreg:$0x7] =	wrdreg s20  }
0x10: {  	s23 =	sadd.s32 s4, s10;
	[dreg:$0xa] =	wrdreg s24;
	s5 =	sadd.s32 s3, s5  }
0x11: {  	s18 =	sadd.s32 $0xFC00, s2;
	[dreg:$0x5] =	wrdreg s5;
	s5 =	sshrl.u32 s19, $0x3  }
0x12: {  	s20 =	sadd.s32 $0x12000, s2;
	s17 =	simm.s32 $0x4F;
	s5 =	sadd.s32 s3, s5  }
0x13: {  	s25 =	sadd.s32 s4, s18;
	[dreg:$0x6] =	wrdreg s5;
	s5 =	sshrl.u32 s21, $0x3  }
0x14: {  	s26 =	sadd.s32 s4, s20;
	s17 =	simm.s32 @!p0 $0x4E;
	s5 =	sadd.s32 s3, s5  }
0x15: {  	s21 =	sadd.s32 $0x14400, s2;
	[dreg:$0x8] =	wrdreg s5;
	s5 =	sshrl.u32 s23, $0x3  }
0x16: {  	p0 =	seq.s32 s22, $0xF;
	s28 =	sadd.s32 s4, s21;
	s5 =	sadd.s32 s3, s5  }
0x17: {  	s14 =	sshrl.u32 s28, $0x3;
	[dreg:$0x9] =	wrdreg s5;
	s5 =	sshrl.u32 s25, $0x3  }
0x18: {  	s29 =	sadd.s32 s3, s14;
	s14 =	rddreg [dreg:$0x2];
	s5 =	sadd.s32 s3, s5  }
0x19: {  	s19 =	sshrl.u32 s6, $0x1;
	[dreg:$0xb] =	wrdreg s5;
	s5 =	sshrl.u32 s26, $0x3  }
0x1a: {  	s4 =	sshrl.u32 s4, $0x3;
	[dreg:$0xd] =	wrdreg s29;
	s5 =	sadd.s32 s3, s5  }
0x1b: {  	s3 =	sadd.s32 s3, s4;
	[dreg:$0xc] =	wrdreg s5;
	s5 =	sshll.u32 s6, $0x4  }
0x1c: {  	s6 =	sadd.s32 s12, s14;
	s12 =	sadd.s32 s21, s14;
	s21 =	sadd.s32 $0x29A90, s3  }
0x1d: {  	s22 =	sadd.s32 $0x29F10, s3;
	_ =	strace $0x80000047;
	[dreg:$0x10] =	wrdreg s21  }
0x1e: {  	s24 =	sadd.s32 $0x2A390, s3;
	[dreg:$0x11] =	wrdreg s22  }
0x1f: {  	s25 =	sadd.s32 $0x2A810, s3;
	[dreg:$0x12] =	wrdreg s24  }
0x20: {  	s26 =	sadd.s32 $0x2AC90, s3;
	[dreg:$0x13] =	wrdreg s25  }
0x21: {  	s28 =	sadd.s32 $0x2B110, s3;
	[dreg:$0x14] =	wrdreg s26  }
0x22: {  	s29 =	sadd.s32 $0x2B590, s3;
	[dreg:$0x15] =	wrdreg s28  }
0x23: {  	s4 =	sshrl.u32 s31, $0x2;
	s31 =	sadd.s32 $0x2BA10, s3;
	[dreg:$0x16] =	wrdreg s29  }
0x24: {  	s15 =	sadd.s32 $0x1C00, s1;
	s3 =	sadd.s32 $0x2BE90, s3;
	[dreg:$0x17] =	wrdreg s31  }
0x25: {  	s0 =	smax.u32 s0, $0x1;
	s16 =	sadd.s32 $0x2DC00, s1;
	[dreg:$0x18] =	wrdreg s3  }
0x26: {  	s23 =	sadd.s32 s4, s14;
	s4 =	sadd.s32 s7, s14;
	[dreg:$0x19] =	wrdreg s0  }
0x27: {  	s7 =	sadd.s32 s10, s14;
	s1 =	sadd.s32 s11, s5;
	[dreg:$0xe] =	wrdreg s23  }
0x28: {  	s5 =	sadd.s32 s9, s14;
	s3 =	sadd.s32 $0x2400, s23;
	[dreg:$0xf] =	wrdreg s1  }
0x29: {  	s9 =	sadd.s32 s18, s14;
	s18 =	sadd.s32 $0xFC00, s23;
	[smem:$0x7E9] =	sst s3  }
0x2a: {  	s10 =	sadd.s32 s20, s14;
	s20 =	sadd.s32 $0x12000, s23;
	[smem:$0x7EF] =	sst s18  }
0x2b: {  	s21 =	sadd.s32 $0x14400, s23;
	s22 =	sadd.s32 $0x14D480, s14;
	[smem:$0x7F0] =	sst s20  }
0x2c: {  	s24 =	sadd.s32 $0x151C80, s14;
	[smem:$0x7F1] =	sst s21  }
0x2d: {  	s25 =	sadd.s32 $0x154080, s14;
	[smem:$0x7F2] =	sst s22  }
0x2e: {  	s26 =	sadd.s32 $0x156480, s14;
	[smem:$0x7F5] =	sst s24  }
0x2f: {  	s28 =	sadd.s32 $0x158880, s14;
	[smem:$0x7F7] =	sst s25  }
0x30: {  	s29 =	sadd.s32 $0x15AC80, s14;
	[smem:$0x7F8] =	sst s26  }
0x31: {  	s31 =	sadd.s32 $0x15D080, s14;
	[smem:$0x7FA] =	sst s28  }
0x32: {  	s1 =	sadd.s32 s2, s14;
	s2 =	sadd.s32 s8, s14;
	[smem:$0x7FB] =	sst s29  }
0x33: {  	s8 =	sadd.s32 s13, s14;
	s13 =	sadd.s32 $0xD800, s23;
	[smem:$0x7FD] =	sst s31  }
0x34: {  	s30 =	simm.s32 $0x3;
	s0 =	sshrl.u32 @!p0 s1, $0x3;
	[smem:$0x7EE] =	sst s13  }
0x35: {  	s3 =	sadd.s32 $0xFFFFFFFF, s17;
	[dreg:$0x1a] =	wrdreg s0;
	s0 =	sshrl.u32 @!p0 s2, $0x3  }
0x36: {  	s20 =	simm.s32 $0x1;
	[dreg:$0x1b] =	wrdreg s0;
	s0 =	sshrl.u32 @!p0 s4, $0x3  }
0x37: {  	s21 =	simm.s32 $0x1B110;
	s4 =	sadd.s32 $0x4800, s23;
	[dreg:$0x1c] =	wrdreg s0  }
0x38: {  	s26 =	simm.s32 $0x2;
	s0 =	sshrl.u32 @!p0 s5, $0x3;
	[smem:$0x7EA] =	sst s4  }
0x39: {  	s18 =	simm.s32 $0x0;
	s5 =	sadd.s32 $0x6C00, s23;
	[dreg:$0x1d] =	wrdreg s0  }
0x3a: {  	s13 =	simm.s32 $0x1AD10;
	s0 =	sshrl.u32 @!p0 s6, $0x3;
	[smem:$0x7EB] =	sst s5  }
0x3b: {  	s2 =	sadd.s32 $0x15F480, s14;
	s6 =	sadd.s32 $0x9000, s23;
	[dreg:$0x1e] =	wrdreg s0  }
0x3c: {  	s4 =	simm.s32 $0x15FD0;
	s0 =	sshrl.u32 @!p0 s7, $0x3;
	[smem:$0x7EC] =	sst s6  }
0x3d: {  	v0 =	vlaneseq.u32;
	s7 =	sadd.s32 $0xB400, s23;
	s23 =	sadd.s32 $0x14F880, s14;
	[dreg:$0x1f] =	wrdreg s0  }
0x3e: {  	v1 =	vmul.u32 $0x90, v0;
	s6 =	simm.s32 $0x40;
	[smem:$0x7ED] =	sst s7;
	s0 =	sshrl.u32 @!p0 s8, $0x3  }
.Ltmp0:
0x3f: {  	[smem:$0x7F4] =	sst s23;
	s7 =	simm.s32 $0x16110;
	(pc) =	sbr.rel .LBB2_1-.Ltmp0, $4  }
0x40: {  	v2 =	vimm.f32 $0.0e+00;
	v3 =	vor.u32 $0x1, v1;
	v4 =	vor.u32 $0x2, v1;
	s8 =	simm.s32 $0x1A910;
	[smem:$0x7F3] =	sst s0;
	s0 =	sshrl.u32 @!p0 s9, $0x3  }
0x41: {  	v5 =	vor.u32 $0x3, v1;
	v6 =	vor.u32 $0x4, v1;
	v7 =	vor.u32 $0x5, v1;
	s23 =	simm.s32 $0x16090;
	[smem:$0x7F6] =	sst s0;
	s0 =	sshrl.u32 @!p0 s10, $0x3  }
0x42: {  	v8 =	vor.u32 $0x6, v1;
	v9 =	vor.u32 $0x7, v1;
	v10 =	vadd.s32 $0x80, v1;
	s9 =	simm.s32 $0x18510;
	[smem:$0x7F9] =	sst s0;
	s0 =	sshrl.u32 @!p0 s12, $0x3  }
0x43: {  	v11 =	vadd.s32 $0x81, v1;
	v12 =	vadd.s32 $0x82, v1;
	v13 =	vadd.s32 $0x83, v1;
	s12 =	simm.s32 $0x16050;
	[smem:$0x7FC] =	sst s0;
	s0 =	simm.s32 $0x160D0  }
.LBB2_21:
0x44: {  	_ =	swait.ge [sflag:s30], $0x2400  }
0x45: {  	[sflag:s30] =	ssyncset.done $0x0  }
0x46: {  	[sflag:s30] =	ssyncadd.s32 $0xFFFFDC00  }
0x47: {  	[bflag:$0x0] =	sbarrier.arrive $0xFFFF  }
0x48: {  	s1 =	sld [smem:$0x7F2];
	_ =	sdelay $0x2  }
0x49: {  	s5 =	simm.s32 @p0 $0x1FC4;
	s10 =	rddreg [dreg:$0x10];
	s1 =	sshrl.u32 @p0 s1, $0x3  }
0x4a: {  	[hbm:s10], [sflag:s5] =	dma.local @p0 [spmem:s1], $0x480  }
0x4b: {  	s1 =	simm.s32 @p0 $0x4  }
0x4c: {  	_ =	swait.ge @p0 [sflag:s1], $0x480  }
0x4d: {  	s10 =	sld [smem:$0x7F4];
	_ =	sdelay $0x1  }
0x4e: {  	[sflag:s1] =	ssyncset.done @p0 $0x0  }
0x4f: {  	s22 =	rddreg [dreg:$0x11];
	[sflag:s1] =	ssyncadd.s32 @p0 $0xFFFFFB80;
	s10 =	sshrl.u32 @p0 s10, $0x3  }
0x50: {  	[hbm:s22], [sflag:s5] =	dma.local @p0 [spmem:s10], $0x480  }
0x51: {  	_ =	swait.ge @p0 [sflag:s1], $0x480  }
0x52: {  	s10 =	sld [smem:$0x7F5];
	_ =	sdelay $0x1  }
0x53: {  	[sflag:s1] =	ssyncset.done @p0 $0x0  }
0x54: {  	s22 =	rddreg [dreg:$0x12];
	[sflag:s1] =	ssyncadd.s32 @p0 $0xFFFFFB80;
	s10 =	sshrl.u32 @p0 s10, $0x3  }
0x55: {  	[hbm:s22], [sflag:s5] =	dma.local @p0 [spmem:s10], $0x480  }
0x56: {  	_ =	swait.ge @p0 [sflag:s1], $0x480  }
0x57: {  	s10 =	sld [smem:$0x7F7];
	_ =	sdelay $0x1  }
0x58: {  	[sflag:s1] =	ssyncset.done @p0 $0x0  }
0x59: {  	s22 =	rddreg [dreg:$0x13];
	[sflag:s1] =	ssyncadd.s32 @p0 $0xFFFFFB80;
	s10 =	sshrl.u32 @p0 s10, $0x3  }
0x5a: {  	[hbm:s22], [sflag:s5] =	dma.local @p0 [spmem:s10], $0x480  }
0x5b: {  	_ =	swait.ge @p0 [sflag:s1], $0x480  }
0x5c: {  	s10 =	sld [smem:$0x7F8];
	_ =	sdelay $0x1  }
0x5d: {  	[sflag:s1] =	ssyncset.done @p0 $0x0  }
0x5e: {  	s22 =	rddreg [dreg:$0x14];
	[sflag:s1] =	ssyncadd.s32 @p0 $0xFFFFFB80;
	s10 =	sshrl.u32 @p0 s10, $0x3  }
0x5f: {  	[hbm:s22], [sflag:s5] =	dma.local @p0 [spmem:s10], $0x480  }
0x60: {  	_ =	swait.ge @p0 [sflag:s1], $0x480  }
0x61: {  	s10 =	sld [smem:$0x7FA];
	_ =	sdelay $0x1  }
0x62: {  	[sflag:s1] =	ssyncset.done @p0 $0x0  }
0x63: {  	s22 =	rddreg [dreg:$0x15];
	[sflag:s1] =	ssyncadd.s32 @p0 $0xFFFFFB80;
	s10 =	sshrl.u32 @p0 s10, $0x3  }
0x64: {  	[hbm:s22], [sflag:s5] =	dma.local @p0 [spmem:s10], $0x480  }
0x65: {  	_ =	swait.ge @p0 [sflag:s1], $0x480  }
0x66: {  	s10 =	sld [smem:$0x7FB];
	_ =	sdelay $0x1  }
0x67: {  	[sflag:s1] =	ssyncset.done @p0 $0x0  }
0x68: {  	s22 =	rddreg [dreg:$0x16];
	[sflag:s1] =	ssyncadd.s32 @p0 $0xFFFFFB80;
	s10 =	sshrl.u32 @p0 s10, $0x3  }
0x69: {  	[hbm:s22], [sflag:s5] =	dma.local @p0 [spmem:s10], $0x480  }
0x6a: {  	_ =	swait.ge @p0 [sflag:s1], $0x480  }
0x6b: {  	s10 =	sld [smem:$0x7FD];
	_ =	sdelay $0x1  }
0x6c: {  	[sflag:s1] =	ssyncset.done @p0 $0x0  }
0x6d: {  	s22 =	rddreg [dreg:$0x17];
	[sflag:s1] =	ssyncadd.s32 @p0 $0xFFFFFB80;
	s10 =	sshrl.u32 @p0 s10, $0x3  }
0x6e: {  	[hbm:s22], [sflag:s5] =	dma.local @p0 [spmem:s10], $0x480  }
0x6f: {  	_ =	swait.ge @p0 [sflag:s1], $0x480  }
0x70: {  	[sflag:s1] =	ssyncset.done @p0 $0x0  }
0x71: {  	s10 =	sshrl.u32 @p0 s2, $0x3;
	s22 =	rddreg [dreg:$0x18];
	[sflag:s1] =	ssyncadd.s32 @p0 $0xFFFFFB80  }
0x72: {  	[hbm:s22], [sflag:s5] =	dma.local @p0 [spmem:s10], $0x90  }
0x73: {  	s5 =	stileid.u32;
	_ =	swait.ge @p0 [sflag:s1], $0x90  }
0x74: {  	s5 =	sshll.u32 @!p0 s5, $0x6;
	[sflag:s1] =	ssyncset.done @p0 $0x0;
	s10 =	rddreg [dreg:$0x1a]  }
0x75: {  	[sflag:s1] =	ssyncadd.s32 @p0 $0xFFFFFF70;
	s1 =	sor.u32 @!p0 $0x1C04, s5;
	s5 =	rddreg [dreg:$0x4]  }
0x76: {  	[hbm:s5], [sflag:s1] =	dma.local @!p0 [spmem:s10], $0x480  }
0x77: {  	s5 =	simm.s32 @!p0 $0x4  }
0x78: {  	_ =	swait.ge @!p0 [sflag:s5], $0x480  }
0x79: {  	[sflag:s5] =	ssyncset.done @!p0 $0x0;
	s10 =	rddreg [dreg:$0x5]  }
0x7a: {  	s22 =	rddreg [dreg:$0x1b];
	[sflag:s5] =	ssyncadd.s32 @!p0 $0xFFFFFB80  }
0x7b: {  	[hbm:s10], [sflag:s1] =	dma.local @!p0 [spmem:s22], $0x480  }
0x7c: {  	_ =	swait.ge @!p0 [sflag:s5], $0x480  }
0x7d: {  	[sflag:s5] =	ssyncset.done @!p0 $0x0;
	s10 =	rddreg [dreg:$0x6]  }
0x7e: {  	s22 =	rddreg [dreg:$0x1c];
	[sflag:s5] =	ssyncadd.s32 @!p0 $0xFFFFFB80  }
0x7f: {  	[hbm:s10], [sflag:s1] =	dma.local @!p0 [spmem:s22], $0x480  }
0x80: {  	_ =	swait.ge @!p0 [sflag:s5], $0x480  }
0x81: {  	[sflag:s5] =	ssyncset.done @!p0 $0x0;
	s10 =	rddreg [dreg:$0x7]  }
0x82: {  	s22 =	rddreg [dreg:$0x1d];
	[sflag:s5] =	ssyncadd.s32 @!p0 $0xFFFFFB80  }
0x83: {  	[hbm:s10], [sflag:s1] =	dma.local @!p0 [spmem:s22], $0x480  }
0x84: {  	_ =	swait.ge @!p0 [sflag:s5], $0x480  }
0x85: {  	[sflag:s5] =	ssyncset.done @!p0 $0x0;
	s10 =	rddreg [dreg:$0x8]  }
0x86: {  	s22 =	rddreg [dreg:$0x1e];
	[sflag:s5] =	ssyncadd.s32 @!p0 $0xFFFFFB80  }
0x87: {  	[hbm:s10], [sflag:s1] =	dma.local @!p0 [spmem:s22], $0x480  }
0x88: {  	_ =	swait.ge @!p0 [sflag:s5], $0x480  }
0x89: {  	[sflag:s5] =	ssyncset.done @!p0 $0x0;
	s10 =	rddreg [dreg:$0x9]  }
0x8a: {  	s22 =	rddreg [dreg:$0x1f];
	[sflag:s5] =	ssyncadd.s32 @!p0 $0xFFFFFB80  }
0x8b: {  	[hbm:s10], [sflag:s1] =	dma.local @!p0 [spmem:s22], $0x480  }
0x8c: {  	_ =	swait.ge @!p0 [sflag:s5], $0x480  }
0x8d: {  	s22 =	sld [smem:$0x7F3]  }
0x8e: {  	[sflag:s5] =	ssyncset.done @!p0 $0x0  }
0x8f: {  	s10 =	rddreg [dreg:$0xa];
	[sflag:s5] =	ssyncadd.s32 @!p0 $0xFFFFFB80  }
0x90: {  	[hbm:s10], [sflag:s1] =	dma.local @!p0 [spmem:s22], $0x480  }
0x91: {  	_ =	swait.ge @!p0 [sflag:s5], $0x480  }
0x92: {  	s22 =	sld [smem:$0x7F6]  }
0x93: {  	[sflag:s5] =	ssyncset.done @!p0 $0x0  }
0x94: {  	s10 =	rddreg [dreg:$0xb];
	[sflag:s5] =	ssyncadd.s32 @!p0 $0xFFFFFB80  }
0x95: {  	[hbm:s10], [sflag:s1] =	dma.local @!p0 [spmem:s22], $0x480  }
0x96: {  	_ =	swait.ge @!p0 [sflag:s5], $0x480  }
0x97: {  	s22 =	sld [smem:$0x7F9]  }
0x98: {  	[sflag:s5] =	ssyncset.done @!p0 $0x0  }
0x99: {  	s10 =	rddreg [dreg:$0xc];
	[sflag:s5] =	ssyncadd.s32 @!p0 $0xFFFFFB80  }
0x9a: {  	[hbm:s10], [sflag:s1] =	dma.local @!p0 [spmem:s22], $0x480  }
0x9b: {  	_ =	swait.ge @!p0 [sflag:s5], $0x480  }
0x9c: {  	s22 =	sld [smem:$0x7FC]  }
0x9d: {  	[sflag:s5] =	ssyncset.done @!p0 $0x0  }
0x9e: {  	s10 =	rddreg [dreg:$0xd];
	[sflag:s5] =	ssyncadd.s32 @!p0 $0xFFFFFB80  }
0x9f: {  	[hbm:s10], [sflag:s1] =	dma.local @!p0 [spmem:s22], $0x3F0  }
0xa0: {  	_ =	swait.ge @!p0 [sflag:s5], $0x3F0  }
0xa1: {  	s18 =	sadd.s32 $0x1, s18;
	s31 =	rddreg [dreg:$0x19]  }
0xa2: {  	p1 =	sne.s32 s18, s31  }
.Ltmp1:
0xa3: {  	_ = 	snop;
	(pc) =	sbr.rel @!p1 .LBB2_22-.Ltmp1, $3  }
0xa4: {  	_ =	sdelay $0x1  }
0xa5: {  	[sflag:s5] =	ssyncset.done @!p0 $0x0  }
0xa6: {  	[sflag:s5] =	ssyncadd.s32 @!p0 $0xFFFFFC10  }
.LBB2_1:
0xa7: {  	s1 =	simm.s32 $0x0  }
0xa8: {  	s5 =	smul.u32 $0xE38F, s1;
	_ =	sdelay $0x1  }
0xa9: {  	s22 =	sshrl.u32 s5, $0x13  }
0xaa: {  	s24 =	simm.s32 $0x0;
	s5 =	simm.s32 $0x1;
	s25 =	smul.u32 $0x9, s22  }
.LBB2_2:
0xab: {  	s28 =	smul.u32 $0xE38F, s5  }
0xac: {  	s29 =	smov.u32 s5;
	s22 =	smul.u32 $0x240, s22;
	p1 =	sne.s32 s5, $0x23F  }
.Ltmp2:
0xad: {  	s24 =	ssub.s32 s24, s25;
	(pc) =	sbr.rel @p1 .LBB2_2-.Ltmp2, $4  }
0xae: {  	s5 =	sadd.s32 $0x1, s5;
	s24 =	sand.u32 $0xFFFF, s24  }
0xaf: {  	s25 =	sshrl.u32 s22, $0x2;
	s31 =	sshll.u32 s24, $0x4;
	s24 =	smov.u32 s29  }
0xb0: {  	s22 =	sshrl.u32 s28, $0x13;
	s28 =	sadd.s32 s31, s25  }
0xb1: {  	s25 =	smul.u32 $0x9, s22;
	[tilespmem:s28+$0x1B110] =	vst v2  }
0xb2: {  	_ = 	snop  }
0xb3: {  	s22 =	smul.u32 $0x240, s22;
	s5 =	ssub.s32 s24, s25  }
0xb4: {  	s5 =	sand.u32 $0xFFFF, s5  }
0xb5: {  	s1 =	sld [smem:$0x7F2];
	s22 =	sshrl.u32 s22, $0x2;
	s5 =	sshll.u32 s5, $0x4  }
0xb6: {  	s5 =	sadd.s32 s5, s22  }
0xb7: {  	s22 =	simm.s32 @p0 $0x4;
	[tilespmem:s5+$0x1B110] =	vst v2;
	s5 =	simm.s32 @p0 $0x1B110  }
0xb8: {  	[spmem:s1] =	stream.linear.scatter @p0 [tilespmem:s5], [sflag:$0x4], $0x2400, $0x38;
	[tilespmem:$0x1D610] =	vst v63  }
0xb9: {  	_ =	swait.ge @p0 [sflag:s22], $0x2400  }
0xba: {  	s1 =	sld [smem:$0x7F4]  }
0xbb: {  	[sflag:s22] =	ssyncset.done @p0 $0x0  }
0xbc: {  	[sflag:s22] =	ssyncadd.s32 @p0 $0xFFFFDC00  }
0xbd: {  	[spmem:s1] =	stream.linear.scatter @p0 [tilespmem:s5], [sflag:$0x4], $0x2400, $0x38;
	[tilespmem:$0x1D610] =	vst v63  }
0xbe: {  	_ =	swait.ge @p0 [sflag:s22], $0x2400  }
0xbf: {  	s1 =	sld [smem:$0x7F5]  }
0xc0: {  	[sflag:s22] =	ssyncset.done @p0 $0x0  }
0xc1: {  	[sflag:s22] =	ssyncadd.s32 @p0 $0xFFFFDC00  }
0xc2: {  	[spmem:s1] =	stream.linear.scatter @p0 [tilespmem:s5], [sflag:$0x4], $0x2400, $0x38;
	[tilespmem:$0x1D610] =	vst v63  }
0xc3: {  	_ =	swait.ge @p0 [sflag:s22], $0x2400  }
0xc4: {  	s1 =	sld [smem:$0x7F7]  }
0xc5: {  	[sflag:s22] =	ssyncset.done @p0 $0x0  }
0xc6: {  	[sflag:s22] =	ssyncadd.s32 @p0 $0xFFFFDC00  }
0xc7: {  	[spmem:s1] =	stream.linear.scatter @p0 [tilespmem:s5], [sflag:$0x4], $0x2400, $0x38;
	[tilespmem:$0x1D610] =	vst v63  }
0xc8: {  	_ =	swait.ge @p0 [sflag:s22], $0x2400  }
0xc9: {  	s1 =	sld [smem:$0x7F8]  }
0xca: {  	[sflag:s22] =	ssyncset.done @p0 $0x0  }
0xcb: {  	[sflag:s22] =	ssyncadd.s32 @p0 $0xFFFFDC00  }
0xcc: {  	[spmem:s1] =	stream.linear.scatter @p0 [tilespmem:s5], [sflag:$0x4], $0x2400, $0x38;
	[tilespmem:$0x1D610] =	vst v63  }
0xcd: {  	_ =	swait.ge @p0 [sflag:s22], $0x2400  }
0xce: {  	s1 =	sld [smem:$0x7FA]  }
0xcf: {  	[sflag:s22] =	ssyncset.done @p0 $0x0  }
0xd0: {  	[sflag:s22] =	ssyncadd.s32 @p0 $0xFFFFDC00  }
0xd1: {  	[spmem:s1] =	stream.linear.scatter @p0 [tilespmem:s5], [sflag:$0x4], $0x2400, $0x38;
	[tilespmem:$0x1D610] =	vst v63  }
0xd2: {  	_ =	swait.ge @p0 [sflag:s22], $0x2400  }
0xd3: {  	s1 =	sld [smem:$0x7FB]  }
0xd4: {  	[sflag:s22] =	ssyncset.done @p0 $0x0  }
0xd5: {  	[sflag:s22] =	ssyncadd.s32 @p0 $0xFFFFDC00  }
0xd6: {  	[spmem:s1] =	stream.linear.scatter @p0 [tilespmem:s5], [sflag:$0x4], $0x2400, $0x38;
	[tilespmem:$0x1D610] =	vst v63  }
0xd7: {  	_ =	swait.ge @p0 [sflag:s22], $0x2400  }
0xd8: {  	s1 =	sld [smem:$0x7FD]  }
0xd9: {  	[sflag:s22] =	ssyncset.done @p0 $0x0  }
0xda: {  	[sflag:s22] =	ssyncadd.s32 @p0 $0xFFFFDC00  }
0xdb: {  	[spmem:s1] =	stream.linear.scatter @p0 [tilespmem:s5], [sflag:$0x4], $0x2400, $0x38;
	[tilespmem:$0x1D610] =	vst v63  }
0xdc: {  	_ =	swait.ge @p0 [sflag:s22], $0x2400  }
0xdd: {  	[sflag:s22] =	ssyncset.done @p0 $0x0  }
0xde: {  	[sflag:s22] =	ssyncadd.s32 @p0 $0xFFFFDC00  }
0xdf: {  	[spmem:s2] =	stream.linear.scatter @p0 [tilespmem:s5], [sflag:$0x4], $0x480, $0x38;
	[tilespmem:$0x1D610] =	vst v63  }
0xe0: {  	_ =	swait.ge @p0 [sflag:s22], $0x480  }
0xe1: {  	s5 =	simm.s32 @!p0 $0x1B110;
	[sflag:s22] =	ssyncset.done @p0 $0x0  }
0xe2: {  	s1 =	rddreg [dreg:$0xe];
	[sflag:s22] =	ssyncadd.s32 @p0 $0xFFFFFB80;
	s22 =	simm.s32 @!p0 $0x4  }
0xe3: {  	[spmem:s1] =	stream.linear.scatter @!p0 [tilespmem:s5], [sflag:$0x4], $0x2400, $0x38;
	[tilespmem:$0x1D610] =	vst v63  }
0xe4: {  	_ =	swait.ge @!p0 [sflag:s22], $0x2400  }
0xe5: {  	s1 =	sld [smem:$0x7E9]  }
0xe6: {  	[sflag:s22] =	ssyncset.done @!p0 $0x0  }
0xe7: {  	[sflag:s22] =	ssyncadd.s32 @!p0 $0xFFFFDC00  }
0xe8: {  	[spmem:s1] =	stream.linear.scatter @!p0 [tilespmem:s5], [sflag:$0x4], $0x2400, $0x38;
	[tilespmem:$0x1D610] =	vst v63  }
0xe9: {  	_ =	swait.ge @!p0 [sflag:s22], $0x2400  }
0xea: {  	s1 =	sld [smem:$0x7EA]  }
0xeb: {  	[sflag:s22] =	ssyncset.done @!p0 $0x0  }
0xec: {  	[sflag:s22] =	ssyncadd.s32 @!p0 $0xFFFFDC00  }
0xed: {  	[spmem:s1] =	stream.linear.scatter @!p0 [tilespmem:s5], [sflag:$0x4], $0x2400, $0x38;
	[tilespmem:$0x1D610] =	vst v63  }
0xee: {  	_ =	swait.ge @!p0 [sflag:s22], $0x2400  }
0xef: {  	s1 =	sld [smem:$0x7EB]  }
0xf0: {  	[sflag:s22] =	ssyncset.done @!p0 $0x0  }
0xf1: {  	[sflag:s22] =	ssyncadd.s32 @!p0 $0xFFFFDC00  }
0xf2: {  	[spmem:s1] =	stream.linear.scatter @!p0 [tilespmem:s5], [sflag:$0x4], $0x2400, $0x38;
	[tilespmem:$0x1D610] =	vst v63  }
0xf3: {  	_ =	swait.ge @!p0 [sflag:s22], $0x2400  }
0xf4: {  	s1 =	sld [smem:$0x7EC]  }
0xf5: {  	[sflag:s22] =	ssyncset.done @!p0 $0x0  }
0xf6: {  	[sflag:s22] =	ssyncadd.s32 @!p0 $0xFFFFDC00  }
0xf7: {  	[spmem:s1] =	stream.linear.scatter @!p0 [tilespmem:s5], [sflag:$0x4], $0x2400, $0x38;
	[tilespmem:$0x1D610] =	vst v63  }
0xf8: {  	_ =	swait.ge @!p0 [sflag:s22], $0x2400  }
0xf9: {  	s1 =	sld [smem:$0x7ED]  }
0xfa: {  	[sflag:s22] =	ssyncset.done @!p0 $0x0  }
0xfb: {  	[sflag:s22] =	ssyncadd.s32 @!p0 $0xFFFFDC00  }
0xfc: {  	[spmem:s1] =	stream.linear.scatter @!p0 [tilespmem:s5], [sflag:$0x4], $0x2400, $0x38;
	[tilespmem:$0x1D610] =	vst v63  }
0xfd: {  	_ =	swait.ge @!p0 [sflag:s22], $0x2400  }
0xfe: {  	s1 =	sld [smem:$0x7EE]  }
0xff: {  	[sflag:s22] =	ssyncset.done @!p0 $0x0  }
0x100: {  	[sflag:s22] =	ssyncadd.s32 @!p0 $0xFFFFDC00  }
0x101: {  	[spmem:s1] =	stream.linear.scatter @!p0 [tilespmem:s5], [sflag:$0x4], $0x2400, $0x38;
	[tilespmem:$0x1D610] =	vst v63  }
0x102: {  	_ =	swait.ge @!p0 [sflag:s22], $0x2400  }
0x103: {  	s1 =	sld [smem:$0x7EF]  }
0x104: {  	[sflag:s22] =	ssyncset.done @!p0 $0x0  }
0x105: {  	[sflag:s22] =	ssyncadd.s32 @!p0 $0xFFFFDC00  }
0x106: {  	[spmem:s1] =	stream.linear.scatter @!p0 [tilespmem:s5], [sflag:$0x4], $0x2400, $0x38;
	[tilespmem:$0x1D610] =	vst v63  }
0x107: {  	_ =	swait.ge @!p0 [sflag:s22], $0x2400  }
0x108: {  	s1 =	sld [smem:$0x7F0]  }
0x109: {  	[sflag:s22] =	ssyncset.done @!p0 $0x0  }
0x10a: {  	[sflag:s22] =	ssyncadd.s32 @!p0 $0xFFFFDC00  }
0x10b: {  	[spmem:s1] =	stream.linear.scatter @!p0 [tilespmem:s5], [sflag:$0x4], $0x2400, $0x38;
	[tilespmem:$0x1D610] =	vst v63  }
0x10c: {  	_ =	swait.ge @!p0 [sflag:s22], $0x2400  }
0x10d: {  	s1 =	sld [smem:$0x7F1]  }
0x10e: {  	[sflag:s22] =	ssyncset.done @!p0 $0x0  }
0x10f: {  	[sflag:s22] =	ssyncadd.s32 @!p0 $0xFFFFDC00  }
0x110: {  	[spmem:s1] =	stream.linear.scatter @!p0 [tilespmem:s5], [sflag:$0x4], $0x1F80, $0x38;
	[tilespmem:$0x1D610] =	vst v63  }
0x111: {  	_ =	swait.ge @!p0 [sflag:s22], $0x1F80  }
0x112: {  	[sflag:s22] =	ssyncset.done @!p0 $0x0  }
0x113: {  	[sflag:s22] =	ssyncadd.s32 @!p0 $0xFFFFE080  }
0x114: {  	s10 =	simm.s32 $0x15F90;
	[bflag:$0x0] =	sbarrier.arrive $0xFFFF  }
0x115: {  	s29 =	simm.s32 $0x4;
	s5 =	simm.s32 $0x0;
	s28 =	rddreg [dreg:$0xf]  }
0x116: {  	[tilespmem:s10], [sflag:$0x4] =	stream.linear.gather [hbm4b:s28+s5], $0x100, $0x38;
	[tilespmem:$0x1D610] =	vst v63  }
0x117: {  	_ =	swait.ge [sflag:s29], $0x100  }
0x118: {  	[sflag:s29] =	ssyncset.done $0x0  }
0x119: {  	[sflag:s29] =	ssyncadd.s32 $0xFFFFFF00  }
0x11a: {  	[tilespmem:s7], [sflag:$0x1] =	stream.indirect.gather [hbm4b:s15+s6], $0x90, s10, s6, $0xb8;
	[tilespmem:$0x1D610] =	vst v63  }
0x11b: {  	s31 =	simm.s32 $0x16010;
	s22 =	simm.s32 $0x0  }
0x11c: {  	[tilespmem:s8], [sflag:$0x1] =	stream.indirect.gather [hbm4b:s16+s6], $0x10, s31, s6, $0xb8;
	[tilespmem:$0x1D610] =	vst v63  }
.LBB2_4:
0x11d: {  	[tilespmem:s9], [sflag:$0x2] =	stream.indirect.gather [hbm4b:s15+s6], $0x90, s4, s6, $0xb8;
	[tilespmem:$0x1D610] =	vst v63  }
0x11e: {  	_ = 	snop  }
0x11f: {  	[tilespmem:s13], [sflag:$0x2] =	stream.indirect.gather [hbm4b:s16+s6], $0x10, s12, s6, $0xb8;
	[tilespmem:$0x1D610] =	vst v63  }
0x120: {  	_ =	swait.ge [sflag:s20], $0x2400  }
0x121: {  	[sflag:s20] =	ssyncset.done $0x0  }
0x122: {  	[sflag:s20] =	ssyncadd.s32 $0xFFFFDC00  }
0x123: {  	_ =	swait.ge [sflag:s20], $0x400  }
0x124: {  	[sflag:s20] =	ssyncset.done $0x0  }
0x125: {  	[sflag:s20] =	ssyncadd.s32 $0xFFFFFC00  }
0x126: {  	v14 =	vld [tilespmem:$0x16010]  }
0x127: {  	v15 =	vld [tilespmem:$0x16020]  }
0x128: {  	v17 =	vor.u32 s5, v0;
	v16 =	vld [tilespmem:$0x16030]  }
0x129: {  	v19 =	vmul.u32 $0x90, v17;
	v17 =	vshll.u32 v17, $0x4;
	v18 =	vld [tilespmem:$0x16040]  }
0x12a: {  	v20 =	vor.u32 $0x7, v17  }
0x12b: {  	v21 =	vor.u32 $0x5, v17;
	[tilespmem:$0x16090] =	vst v14  }
0x12c: {  	v14 =	vadd.s32 $0x83, v19;
	[tilespmem:$0x160A0] =	vst v15  }
0x12d: {  	v15 =	vadd.s32 $0x80, v19;
	[tilespmem:$0x160B0] =	vst v16  }
0x12e: {  	v16 =	vadd.s32 $0x81, v19;
	[tilespmem:$0x160C0] =	vst v18  }
0x12f: {  	v18 =	vor.u32 $0x4, v17;
	v20 =	vld.idx.msk [tilespmem:v20+s8+$0x0], $0xffff  }
0x130: {  	s24 =	simm.s32 $0x10;
	v19 =	vadd.s32 $0x82, v19;
	v21 =	vld.idx.msk [tilespmem:v21+s8+$0x0], $0xffff  }
0x131: {  	v22 =	vor.u32 s24, v0;
	v17 =	vor.u32 $0x6, v17;
	v14 =	vld.idx.msk [tilespmem:v14+s7+$0x0], $0xffff  }
0x132: {  	v23 =	vmul.u32 $0x90, v22;
	v22 =	vshll.u32 v22, $0x4;
	v15 =	vld.idx.msk [tilespmem:v15+s7+$0x0], $0xffff  }
0x133: {  	v24 =	vor.u32 $0x7, v22;
	v16 =	vld.idx.msk [tilespmem:v16+s7+$0x0], $0xffff  }
0x134: {  	v25 =	vadd.s32 $0x83, v23;
	v18 =	vld.idx.msk [tilespmem:v18+s8+$0x0], $0xffff  }
0x135: {  	v19 =	vld.idx.msk [tilespmem:v19+s7+$0x0], $0xffff  }
0x136: {  	v17 =	vld.idx.msk [tilespmem:v17+s8+$0x0], $0xffff  }
0x137: {  	v29 =	vor.u32 $0x5, v22;
	v14 =	vadd.f32 v20, v14  }
0x138: {  	v20 =	vor.u32 $0x4, v22;
	v16 =	vadd.f32 v21, v16;
	v21 =	vor.u32 $0x6, v22;
	v22 =	vld.idx.msk [tilespmem:v24+s8+$0x0], $0xffff  }
0x139: {  	v26 =	vadd.s32 $0x80, v23;
	v24 =	vld.idx.msk [tilespmem:v25+s7+$0x0], $0xffff  }
0x13a: {  	v15 =	vadd.f32 v18, v15;
	v18 =	vadd.s32 $0x82, v23;
	v28 =	vmul.f32 $2.000000030e-01, v14  }
0x13b: {  	v17 =	vadd.f32 v17, v19;
	vm0 =	vgt.f32 v14, $0.0e+00;
	v19 =	vmul.f32 $2.000000030e-01, v16  }
0x13c: {  	v27 =	vadd.s32 $0x81, v23;
	vm1 =	vgt.f32 v16, $0.0e+00;
	v14 =	vsel vm0, v14, v28  }
0x13d: {  	v23 =	vmul.f32 $2.000000030e-01, v15;
	v16 =	vsel vm1, v16, v19;
	v14 =	vmul.f32 $1.442695020e+00, v14  }
0x13e: {  	v25 =	vld.idx.msk [tilespmem:v26+s7+$0x0], $0xffff;
	vm0 =	vgt.f32 v15, $0.0e+00;
	v26 =	vmul.f32 $1.442695020e+00, v16;
	v22 =	vadd.f32 v22, v24  }
0x13f: {  	s31 =	simm.s32 $0x20;
	v18 =	vld.idx.msk [tilespmem:v18+s7+$0x0], $0xffff;
	(erf) = vpow2.f32 v14;
	v14 =	vsel vm0, v15, v23;
	v15 =	vmul.f32 $2.000000030e-01, v17  }
0x140: {  	v20 =	vld.idx.msk [tilespmem:v20+s8+$0x0], $0xffff;
	vm0 =	vgt.f32 v17, $0.0e+00;
	v19 =	vmul.f32 $1.442695020e+00, v14;
	v14 =	vor.u32 s31, v0  }
0x141: {  	v23 =	vld.idx.msk [tilespmem:v27+s7+$0x0], $0xffff;
	v15 =	vsel vm0, v17, v15;
	v16 =	vmul.u32 $0x90, v14;
	v17 =	vshll.u32 v14, $0x4  }
0x142: {  	v27 =	vld.idx.msk [tilespmem:v29+s8+$0x0], $0xffff;
	v32 =	vmul.f32 $2.000000030e-01, v22;
	vm0 =	vgt.f32 v22, $0.0e+00;
	v63 =	vor.u32 $0x7, v17  }
0x143: {  	v24 =	vld.idx.msk [tilespmem:v21+s8+$0x0], $0xffff;
	v62 =	vmul.f32 $1.442695020e+00, v15;
	v14 =	vor.u32 $0x4, v17;
	v21 =	vadd.s32 $0x83, v16  }
0x144: {  	v15 =	vor.u32 $0x5, v17;
	(erf) = vpow2.f32 v19;
	v30 =	vadd.s32 $0x80, v16  }
0x145: {  	v19 =	vadd.f32 v20, v25;
	v31 =	vadd.s32 $0x81, v16;
	v33 =	vadd.s32 $0x82, v16  }
0x146: {  	v16 =	vor.u32 $0x6, v17;
	v17 =	vsel vm0, v22, v32;
	(erf) = vpow2.f32 v26  }
0x147: {  	v25 =	vadd.f32 v27, v23;
	v22 =	vmul.f32 $1.442695020e+00, v17;
	(erf) = vpow2.f32 v62;
	v20 =	vld.idx.msk [tilespmem:v63+s8+$0x0], $0xffff  }
0x148: {  	v26 =	vmul.f32 $2.000000030e-01, v19;
	v23 =	vadd.f32 v24, v18;
	v21 =	vld.idx.msk [tilespmem:v21+s7+$0x0], $0xffff  }
0x149: {  	s24 =	simm.s32 $0x1D530;
	vm0 =	vgt.f32 v19, $0.0e+00;
	v27 =	vmul.f32 $2.000000030e-01, v25;
	v17 =	vld.idx.msk [tilespmem:v30+s7+$0x0], $0xffff;
	v24 =	vpop (erf);
	(erf) = vpow2.f32 v22  }
0x14a: {  	vm1 =	vgt.f32 v25, $0.0e+00;
	v18 =	vld.idx.msk [tilespmem:v31+s7+$0x0], $0xffff;
	v22 =	vsel vm0, v19, v26;
	[tilespmem:s24+$0x10] =	vst v24;
	v24 =	vmul.f32 $2.000000030e-01, v23  }
0x14b: {  	s25 =	simm.s32 $0x8;
	s28 =	simm.s32 $0x30;
	vm0 =	vgt.f32 v23, $0.0e+00;
	v19 =	vld.idx.msk [tilespmem:v33+s7+$0x0], $0xffff;
	v25 =	vsel vm1, v25, v27;
	v22 =	vmul.f32 $1.442695020e+00, v22  }
.LBB2_5:
0x14c: {  	v26 =	vor.u32 s28, v0;
	s25 =	sadd.s32 $0x4, s25;
	v27 =	vld.idx.msk [tilespmem:v14+s8+$0x0], $0xffff;
	v25 =	vmul.f32 $1.442695020e+00, v25;
	v14 =	vsel vm0, v23, v24  }
0x14d: {  	v23 =	vmul.u32 $0x90, v26;
	v24 =	vshll.u32 v26, $0x4;
	p1 =	slt.u32 s25, $0xC;
	v26 =	vld.idx.msk [tilespmem:v15+s8+$0x0], $0xffff;
	v28 =	vmul.f32 $1.442695020e+00, v14  }
0x14e: {  	v20 =	vadd.f32 v20, v21;
	v14 =	vor.u32 $0x4, v24;
	v29 =	vor.u32 $0x7, v24;
	v30 =	vld.idx.msk [tilespmem:v16+s8+$0x0], $0xffff;
	v15 =	vpop (erf)  }
0x14f: {  	v31 =	vadd.s32 $0x80, v23;
	v32 =	vadd.s32 $0x81, v23;
	v21 =	vadd.s32 $0x83, v23;
	[tilespmem:s24+$0xFFFFFFE0] =	vst v15;
	v16 =	vpop (erf)  }
0x150: {  	v15 =	vor.u32 $0x5, v24;
	v33 =	vadd.s32 $0x82, v23;
	v35 =	vmul.f32 $2.000000030e-01, v20;
	[tilespmem:s24+$0xFFFFFFF0] =	vst v16;
	v34 =	vpop (erf)  }
0x151: {  	vm0 =	vgt.f32 v20, $0.0e+00;
	v16 =	vor.u32 $0x6, v24;
	(erf) = vpow2.f32 v22;
	[tilespmem:s24+$0x0] =	vst v34  }
0x152: {  	v22 =	vadd.f32 v27, v17;
	v17 =	vsel vm0, v20, v35;
	s24 =	sadd.s32 $0x40, s24;
	(erf) = vpow2.f32 v25;
	v23 =	vpop (erf)  }
.Ltmp3:
0x153: {  	v25 =	vadd.f32 v26, v18;
	v18 =	vmul.f32 $1.442695020e+00, v17;
	v20 =	vld.idx.msk [tilespmem:v29+s8+$0x0], $0xffff;
	[tilespmem:s24+$0x10] =	vst v23;
	(erf) = vpow2.f32 v28;
	(pc) =	sbr.rel @p1 .LBB2_5-.Ltmp3, $4  }
0x154: {  	vm0 =	vgt.f32 v22, $0.0e+00;
	v24 =	vmul.f32 $2.000000030e-01, v22;
	v23 =	vadd.f32 v30, v19;
	v21 =	vld.idx.msk [tilespmem:v21+s7+$0x0], $0xffff  }
0x155: {  	vm1 =	vgt.f32 v25, $0.0e+00;
	v26 =	vmul.f32 $2.000000030e-01, v25;
	v17 =	vld.idx.msk [tilespmem:v31+s7+$0x0], $0xffff;
	(erf) = vpow2.f32 v18  }
0x156: {  	v22 =	vsel vm0, v22, v24;
	vm0 =	vgt.f32 v23, $0.0e+00;
	v24 =	vmul.f32 $2.000000030e-01, v23;
	v18 =	vld.idx.msk [tilespmem:v32+s7+$0x0], $0xffff  }
0x157: {  	s28 =	sadd.s32 $0x10, s28;
	v22 =	vmul.f32 $1.442695020e+00, v22;
	v25 =	vsel vm1, v25, v26;
	v19 =	vld.idx.msk [tilespmem:v33+s7+$0x0], $0xffff  }
0x158: {  	_ =	sdelay $0x3  }
0x159: {  	v14 =	vld.idx.msk [tilespmem:v14+s8+$0x0], $0xffff;
	_ =	sdelay $0x1  }
0x15a: {  	v15 =	vld.idx.msk [tilespmem:v15+s8+$0x0], $0xffff;
	_ =	sdelay $0x1  }
0x15b: {  	v16 =	vld.idx.msk [tilespmem:v16+s8+$0x0], $0xffff;
	v23 =	vsel vm0, v23, v24  }
0x15c: {  	v20 =	vadd.f32 v20, v21;
	v21 =	vmul.f32 $1.442695020e+00, v25;
	v14 =	vadd.f32 v14, v17  }
0x15d: {  	v23 =	vmul.f32 $1.442695020e+00, v23;
	(erf) = vpow2.f32 v22  }
0x15e: {  	v24 =	vmul.f32 $2.000000030e-01, v20;
	v15 =	vadd.f32 v15, v18;
	v18 =	vmul.f32 $2.000000030e-01, v14  }
0x15f: {  	vm13 =	vgt.f32 v20, $0.0e+00;
	(erf) = vpow2.f32 v21;
	vm14 =	vgt.f32 v14, $0.0e+00  }
0x160: {  	v16 =	vadd.f32 v16, v19;
	v19 =	vmul.f32 $2.000000030e-01, v15;
	v14 =	vsel vm14, v14, v18  }
0x161: {  	v17 =	vsel vm13, v20, v24;
	vm1 =	vgt.f32 v15, $0.0e+00;
	v14 =	vmul.f32 $1.442695020e+00, v14  }
0x162: {  	v17 =	vmul.f32 $1.442695020e+00, v17;
	v18 =	vmul.f32 $2.000000030e-01, v16;
	v15 =	vsel vm1, v15, v19  }
0x163: {  	(erf) = vpow2.f32 v23;
	vm15 =	vgt.f32 v16, $0.0e+00;
	v15 =	vmul.f32 $1.442695020e+00, v15  }
0x164: {  	(erf) = vpow2.f32 v17;
	v16 =	vsel vm15, v16, v18  }
0x165: {  	v16 =	vmul.f32 $1.442695020e+00, v16;
	(erf) = vpow2.f32 v14;
	v14 =	vpop (erf)  }
0x166: {  	(erf) = vpow2.f32 v15;
	[tilespmem:s24+$0xFFFFFFE0] =	vst v14;
	v14 =	vpop (erf)  }
0x167: {  	s25 =	simm.s32 $0x0;
	(erf) = vpow2.f32 v16;
	v15 =	vpop (erf);
	[tilespmem:s24+$0xFFFFFFF0] =	vst v14  }
0x168: {  	s28 =	simm.s32 $0x0;
	s31 =	sadd.s32 $0x40, s24;
	s25 =	sand.u32 $0x78, s25;
	v14 =	vpop (erf);
	[tilespmem:s24+$0x0] =	vst v15  }
0x169: {  	s28 =	sand.u32 $0x1FFFFFF0, s28;
	v16 =	vmov s25;
	v15 =	vpop (erf);
	[tilespmem:s31+$0x10] =	vst v14  }
0x16a: {  	v14 =	vmov s28;
	[tilespmem:s31+$0xFFFFFFE0] =	vst v15;
	v15 =	vshrl.u32 v16, $0x3  }
0x16b: {  	v17 =	vpop (erf);
	v14 =	vmul.u32 $0x90, v14;
	v15 =	vshll.u32 v15, $0x3  }
0x16c: {  	v16 =	vpop (erf);
	[tilespmem:s31+$0xFFFFFFF0] =	vst v17  }
0x16d: {  	s24 =	sadd.s32 $0x40, s31;
	[tilespmem:s31+$0x0] =	vst v16;
	v16 =	vpop (erf);
	v14 =	vor.u32 v14, v15  }
0x16e: {  	[tilespmem:s24+$0x10] =	vst v16;
	v14 =	vbroadcast v14, $0x0;
	v15 =	vpop (erf)  }
0x16f: {  	[tilespmem:s24+$0xFFFFFFE0] =	vst v15;
	v15 =	vpop (erf)  }
0x170: {  	p1 =	seq.s32 s22, $0x0;
	v21 =	vadd.s32 v9, v14;
	[tilespmem:s24+$0xFFFFFFF0] =	vst v15;
	v15 =	vpop (erf)  }
0x171: {  	s1 =	simm.s32 $0x8;
	s25 =	simm.s32 @!p1 $0x3;
	s28 =	simm.s32 $0x1;
	[tilespmem:s24+$0x0] =	vst v15  }
0x172: {  	s29 =	sand.u32 $0x78, s1;
	s28 =	sand.u32 $0x1FFFFFF0, s28;
	v23 =	vadd.s32 v1, v14;
	_ =	swait.ge @!p1 [sflag:s25], $0x2400  }
0x173: {  	s31 =	simm.s32 $0x0;
	v25 =	vadd.s32 v3, v14;
	s24 =	simm.s32 $0x0;
	[sflag:s25] =	ssyncset.done @!p1 $0x0  }
0x174: {  	v16 =	vmov s29;
	v26 =	vadd.s32 v4, v14;
	v15 =	vmov s28;
	s28 =	sand.u32 $0x3FFFFFC0, s31;
	s10 =	sand.u32 $0x30, s24;
	[sflag:s25] =	ssyncadd.s32 @!p1 $0xFFFFDC00  }
0x175: {  	v16 =	vshrl.u32 v16, $0x3;
	v27 =	vadd.s32 v5, v14;
	v15 =	vmul.u32 $0x90, v15;
	s25 =	sor.u32 s10, s28;
	v19 =	vld.idx.msk [tilespmem:v21+s7+$0x0], $0xffff  }
0x176: {  	v16 =	vshll.u32 v16, $0x3;
	v28 =	vadd.s32 v6, v14;
	v29 =	vld [tilespmem:s25+$0x1D510]  }
0x177: {  	v31 =	vadd.s32 v7, v14;
	v15 =	vor.u32 v15, v16;
	v16 =	vld.idx.msk [tilespmem:v23+s7+$0x0], $0xffff  }
0x178: {  	v30 =	vbroadcast v15, $0x0;
	v24 =	vld.idx.msk [tilespmem:v25+s7+$0x0], $0xffff  }
0x179: {  	v17 =	vadd.s32 v8, v14;
	v32 =	vld.idx.msk [tilespmem:v26+s7+$0x0], $0xffff  }
0x17a: {  	v33 =	vld.idx.msk [tilespmem:v27+s7+$0x0], $0xffff;
	v22 =	vadd.s32 v9, v30  }
0x17b: {  	v34 =	vld.idx.msk [tilespmem:v28+s7+$0x0], $0xffff;
	v18 =	vadd.s32 v1, v30  }
0x17c: {  	s1 =	simm.s32 $0x2;
	s28 =	simm.s32 $0x10;
	v36 =	vld.idx.msk [tilespmem:v31+s7+$0x0], $0xffff;
	v15 =	vadd.s32 v4, v30;
	v20 =	vadd.s32 v5, v30;
	v35 =	vmul.f32 v19, v29  }
0x17d: {  	s10 =	simm.s32 $0x4;
	s25 =	simm.s32 $0x4;
	s29 =	sand.u32 $0x78, s28;
	v14 =	vadd.s32 v6, v30;
	v19 =	vadd.s32 v3, v30;
	v37 =	vmul.f32 v16, v29  }
0x17e: {  	s31 =	sand.u32 $0x1FFFFFF0, s1;
	v38 =	vld.idx.msk [tilespmem:v17+s7+$0x0], $0xffff;
	s10 =	sand.u32 $0x3FFFFFC0, s10;
	s1 =	sand.u32 $0x30, s25;
	v62 =	vmov s29;
	v16 =	vadd.s32 v7, v30;
	[tilespmem:v21+s21+$0x0] =	vst.idx.msk $0xffff, v35;
	v21 =	vmul.f32 v24, v29  }
0x17f: {  	s1 =	sor.u32 s1, s10;
	v61 =	vmul.f32 v32, v29;
	v32 =	vshrl.u32 v62, $0x3;
	v24 =	vmov s31;
	v39 =	vld.idx.msk [tilespmem:v22+s7+$0x0], $0xffff;
	[tilespmem:v23+s21+$0x0] =	vst.idx.msk $0xffff, v37  }
0x180: {  	v23 =	vmul.f32 v33, v29;
	v63 =	vmul.u32 $0x90, v24;
	v24 =	vld [tilespmem:s1+$0x1D510];
	[tilespmem:v25+s21+$0x0] =	vst.idx.msk $0xffff, v21;
	v21 =	vmul.f32 v34, v29  }
0x181: {  	[tilespmem:v26+s21+$0x0] =	vst.idx.msk $0xffff, v61;
	v26 =	vmul.f32 v36, v29;
	v25 =	vshll.u32 v32, $0x3;
	v32 =	vld.idx.msk [tilespmem:v18+s7+$0x0], $0xffff  }
0x182: {  	v34 =	vld.idx.msk [tilespmem:v15+s7+$0x0], $0xffff;
	v25 =	vor.u32 v63, v25;
	[tilespmem:v28+s21+$0x0] =	vst.idx.msk $0xffff, v21;
	v21 =	vadd.s32 v8, v30  }
0x183: {  	[tilespmem:v27+s21+$0x0] =	vst.idx.msk $0xffff, v23;
	v35 =	vld.idx.msk [tilespmem:v19+s7+$0x0], $0xffff;
	v33 =	vbroadcast v25, $0x0  }
0x184: {  	v36 =	vmul.f32 v38, v29;
	[tilespmem:v31+s21+$0x0] =	vst.idx.msk $0xffff, v26;
	v29 =	vld.idx.msk [tilespmem:v14+s7+$0x0], $0xffff  }
0x185: {  	v30 =	vld.idx.msk [tilespmem:v20+s7+$0x0], $0xffff;
	v26 =	vadd.s32 v1, v33;
	v28 =	vadd.s32 v9, v33;
	v37 =	vmul.f32 v39, v24  }
0x186: {  	s29 =	simm.s32 $0x10;
	v31 =	vld.idx.msk [tilespmem:v16+s7+$0x0], $0xffff;
	v27 =	vadd.s32 v3, v33;
	v25 =	vadd.s32 v4, v33;
	v23 =	vadd.s32 v5, v33  }
.LBB2_7:
0x187: {  	s28 =	sadd.s32 $0x8, s28;
	v38 =	vadd.s32 v6, v33;
	v39 =	vadd.s32 v7, v33;
	v40 =	vld.idx.msk [tilespmem:v21+s7+$0x0], $0xffff;
	[tilespmem:v22+s21+$0x0] =	vst.idx.msk $0xffff, v37;
	s25 =	sadd.s32 $0x4, s25  }
0x188: {  	s29 =	sshrl.u32 s29, $0x1;
	v41 =	vadd.s32 v8, v33;
	v32 =	vmul.f32 v32, v24;
	v33 =	vmul.f32 v35, v24;
	v37 =	vmovc v24;
	s1 =	sand.u32 $0x78, s28;
	s10 =	sshrl.u32 s28, $0x3  }
0x189: {  	v22 =	vmovc v28;
	s31 =	sand.u32 $0x30, s25;
	s29 =	sand.u32 $0x3FFFFFC0, s29;
	v34 =	vmul.f32 v34, v37;
	s10 =	sand.u32 $0x1FFFFFF0, s10;
	[tilespmem:v17+s21+$0x0] =	vst.idx.msk $0xffff, v36;
	v17 =	vmov v21;
	v21 =	vmov v41  }
0x18a: {  	p1 =	slt.u32 s28, $0x1F8;
	v35 =	vmov s1;
	s1 =	sor.u32 s31, s29;
	s29 =	smov.u32 s28;
	v24 =	vmov s10;
	v41 =	vld.idx.msk [tilespmem:v28+s7+$0x0], $0xffff;
	[tilespmem:v18+s21+$0x0] =	vst.idx.msk $0xffff, v32;
	v28 =	vmul.f32 v30, v37;
	v18 =	vmovc v26  }
0x18b: {  	v30 =	vshrl.u32 v35, $0x3;
	v29 =	vmul.f32 v29, v37;
	v35 =	vmul.u32 $0x90, v24;
	v24 =	vld [tilespmem:s1+$0x1D510];
	[tilespmem:v19+s21+$0x0] =	vst.idx.msk $0xffff, v33;
	v19 =	vmovc v27  }
0x18c: {  	v30 =	vshll.u32 v30, $0x3;
	v32 =	vld.idx.msk [tilespmem:v26+s7+$0x0], $0xffff;
	[tilespmem:v15+s21+$0x0] =	vst.idx.msk $0xffff, v34;
	v26 =	vmul.f32 v31, v37;
	v15 =	vmov v25  }
.Ltmp4:
0x18d: {  	v36 =	vmul.f32 v40, v37;
	v30 =	vor.u32 v35, v30;
	v35 =	vld.idx.msk [tilespmem:v27+s7+$0x0], $0xffff;
	[tilespmem:v20+s21+$0x0] =	vst.idx.msk $0xffff, v28;
	(pc) =	sbr.rel @p1 .LBB2_7-.Ltmp4, $4  }
0x18e: {  	v20 =	vmov v23;
	v33 =	vbroadcast v30, $0x0;
	v34 =	vld.idx.msk [tilespmem:v25+s7+$0x0], $0xffff;
	[tilespmem:v14+s21+$0x0] =	vst.idx.msk $0xffff, v29;
	v14 =	vmov v38  }
0x18f: {  	v30 =	vld.idx.msk [tilespmem:v23+s7+$0x0], $0xffff;
	[tilespmem:v16+s21+$0x0] =	vst.idx.msk $0xffff, v26;
	v16 =	vmov v39  }
0x190: {  	v26 =	vadd.s32 v1, v33;
	v28 =	vadd.s32 v9, v33;
	v29 =	vld.idx.msk [tilespmem:v38+s7+$0x0], $0xffff;
	v37 =	vmul.f32 v41, v24  }
0x191: {  	v27 =	vadd.s32 v3, v33;
	v25 =	vadd.s32 v4, v33;
	v23 =	vadd.s32 v5, v33;
	v31 =	vld.idx.msk [tilespmem:v39+s7+$0x0], $0xffff  }
0x192: {  	_ =	sdelay $0x2  }
0x193: {  	s1 =	sadd.s32 $0x4, s25;
	s10 =	sshrl.u32 s29, $0x1  }
0x194: {  	[tilespmem:v22+s21+$0x0] =	vst.idx.msk $0xffff, v37;
	v48 =	vmul.f32 v32, v24;
	v49 =	vld.idx.msk [tilespmem:v28+s7+$0x0], $0xffff;
	s1 =	sand.u32 $0x30, s1;
	s10 =	sand.u32 $0x3FFFFFC0, s10  }
0x195: {  	v35 =	vmul.f32 v35, v24;
	[tilespmem:v17+s21+$0x0] =	vst.idx.msk $0xffff, v36;
	v52 =	vld.idx.msk [tilespmem:v21+s7+$0x0], $0xffff;
	s1 =	sor.u32 s1, s10  }
0x196: {  	v51 =	vadd.s32 v6, v33;
	v34 =	vmul.f32 v34, v24;
	[tilespmem:v18+s21+$0x0] =	vst.idx.msk $0xffff, v48;
	v50 =	vld [tilespmem:s1+$0x1D510]  }
0x197: {  	v53 =	vadd.s32 v7, v33;
	v55 =	vld.idx.msk [tilespmem:v26+s7+$0x0], $0xffff;
	v54 =	vmul.f32 v30, v24;
	[tilespmem:v19+s21+$0x0] =	vst.idx.msk $0xffff, v35  }
0x198: {  	v56 =	vadd.s32 v8, v33;
	v29 =	vmul.f32 v29, v24;
	[tilespmem:v15+s21+$0x0] =	vst.idx.msk $0xffff, v34;
	v15 =	vld.idx.msk [tilespmem:v27+s7+$0x0], $0xffff  }
0x199: {  	v57 =	vld.idx.msk [tilespmem:v25+s7+$0x0], $0xffff;
	v31 =	vmul.f32 v31, v24;
	[tilespmem:v20+s21+$0x0] =	vst.idx.msk $0xffff, v54  }
0x19a: {  	[tilespmem:v14+s21+$0x0] =	vst.idx.msk $0xffff, v29;
	v14 =	vld.idx.msk [tilespmem:v23+s7+$0x0], $0xffff;
	v59 =	vmul.f32 v52, v24  }
0x19b: {  	v60 =	vld.idx.msk [tilespmem:v51+s7+$0x0], $0xffff;
	[tilespmem:v16+s21+$0x0] =	vst.idx.msk $0xffff, v31;
	v58 =	vmul.f32 v49, v50  }
0x19c: {  	v61 =	vld.idx.msk [tilespmem:v53+s7+$0x0], $0xffff;
	[tilespmem:v21+s21+$0x0] =	vst.idx.msk $0xffff, v59;
	v19 =	vmul.f32 v55, v50  }
0x19d: {  	v62 =	vld.idx.msk [tilespmem:v56+s7+$0x0], $0xffff;
	v15 =	vmul.f32 v15, v50;
	[tilespmem:v28+s21+$0x0] =	vst.idx.msk $0xffff, v58  }
0x19e: {  	v20 =	vmul.f32 v57, v50;
	[tilespmem:v26+s21+$0x0] =	vst.idx.msk $0xffff, v19  }
0x19f: {  	p2 =	por $0x1, $0x1;
	v14 =	vmul.f32 v14, v50;
	[tilespmem:v27+s21+$0x0] =	vst.idx.msk $0xffff, v15  }
.Ltmp5:
0x1a0: {  	v15 =	vmul.f32 v60, v50;
	[tilespmem:v25+s21+$0x0] =	vst.idx.msk $0xffff, v20;
	(pc) =	sbr.rel @!p2 .LBB2_9-.Ltmp5, $4  }
0x1a1: {  	v63 =	vmul.f32 v61, v50;
	[tilespmem:v23+s21+$0x0] =	vst.idx.msk $0xffff, v14;
	v14 =	vmov s24  }
0x1a2: {  	v17 =	vmul.f32 v62, v50;
	[tilespmem:v51+s21+$0x0] =	vst.idx.msk $0xffff, v15;
	v14 =	vmul.u32 $0x90, v14  }
0x1a3: {  	[tilespmem:v53+s21+$0x0] =	vst.idx.msk $0xffff, v63  }
0x1a4: {  	p1 =	por $0x0, $0x0;
	s24 =	simm.s32 $0x1D530;
	[tilespmem:v56+s21+$0x0] =	vst.idx.msk $0xffff, v17;
	v14 =	vbroadcast v14, $0x0  }
0x1a5: {  	p2 =	por $0x1, $0x1  }
.Ltmp6:
0x1a6: {  	s28 =	simm.s32 $0x10;
	(pc) =	sbr.rel @!p2 .LBB2_12-.Ltmp6, $4  }
0x1a7: {  	v16 =	vld [tilespmem:s24+$0xFFFFFFE0];
	v17 =	vmov s28;
	v20 =	vadd.s32 v10, v14  }
0x1a8: {  	v21 =	vld [tilespmem:s24+$0xFFFFFFF0];
	v18 =	vadd.s32 v11, v14;
	v23 =	vmul.u32 $0x90, v17  }
0x1a9: {  	v22 =	vld [tilespmem:s24+$0x0];
	v17 =	vadd.s32 v12, v14  }
0x1aa: {  	v15 =	vld [tilespmem:s24+$0x10];
	s29 =	simm.s32 $0x4;
	s25 =	simm.s32 $0x1D570;
	p1 =	por $0x1, $0x1;
	v19 =	vadd.s32 v13, v14;
	v14 =	vbroadcast v23, $0x0  }
.LBB2_11:
0x1ab: {  	s29 =	sadd.s32 $0x4, s29  }
0x1ac: {  	v23 =	vld [tilespmem:s25+$0x10];
	[tilespmem:v20+s21+$0x0] =	vst.idx.msk $0xffff, v16;
	p2 =	slt.u32 s29, $0xC  }
.Ltmp7:
0x1ad: {  	s28 =	sadd.s32 $0x10, s28;
	v16 =	vld [tilespmem:s25+$0xFFFFFFE0];
	v20 =	vadd.s32 v10, v14;
	[tilespmem:v18+s21+$0x0] =	vst.idx.msk $0xffff, v21;
	v18 =	vadd.s32 v11, v14;
	(pc) =	sbr.rel @p2 .LBB2_11-.Ltmp7, $3  }
0x1ae: {  	v24 =	vmov s28;
	v25 =	vadd.s32 v13, v14;
	v21 =	vld [tilespmem:s25+$0xFFFFFFF0];
	[tilespmem:v17+s21+$0x0] =	vst.idx.msk $0xffff, v22;
	v17 =	vadd.s32 v12, v14  }
0x1af: {  	v14 =	vmul.u32 $0x90, v24;
	v22 =	vld [tilespmem:s25+$0x0];
	[tilespmem:v19+s21+$0x0] =	vst.idx.msk $0xffff, v15;
	v19 =	vmov v25;
	_ =	sdelay $0x1  }
0x1b0: {  	s25 =	sadd.s32 $0x40, s25;
	v14 =	vbroadcast v14, $0x0;
	v15 =	vmov v23  }
.LBB2_12:
0x1b1: {  	_ =	sdelay $0x2  }
0x1b2: {  	v23 =	vld [tilespmem:s25+$0xFFFFFFE0];
	v24 =	vadd.s32 v10, v14  }
0x1b3: {  	[tilespmem:v20+s21+$0x0] =	vst.idx.msk @p1 $0xffff, v16;
	v16 =	vadd.s32 v11, v14;
	v20 =	vld [tilespmem:s25+$0xFFFFFFF0]  }
0x1b4: {  	[tilespmem:v18+s21+$0x0] =	vst.idx.msk @p1 $0xffff, v21;
	v18 =	vadd.s32 v12, v14;
	v21 =	vld [tilespmem:s25+$0x0]  }
0x1b5: {  	v25 =	vld [tilespmem:s25+$0x10];
	v14 =	vadd.s32 v13, v14;
	[tilespmem:v17+s21+$0x0] =	vst.idx.msk @p1 $0xffff, v22  }
0x1b6: {  	[tilespmem:v19+s21+$0x0] =	vst.idx.msk @p1 $0xffff, v15  }
0x1b7: {  	[tilespmem:v24+s21+$0x0] =	vst.idx.msk $0xffff, v23  }
0x1b8: {  	[tilespmem:v16+s21+$0x0] =	vst.idx.msk $0xffff, v20  }
0x1b9: {  	[tilespmem:v18+s21+$0x0] =	vst.idx.msk $0xffff, v21  }
0x1ba: {  	[tilespmem:v14+s21+$0x0] =	vst.idx.msk $0xffff, v25  }
0x1bb: {  	[spmem:s14] =	stream.indirect.scatter.add.f32 [tilespmem:s21], [sflag:$0x3], $0x90, s23, s6, $0xb8;
	[tilespmem:$0x1D610] =	vst v63  }
0x1bc: {  	_ =	swait.ge [sflag:s26], $0x2400  }
0x1bd: {  	[sflag:s26] =	ssyncset.done $0x0  }
0x1be: {  	[sflag:s26] =	ssyncadd.s32 $0xFFFFDC00  }
0x1bf: {  	_ =	swait.ge [sflag:s26], $0x400  }
0x1c0: {  	[sflag:s26] =	ssyncset.done $0x0  }
0x1c1: {  	[sflag:s26] =	ssyncadd.s32 $0xFFFFFC00  }
0x1c2: {  	v14 =	vld [tilespmem:$0x16050]  }
0x1c3: {  	v15 =	vld [tilespmem:$0x16060]  }
0x1c4: {  	v16 =	vld [tilespmem:$0x16070]  }
0x1c5: {  	p1 =	sge.u32 s22, s3;
	v17 =	vld [tilespmem:$0x16080]  }
0x1c6: {  	s1 =	sadd.s32 @!p1 s19, s22  }
0x1c7: {  	s1 =	sshll.u32 @!p1 s1, $0x5;
	[tilespmem:$0x160D0] =	vst v14  }
0x1c8: {  	s1 =	sand.u32 @!p1 $0x1FFFFFE0, s1;
	[tilespmem:$0x160E0] =	vst v15  }
0x1c9: {  	s31 =	simm.s32 $0x0;
	s1 =	sadd.s32 @!p1 s11, s1;
	[tilespmem:$0x160F0] =	vst v16  }
0x1ca: {  	s10 =	simm.s32 @!p1 $0x0;
	s25 =	simm.s32 @!p1 $0x15F90;
	s1 =	sadd.s32 @!p1 $0x20, s1;
	[tilespmem:$0x16100] =	vst v17  }
0x1cb: {  	[tilespmem:s25], [sflag:$0x4] =	stream.linear.gather @!p1 [hbm4b:s1+s10], $0x100, $0x38;
	[tilespmem:$0x1D610] =	vst v63  }
0x1cc: {  	v14 =	vor.u32 s31, v0;
	s10 =	simm.s32 @!p1 $0x4  }
0x1cd: {  	v15 =	vmul.u32 $0x90, v14;
	v14 =	vshll.u32 v14, $0x4;
	_ =	swait.ge @!p1 [sflag:s10], $0x100  }
0x1ce: {  	v16 =	vor.u32 $0x7, v14;
	[sflag:s10] =	ssyncset.done @!p1 $0x0  }
0x1cf: {  	s1 =	simm.s32 @!p1 $0x40;
	v17 =	vadd.s32 $0x83, v15;
	[sflag:s10] =	ssyncadd.s32 @!p1 $0xFFFFFF00;
	s10 =	simm.s32 @!p1 $0x16110  }
0x1d0: {  	v19 =	vadd.s32 $0x81, v15;
	[tilespmem:s10], [sflag:$0x1] =	stream.indirect.gather @!p1 [hbm4b:s15+s1], $0x90, s25, s1, $0xb8;
	[tilespmem:$0x1D610] =	vst v63  }
0x1d1: {  	v21 =	vor.u32 $0x5, v14;
	s10 =	simm.s32 @!p1 $0x16010;
	s25 =	simm.s32 @!p1 $0x1A910  }
0x1d2: {  	v18 =	vadd.s32 $0x80, v15;
	[tilespmem:s25], [sflag:$0x1] =	stream.indirect.gather @!p1 [hbm4b:s16+s1], $0x10, s10, s1, $0xb8;
	[tilespmem:$0x1D610] =	vst v63  }
0x1d3: {  	s29 =	simm.s32 $0x10;
	v20 =	vor.u32 $0x4, v14;
	v16 =	vld.idx.msk [tilespmem:v16+s13+$0x0], $0xffff  }
0x1d4: {  	v22 =	vor.u32 s29, v0;
	v15 =	vadd.s32 $0x82, v15;
	v17 =	vld.idx.msk [tilespmem:v17+s9+$0x0], $0xffff  }
0x1d5: {  	v23 =	vmul.u32 $0x90, v22;
	v22 =	vshll.u32 v22, $0x4;
	v14 =	vor.u32 $0x6, v14;
	v19 =	vld.idx.msk [tilespmem:v19+s9+$0x0], $0xffff  }
0x1d6: {  	v24 =	vor.u32 $0x7, v22;
	v21 =	vld.idx.msk [tilespmem:v21+s13+$0x0], $0xffff  }
0x1d7: {  	v25 =	vadd.s32 $0x83, v23;
	v18 =	vld.idx.msk [tilespmem:v18+s9+$0x0], $0xffff  }
0x1d8: {  	v20 =	vld.idx.msk [tilespmem:v20+s13+$0x0], $0xffff  }
0x1d9: {  	v15 =	vld.idx.msk [tilespmem:v15+s9+$0x0], $0xffff  }
0x1da: {  	v29 =	vor.u32 $0x5, v22;
	v14 =	vld.idx.msk [tilespmem:v14+s13+$0x0], $0xffff;
	v16 =	vadd.f32 v16, v17  }
0x1db: {  	v17 =	vor.u32 $0x4, v22;
	v19 =	vadd.f32 v21, v19;
	v21 =	vor.u32 $0x6, v22;
	v22 =	vld.idx.msk [tilespmem:v24+s13+$0x0], $0xffff  }
0x1dc: {  	v26 =	vadd.s32 $0x80, v23;
	v24 =	vld.idx.msk [tilespmem:v25+s9+$0x0], $0xffff  }
0x1dd: {  	v18 =	vadd.f32 v20, v18;
	v20 =	vadd.s32 $0x82, v23;
	v28 =	vmul.f32 $2.000000030e-01, v16  }
0x1de: {  	v27 =	vadd.s32 $0x81, v23;
	vm0 =	vgt.f32 v16, $0.0e+00  }
0x1df: {  	v14 =	vadd.f32 v14, v15;
	v15 =	vmul.f32 $2.000000030e-01, v19;
	v16 =	vsel vm0, v16, v28  }
0x1e0: {  	v23 =	vmul.f32 $2.000000030e-01, v18;
	vm1 =	vgt.f32 v19, $0.0e+00;
	v16 =	vmul.f32 $1.442695020e+00, v16  }
0x1e1: {  	v25 =	vld.idx.msk [tilespmem:v26+s9+$0x0], $0xffff;
	vm0 =	vgt.f32 v18, $0.0e+00;
	v15 =	vsel vm1, v19, v15;
	v22 =	vadd.f32 v22, v24  }
0x1e2: {  	s31 =	simm.s32 $0x20;
	v19 =	vld.idx.msk [tilespmem:v20+s9+$0x0], $0xffff;
	(erf) = vpow2.f32 v16;
	v16 =	vsel vm0, v18, v23;
	v23 =	vmul.f32 $2.000000030e-01, v14  }
0x1e3: {  	v17 =	vld.idx.msk [tilespmem:v17+s13+$0x0], $0xffff;
	vm0 =	vgt.f32 v14, $0.0e+00;
	v20 =	vmul.f32 $1.442695020e+00, v16;
	v16 =	vor.u32 s31, v0  }
0x1e4: {  	v18 =	vld.idx.msk [tilespmem:v27+s9+$0x0], $0xffff;
	v14 =	vsel vm0, v14, v23;
	v23 =	vmul.u32 $0x90, v16;
	v16 =	vshll.u32 v16, $0x4  }
0x1e5: {  	v26 =	vmul.f32 $1.442695020e+00, v15;
	v27 =	vld.idx.msk [tilespmem:v29+s13+$0x0], $0xffff;
	v32 =	vmul.f32 $2.000000030e-01, v22;
	v63 =	vor.u32 $0x7, v16  }
0x1e6: {  	v24 =	vld.idx.msk [tilespmem:v21+s13+$0x0], $0xffff;
	vm0 =	vgt.f32 v22, $0.0e+00;
	v62 =	vmul.f32 $1.442695020e+00, v14;
	v21 =	vadd.s32 $0x83, v23  }
0x1e7: {  	v14 =	vor.u32 $0x4, v16;
	v15 =	vor.u32 $0x5, v16;
	v30 =	vadd.s32 $0x80, v23  }
0x1e8: {  	(erf) = vpow2.f32 v20;
	v25 =	vadd.f32 v17, v25;
	v31 =	vadd.s32 $0x81, v23  }
0x1e9: {  	v17 =	vsel vm0, v22, v32;
	v33 =	vadd.s32 $0x82, v23;
	(erf) = vpow2.f32 v26  }
0x1ea: {  	v26 =	vadd.f32 v27, v18;
	v18 =	vmul.f32 $1.442695020e+00, v17;
	(erf) = vpow2.f32 v62;
	v20 =	vld.idx.msk [tilespmem:v63+s13+$0x0], $0xffff  }
0x1eb: {  	v16 =	vor.u32 $0x6, v16;
	v23 =	vadd.f32 v24, v19;
	v22 =	vmul.f32 $2.000000030e-01, v25;
	v21 =	vld.idx.msk [tilespmem:v21+s9+$0x0], $0xffff  }
0x1ec: {  	vm0 =	vgt.f32 v25, $0.0e+00;
	v27 =	vmul.f32 $2.000000030e-01, v26;
	v17 =	vld.idx.msk [tilespmem:v30+s9+$0x0], $0xffff;
	v19 =	vpop (erf);
	(erf) = vpow2.f32 v18  }
0x1ed: {  	v24 =	vmul.f32 $2.000000030e-01, v23;
	vm1 =	vgt.f32 v26, $0.0e+00;
	v22 =	vsel vm0, v25, v22;
	v18 =	vld.idx.msk [tilespmem:v31+s9+$0x0], $0xffff  }
0x1ee: {  	s28 =	simm.s32 $0x30;
	s25 =	simm.s32 $0x8;
	vm0 =	vgt.f32 v23, $0.0e+00;
	v22 =	vmul.f32 $1.442695020e+00, v22;
	v25 =	vsel vm1, v26, v27;
	[tilespmem:s24+$0x10] =	vst v19;
	v19 =	vld.idx.msk [tilespmem:v33+s9+$0x0], $0xffff  }
.LBB2_13:
0x1ef: {  	v26 =	vor.u32 s28, v0;
	s25 =	sadd.s32 $0x4, s25;
	v27 =	vld.idx.msk [tilespmem:v14+s13+$0x0], $0xffff;
	v25 =	vmul.f32 $1.442695020e+00, v25;
	v14 =	vsel vm0, v23, v24  }
0x1f0: {  	v23 =	vmul.u32 $0x90, v26;
	v24 =	vshll.u32 v26, $0x4;
	p1 =	slt.u32 s25, $0xC;
	v26 =	vld.idx.msk [tilespmem:v15+s13+$0x0], $0xffff;
	v28 =	vmul.f32 $1.442695020e+00, v14  }
0x1f1: {  	v20 =	vadd.f32 v20, v21;
	v14 =	vor.u32 $0x4, v24;
	v29 =	vor.u32 $0x7, v24;
	v30 =	vld.idx.msk [tilespmem:v16+s13+$0x0], $0xffff;
	v15 =	vpop (erf)  }
0x1f2: {  	v31 =	vadd.s32 $0x80, v23;
	v32 =	vadd.s32 $0x81, v23;
	v21 =	vadd.s32 $0x83, v23;
	[tilespmem:s24+$0xFFFFFFE0] =	vst v15;
	v16 =	vpop (erf)  }
0x1f3: {  	v15 =	vor.u32 $0x5, v24;
	v33 =	vadd.s32 $0x82, v23;
	v35 =	vmul.f32 $2.000000030e-01, v20;
	[tilespmem:s24+$0xFFFFFFF0] =	vst v16;
	v34 =	vpop (erf)  }
0x1f4: {  	vm0 =	vgt.f32 v20, $0.0e+00;
	v16 =	vor.u32 $0x6, v24;
	(erf) = vpow2.f32 v22;
	[tilespmem:s24+$0x0] =	vst v34  }
0x1f5: {  	v22 =	vadd.f32 v27, v17;
	v17 =	vsel vm0, v20, v35;
	s24 =	sadd.s32 $0x40, s24;
	(erf) = vpow2.f32 v25;
	v23 =	vpop (erf)  }
.Ltmp8:
0x1f6: {  	v25 =	vadd.f32 v26, v18;
	v18 =	vmul.f32 $1.442695020e+00, v17;
	v20 =	vld.idx.msk [tilespmem:v29+s13+$0x0], $0xffff;
	[tilespmem:s24+$0x10] =	vst v23;
	(erf) = vpow2.f32 v28;
	(pc) =	sbr.rel @p1 .LBB2_13-.Ltmp8, $4  }
0x1f7: {  	vm0 =	vgt.f32 v22, $0.0e+00;
	v24 =	vmul.f32 $2.000000030e-01, v22;
	v23 =	vadd.f32 v30, v19;
	v21 =	vld.idx.msk [tilespmem:v21+s9+$0x0], $0xffff  }
0x1f8: {  	vm1 =	vgt.f32 v25, $0.0e+00;
	v26 =	vmul.f32 $2.000000030e-01, v25;
	v17 =	vld.idx.msk [tilespmem:v31+s9+$0x0], $0xffff;
	(erf) = vpow2.f32 v18  }
0x1f9: {  	v22 =	vsel vm0, v22, v24;
	vm0 =	vgt.f32 v23, $0.0e+00;
	v24 =	vmul.f32 $2.000000030e-01, v23;
	v18 =	vld.idx.msk [tilespmem:v32+s9+$0x0], $0xffff  }
0x1fa: {  	s28 =	sadd.s32 $0x10, s28;
	v22 =	vmul.f32 $1.442695020e+00, v22;
	v25 =	vsel vm1, v25, v26;
	v19 =	vld.idx.msk [tilespmem:v33+s9+$0x0], $0xffff  }
0x1fb: {  	_ =	sdelay $0x3  }
0x1fc: {  	v14 =	vld.idx.msk [tilespmem:v14+s13+$0x0], $0xffff;
	_ =	sdelay $0x1  }
0x1fd: {  	v15 =	vld.idx.msk [tilespmem:v15+s13+$0x0], $0xffff;
	_ =	sdelay $0x1  }
0x1fe: {  	v16 =	vld.idx.msk [tilespmem:v16+s13+$0x0], $0xffff;
	v23 =	vsel vm0, v23, v24  }
0x1ff: {  	v20 =	vadd.f32 v20, v21;
	v21 =	vmul.f32 $1.442695020e+00, v25;
	v14 =	vadd.f32 v14, v17  }
0x200: {  	v23 =	vmul.f32 $1.442695020e+00, v23;
	(erf) = vpow2.f32 v22  }
0x201: {  	v24 =	vmul.f32 $2.000000030e-01, v20;
	v15 =	vadd.f32 v15, v18;
	v18 =	vmul.f32 $2.000000030e-01, v14  }
0x202: {  	vm13 =	vgt.f32 v20, $0.0e+00;
	(erf) = vpow2.f32 v21;
	vm14 =	vgt.f32 v14, $0.0e+00  }
0x203: {  	v16 =	vadd.f32 v16, v19;
	v19 =	vmul.f32 $2.000000030e-01, v15;
	v14 =	vsel vm14, v14, v18  }
0x204: {  	v17 =	vsel vm13, v20, v24;
	vm1 =	vgt.f32 v15, $0.0e+00;
	v14 =	vmul.f32 $1.442695020e+00, v14  }
0x205: {  	v17 =	vmul.f32 $1.442695020e+00, v17;
	v18 =	vmul.f32 $2.000000030e-01, v16;
	v15 =	vsel vm1, v15, v19  }
0x206: {  	(erf) = vpow2.f32 v23;
	vm15 =	vgt.f32 v16, $0.0e+00;
	v15 =	vmul.f32 $1.442695020e+00, v15  }
0x207: {  	(erf) = vpow2.f32 v17;
	v16 =	vsel vm15, v16, v18  }
0x208: {  	v16 =	vmul.f32 $1.442695020e+00, v16;
	(erf) = vpow2.f32 v14;
	v14 =	vpop (erf)  }
0x209: {  	(erf) = vpow2.f32 v15;
	[tilespmem:s24+$0xFFFFFFE0] =	vst v14;
	v14 =	vpop (erf)  }
0x20a: {  	s1 =	simm.s32 $0x0;
	(erf) = vpow2.f32 v16;
	v15 =	vpop (erf);
	[tilespmem:s24+$0xFFFFFFF0] =	vst v14  }
0x20b: {  	s10 =	simm.s32 $0x0;
	s31 =	sadd.s32 $0x40, s24;
	s1 =	sand.u32 $0x78, s1;
	v14 =	vpop (erf);
	[tilespmem:s24+$0x0] =	vst v15  }
0x20c: {  	s10 =	sand.u32 $0x1FFFFFF0, s10;
	v16 =	vmov s1;
	v15 =	vpop (erf);
	[tilespmem:s31+$0x10] =	vst v14  }
0x20d: {  	v14 =	vmov s10;
	[tilespmem:s31+$0xFFFFFFE0] =	vst v15;
	v15 =	vshrl.u32 v16, $0x3  }
0x20e: {  	v17 =	vpop (erf);
	v14 =	vmul.u32 $0x90, v14;
	v15 =	vshll.u32 v15, $0x3  }
0x20f: {  	v16 =	vpop (erf);
	[tilespmem:s31+$0xFFFFFFF0] =	vst v17  }
0x210: {  	s24 =	sadd.s32 $0x40, s31;
	[tilespmem:s31+$0x0] =	vst v16;
	v16 =	vpop (erf);
	v14 =	vor.u32 v14, v15  }
0x211: {  	[tilespmem:s24+$0x10] =	vst v16;
	v14 =	vbroadcast v14, $0x0;
	v15 =	vpop (erf)  }
0x212: {  	[tilespmem:s24+$0xFFFFFFE0] =	vst v15;
	v15 =	vpop (erf)  }
0x213: {  	s25 =	simm.s32 $0x8;
	v21 =	vadd.s32 v9, v14;
	[tilespmem:s24+$0xFFFFFFF0] =	vst v15;
	v15 =	vpop (erf)  }
0x214: {  	s1 =	sand.u32 $0x78, s25;
	[tilespmem:s24+$0x0] =	vst v15  }
0x215: {  	s25 =	simm.s32 $0x0;
	s31 =	simm.s32 $0x1;
	v23 =	vadd.s32 v1, v14;
	_ =	swait.ge [sflag:s30], $0x2400  }
0x216: {  	s10 =	sand.u32 $0x1FFFFFF0, s31;
	v25 =	vadd.s32 v3, v14;
	s24 =	simm.s32 $0x0;
	[sflag:s30] =	ssyncset.done $0x0  }
0x217: {  	s25 =	sand.u32 $0x3FFFFFC0, s25;
	v16 =	vmov s1;
	v26 =	vadd.s32 v4, v14;
	v15 =	vmov s10;
	s10 =	sand.u32 $0x30, s24;
	[sflag:s30] =	ssyncadd.s32 $0xFFFFDC00  }
0x218: {  	v16 =	vshrl.u32 v16, $0x3;
	v27 =	vadd.s32 v5, v14;
	v15 =	vmul.u32 $0x90, v15;
	s1 =	sor.u32 s10, s25;
	v19 =	vld.idx.msk [tilespmem:v21+s9+$0x0], $0xffff  }
0x219: {  	v16 =	vshll.u32 v16, $0x3;
	v28 =	vadd.s32 v6, v14;
	v29 =	vld [tilespmem:s1+$0x1D510]  }
0x21a: {  	v31 =	vadd.s32 v7, v14;
	v15 =	vor.u32 v15, v16;
	v16 =	vld.idx.msk [tilespmem:v23+s9+$0x0], $0xffff  }
0x21b: {  	v30 =	vbroadcast v15, $0x0;
	v24 =	vld.idx.msk [tilespmem:v25+s9+$0x0], $0xffff  }
0x21c: {  	v17 =	vadd.s32 v8, v14;
	v32 =	vld.idx.msk [tilespmem:v26+s9+$0x0], $0xffff  }
0x21d: {  	v33 =	vld.idx.msk [tilespmem:v27+s9+$0x0], $0xffff;
	v22 =	vadd.s32 v9, v30  }
0x21e: {  	v34 =	vld.idx.msk [tilespmem:v28+s9+$0x0], $0xffff;
	v18 =	vadd.s32 v1, v30  }
0x21f: {  	s28 =	simm.s32 $0x10;
	s29 =	simm.s32 $0x4;
	v36 =	vld.idx.msk [tilespmem:v31+s9+$0x0], $0xffff;
	v15 =	vadd.s32 v4, v30;
	v20 =	vadd.s32 v5, v30;
	v35 =	vmul.f32 v19, v29  }
0x220: {  	s31 =	simm.s32 $0x2;
	s25 =	simm.s32 $0x4;
	s1 =	sand.u32 $0x78, s28;
	v14 =	vadd.s32 v6, v30;
	v19 =	vadd.s32 v3, v30;
	v37 =	vmul.f32 v16, v29  }
0x221: {  	s29 =	sand.u32 $0x3FFFFFC0, s29;
	s10 =	sand.u32 $0x1FFFFFF0, s31;
	s31 =	sand.u32 $0x30, s25;
	v38 =	vld.idx.msk [tilespmem:v17+s9+$0x0], $0xffff;
	v62 =	vmov s1;
	v16 =	vadd.s32 v7, v30;
	[tilespmem:v21+s21+$0x0] =	vst.idx.msk $0xffff, v35;
	v21 =	vmul.f32 v24, v29  }
0x222: {  	s31 =	sor.u32 s31, s29;
	v61 =	vmul.f32 v32, v29;
	v32 =	vshrl.u32 v62, $0x3;
	v24 =	vmov s10;
	v39 =	vld.idx.msk [tilespmem:v22+s9+$0x0], $0xffff;
	[tilespmem:v23+s21+$0x0] =	vst.idx.msk $0xffff, v37  }
0x223: {  	v23 =	vmul.f32 v33, v29;
	v63 =	vmul.u32 $0x90, v24;
	v24 =	vld [tilespmem:s31+$0x1D510];
	[tilespmem:v25+s21+$0x0] =	vst.idx.msk $0xffff, v21;
	v21 =	vmul.f32 v34, v29  }
0x224: {  	[tilespmem:v26+s21+$0x0] =	vst.idx.msk $0xffff, v61;
	v26 =	vmul.f32 v36, v29;
	v25 =	vshll.u32 v32, $0x3;
	v32 =	vld.idx.msk [tilespmem:v18+s9+$0x0], $0xffff  }
0x225: {  	v34 =	vld.idx.msk [tilespmem:v15+s9+$0x0], $0xffff;
	v25 =	vor.u32 v63, v25;
	[tilespmem:v28+s21+$0x0] =	vst.idx.msk $0xffff, v21;
	v21 =	vadd.s32 v8, v30  }
0x226: {  	[tilespmem:v27+s21+$0x0] =	vst.idx.msk $0xffff, v23;
	v35 =	vld.idx.msk [tilespmem:v19+s9+$0x0], $0xffff;
	v33 =	vbroadcast v25, $0x0  }
0x227: {  	v36 =	vmul.f32 v38, v29;
	[tilespmem:v31+s21+$0x0] =	vst.idx.msk $0xffff, v26;
	v29 =	vld.idx.msk [tilespmem:v14+s9+$0x0], $0xffff  }
0x228: {  	v30 =	vld.idx.msk [tilespmem:v20+s9+$0x0], $0xffff;
	v26 =	vadd.s32 v1, v33;
	v28 =	vadd.s32 v9, v33;
	v37 =	vmul.f32 v39, v24  }
0x229: {  	s29 =	simm.s32 $0x10;
	v31 =	vld.idx.msk [tilespmem:v16+s9+$0x0], $0xffff;
	v27 =	vadd.s32 v3, v33;
	v25 =	vadd.s32 v4, v33;
	v23 =	vadd.s32 v5, v33  }
.LBB2_15:
0x22a: {  	s28 =	sadd.s32 $0x8, s28;
	v38 =	vadd.s32 v6, v33;
	v39 =	vadd.s32 v7, v33;
	v40 =	vld.idx.msk [tilespmem:v21+s9+$0x0], $0xffff;
	[tilespmem:v22+s21+$0x0] =	vst.idx.msk $0xffff, v37;
	s25 =	sadd.s32 $0x4, s25  }
0x22b: {  	s29 =	sshrl.u32 s29, $0x1;
	v41 =	vadd.s32 v8, v33;
	v32 =	vmul.f32 v32, v24;
	v33 =	vmul.f32 v35, v24;
	v37 =	vmovc v24;
	s1 =	sand.u32 $0x78, s28;
	s10 =	sshrl.u32 s28, $0x3  }
0x22c: {  	v22 =	vmovc v28;
	s31 =	sand.u32 $0x30, s25;
	s29 =	sand.u32 $0x3FFFFFC0, s29;
	v34 =	vmul.f32 v34, v37;
	s10 =	sand.u32 $0x1FFFFFF0, s10;
	[tilespmem:v17+s21+$0x0] =	vst.idx.msk $0xffff, v36;
	v17 =	vmov v21;
	v21 =	vmov v41  }
0x22d: {  	p1 =	slt.u32 s28, $0x1F8;
	v35 =	vmov s1;
	s1 =	sor.u32 s31, s29;
	s29 =	smov.u32 s28;
	v24 =	vmov s10;
	v41 =	vld.idx.msk [tilespmem:v28+s9+$0x0], $0xffff;
	[tilespmem:v18+s21+$0x0] =	vst.idx.msk $0xffff, v32;
	v28 =	vmul.f32 v30, v37;
	v18 =	vmovc v26  }
0x22e: {  	v30 =	vshrl.u32 v35, $0x3;
	v29 =	vmul.f32 v29, v37;
	v35 =	vmul.u32 $0x90, v24;
	v24 =	vld [tilespmem:s1+$0x1D510];
	[tilespmem:v19+s21+$0x0] =	vst.idx.msk $0xffff, v33;
	v19 =	vmovc v27  }
0x22f: {  	v30 =	vshll.u32 v30, $0x3;
	v32 =	vld.idx.msk [tilespmem:v26+s9+$0x0], $0xffff;
	[tilespmem:v15+s21+$0x0] =	vst.idx.msk $0xffff, v34;
	v26 =	vmul.f32 v31, v37;
	v15 =	vmov v25  }
.Ltmp9:
0x230: {  	v36 =	vmul.f32 v40, v37;
	v30 =	vor.u32 v35, v30;
	v35 =	vld.idx.msk [tilespmem:v27+s9+$0x0], $0xffff;
	[tilespmem:v20+s21+$0x0] =	vst.idx.msk $0xffff, v28;
	(pc) =	sbr.rel @p1 .LBB2_15-.Ltmp9, $4  }
0x231: {  	v20 =	vmov v23;
	v33 =	vbroadcast v30, $0x0;
	v34 =	vld.idx.msk [tilespmem:v25+s9+$0x0], $0xffff;
	[tilespmem:v14+s21+$0x0] =	vst.idx.msk $0xffff, v29;
	v14 =	vmov v38  }
0x232: {  	v30 =	vld.idx.msk [tilespmem:v23+s9+$0x0], $0xffff;
	[tilespmem:v16+s21+$0x0] =	vst.idx.msk $0xffff, v26;
	v16 =	vmov v39  }
0x233: {  	v26 =	vadd.s32 v1, v33;
	v28 =	vadd.s32 v9, v33;
	v29 =	vld.idx.msk [tilespmem:v38+s9+$0x0], $0xffff;
	v37 =	vmul.f32 v41, v24  }
0x234: {  	v27 =	vadd.s32 v3, v33;
	v25 =	vadd.s32 v4, v33;
	v23 =	vadd.s32 v5, v33;
	v31 =	vld.idx.msk [tilespmem:v39+s9+$0x0], $0xffff  }
0x235: {  	_ =	sdelay $0x2  }
0x236: {  	s1 =	sadd.s32 $0x4, s25;
	s10 =	sshrl.u32 s29, $0x1  }
0x237: {  	[tilespmem:v22+s21+$0x0] =	vst.idx.msk $0xffff, v37;
	v48 =	vmul.f32 v32, v24;
	v49 =	vld.idx.msk [tilespmem:v28+s9+$0x0], $0xffff;
	s1 =	sand.u32 $0x30, s1;
	s10 =	sand.u32 $0x3FFFFFC0, s10  }
0x238: {  	v35 =	vmul.f32 v35, v24;
	[tilespmem:v17+s21+$0x0] =	vst.idx.msk $0xffff, v36;
	v52 =	vld.idx.msk [tilespmem:v21+s9+$0x0], $0xffff;
	s1 =	sor.u32 s1, s10  }
0x239: {  	v51 =	vadd.s32 v6, v33;
	v34 =	vmul.f32 v34, v24;
	[tilespmem:v18+s21+$0x0] =	vst.idx.msk $0xffff, v48;
	v50 =	vld [tilespmem:s1+$0x1D510]  }
0x23a: {  	v53 =	vadd.s32 v7, v33;
	v55 =	vld.idx.msk [tilespmem:v26+s9+$0x0], $0xffff;
	v54 =	vmul.f32 v30, v24;
	[tilespmem:v19+s21+$0x0] =	vst.idx.msk $0xffff, v35  }
0x23b: {  	v56 =	vadd.s32 v8, v33;
	v29 =	vmul.f32 v29, v24;
	[tilespmem:v15+s21+$0x0] =	vst.idx.msk $0xffff, v34;
	v15 =	vld.idx.msk [tilespmem:v27+s9+$0x0], $0xffff  }
0x23c: {  	v57 =	vld.idx.msk [tilespmem:v25+s9+$0x0], $0xffff;
	v31 =	vmul.f32 v31, v24;
	[tilespmem:v20+s21+$0x0] =	vst.idx.msk $0xffff, v54  }
0x23d: {  	[tilespmem:v14+s21+$0x0] =	vst.idx.msk $0xffff, v29;
	v14 =	vld.idx.msk [tilespmem:v23+s9+$0x0], $0xffff;
	v59 =	vmul.f32 v52, v24  }
0x23e: {  	v60 =	vld.idx.msk [tilespmem:v51+s9+$0x0], $0xffff;
	[tilespmem:v16+s21+$0x0] =	vst.idx.msk $0xffff, v31;
	v58 =	vmul.f32 v49, v50  }
0x23f: {  	v61 =	vld.idx.msk [tilespmem:v53+s9+$0x0], $0xffff;
	[tilespmem:v21+s21+$0x0] =	vst.idx.msk $0xffff, v59;
	v19 =	vmul.f32 v55, v50  }
0x240: {  	v62 =	vld.idx.msk [tilespmem:v56+s9+$0x0], $0xffff;
	v15 =	vmul.f32 v15, v50;
	[tilespmem:v28+s21+$0x0] =	vst.idx.msk $0xffff, v58  }
0x241: {  	v20 =	vmul.f32 v57, v50;
	[tilespmem:v26+s21+$0x0] =	vst.idx.msk $0xffff, v19  }
0x242: {  	p2 =	por $0x1, $0x1;
	v14 =	vmul.f32 v14, v50;
	[tilespmem:v27+s21+$0x0] =	vst.idx.msk $0xffff, v15  }
.Ltmp10:
0x243: {  	v15 =	vmul.f32 v60, v50;
	[tilespmem:v25+s21+$0x0] =	vst.idx.msk $0xffff, v20;
	(pc) =	sbr.rel @!p2 .LBB2_17-.Ltmp10, $4  }
0x244: {  	v63 =	vmul.f32 v61, v50;
	[tilespmem:v23+s21+$0x0] =	vst.idx.msk $0xffff, v14;
	v14 =	vmov s24  }
0x245: {  	v17 =	vmul.f32 v62, v50;
	[tilespmem:v51+s21+$0x0] =	vst.idx.msk $0xffff, v15;
	v14 =	vmul.u32 $0x90, v14  }
0x246: {  	[tilespmem:v53+s21+$0x0] =	vst.idx.msk $0xffff, v63  }
0x247: {  	p1 =	por $0x0, $0x0;
	s24 =	simm.s32 $0x1D530;
	[tilespmem:v56+s21+$0x0] =	vst.idx.msk $0xffff, v17;
	v14 =	vbroadcast v14, $0x0  }
0x248: {  	p2 =	por $0x1, $0x1  }
.Ltmp11:
0x249: {  	s25 =	simm.s32 $0x10;
	(pc) =	sbr.rel @!p2 .LBB2_20-.Ltmp11, $4  }
0x24a: {  	v16 =	vld [tilespmem:s24+$0xFFFFFFE0];
	v18 =	vmov s25;
	v19 =	vadd.s32 v10, v14  }
0x24b: {  	v17 =	vld [tilespmem:s24+$0xFFFFFFF0];
	v20 =	vadd.s32 v11, v14;
	v23 =	vmul.u32 $0x90, v18  }
0x24c: {  	v22 =	vld [tilespmem:s24+$0x0];
	v21 =	vadd.s32 v12, v14  }
0x24d: {  	v15 =	vld [tilespmem:s24+$0x10];
	s28 =	simm.s32 $0x4;
	s24 =	simm.s32 $0x1D570;
	p1 =	por $0x1, $0x1;
	v18 =	vadd.s32 v13, v14;
	v14 =	vbroadcast v23, $0x0  }
.LBB2_19:
0x24e: {  	s28 =	sadd.s32 $0x4, s28  }
0x24f: {  	v23 =	vld [tilespmem:s24+$0x10];
	[tilespmem:v19+s21+$0x0] =	vst.idx.msk $0xffff, v16;
	p2 =	slt.u32 s28, $0xC  }
.Ltmp12:
0x250: {  	s25 =	sadd.s32 $0x10, s25;
	v16 =	vld [tilespmem:s24+$0xFFFFFFE0];
	v19 =	vadd.s32 v10, v14;
	[tilespmem:v20+s21+$0x0] =	vst.idx.msk $0xffff, v17;
	v20 =	vadd.s32 v11, v14;
	(pc) =	sbr.rel @p2 .LBB2_19-.Ltmp12, $3  }
0x251: {  	v24 =	vmov s25;
	v25 =	vadd.s32 v13, v14;
	v17 =	vld [tilespmem:s24+$0xFFFFFFF0];
	[tilespmem:v21+s21+$0x0] =	vst.idx.msk $0xffff, v22;
	v21 =	vadd.s32 v12, v14  }
0x252: {  	v14 =	vmul.u32 $0x90, v24;
	v22 =	vld [tilespmem:s24+$0x0];
	[tilespmem:v18+s21+$0x0] =	vst.idx.msk $0xffff, v15;
	v18 =	vmov v25;
	_ =	sdelay $0x1  }
0x253: {  	s24 =	sadd.s32 $0x40, s24;
	v14 =	vbroadcast v14, $0x0;
	v15 =	vmov v23  }
.LBB2_20:
0x254: {  	_ =	sdelay $0x2  }
0x255: {  	v23 =	vld [tilespmem:s24+$0xFFFFFFE0];
	v24 =	vadd.s32 v10, v14  }
0x256: {  	v60 =	vld [tilespmem:s24+$0xFFFFFFF0];
	[tilespmem:v19+s21+$0x0] =	vst.idx.msk @p1 $0xffff, v16;
	v59 =	vadd.s32 v11, v14  }
0x257: {  	v62 =	vld [tilespmem:s24+$0x0];
	v61 =	vadd.s32 v12, v14;
	[tilespmem:v20+s21+$0x0] =	vst.idx.msk @p1 $0xffff, v17  }
0x258: {  	v63 =	vld [tilespmem:s24+$0x10];
	s22 =	sadd.s32 $0x1, s22;
	v14 =	vadd.s32 v13, v14;
	[tilespmem:v21+s21+$0x0] =	vst.idx.msk @p1 $0xffff, v22  }
0x259: {  	[tilespmem:v18+s21+$0x0] =	vst.idx.msk @p1 $0xffff, v15;
	p1 =	sne.s32 s22, s17  }
.Ltmp13:
0x25a: {  	[tilespmem:v24+s21+$0x0] =	vst.idx.msk $0xffff, v23;
	(pc) =	sbr.rel @p1 .LBB2_4-.Ltmp13, $4  }
.Ltmp14:
0x25b: {  	[tilespmem:v59+s21+$0x0] =	vst.idx.msk $0xffff, v60;
	(pc) =	sbr.rel @!p1 .LBB2_21-.Ltmp14, $4  }
0x25c: {  	[tilespmem:v61+s21+$0x0] =	vst.idx.msk $0xffff, v62  }
0x25d: {  	[tilespmem:v14+s21+$0x0] =	vst.idx.msk $0xffff, v63  }
0x25e: {  	[spmem:s14] =	stream.indirect.scatter.add.f32 [tilespmem:s21], [sflag:$0x3], $0x90, s0, s6, $0xb8;
	[tilespmem:$0x1D610] =	vst v63  }
0x25f: {  	_ = 	snop  }
.LBB2_9:
.Ltmp15:
0x260: {  	(pc) =	sbr.rel .LBB2_12-.Ltmp15, $2  }
0x261: {  	_ =	sdelay $0x2  }
0x262: {  	s25 =	simm.s32 $0x1D530  }
.LBB2_17:
.Ltmp16:
0x263: {  	(pc) =	sbr.rel .LBB2_20-.Ltmp16, $2  }
0x264: {  	_ =	sdelay $0x2  }
0x265: {  	_ = 	snop  }
.LBB2_22:
0x266: {  	_ =	sfence.sel $0x180000  }
0x267: {  	[bflag:$0x0] =	sbarrier.arrive $0xFFFF  }
0x268: {  	_ =	strace $0x90000047  }
0x269: {  	s0 =	stileid.u32;
	[bflag:$0x2] =	sbarrier.arrive $0xFFFF  }
0x26a: {  	p0 =	sne.s32 s0, $0x0;
	s0 =	rddreg [dreg:$0x3]  }
0x26b: {  	s0 =	sadd.s32 @!p0 $0x100000, s0  }
0x26c: {  	[sflag:s0] =	ssyncadd.tile.s32 @!p0 $0x1;
	_ =	shalt  }
.Lfunc_end2:
_tile_overlayer_lowered:
.L_overlay_start_2:
0x26d: {  	(tag) =	ssettag $0x2  }
0x26e: {  	s0 =	rddreg [dreg:$0x0];
	s2 =	stileid.u32  }
0x26f: {  	s1 =	rddreg [dreg:$0x1];
	p0 =	sne.s32 s2, $0x0  }
0x270: {  	s3 =	rddreg [dreg:$0x2];
	[bflag:$0x3] =	sbarrier.arrive $0xFFFF;
	s2 =	simm.s32 @!p0 $0x1C04  }
0x271: {  	[timem:s3], [sflag:s2] =	dma.local @!p0 [hbm:s0], s1  }
0x272: {  	s0 =	simm.s32 @!p0 $0x4  }
0x273: {  	_ =	swait.ge @!p0 [sflag:s0], s1  }
0x274: {  	s1 =	ssub.s32 @!p0 $0x0, s1;
	[sflag:s0] =	ssyncset.done @!p0 $0x0  }
0x275: {  	[sflag:s0] =	ssyncadd.s32 @!p0 s1  }
0x276: {  	[bflag:$0x3] =	sbarrier.arrive $0xFFFF  }
0x277: {  	_ =	shalt  }

</sc_bundles>
